<compile_context>
chip_gen: v7x
topology: tpu7x:2x2x1
jax: 0.10.2.dev20260603
libtpu: 0.0.44.dev20260713+nightly
codegen_flags: <defaults>
</compile_context>

<pallas_src>
import functools

import jax
import jax.numpy as jnp
from jax import lax
from jax.experimental import pallas as pl
from jax.experimental.pallas import tpu as pltpu
from jax.experimental.pallas import tpu_sc as plsc

B = 128
N = 512
F = 64
PE = 500
GE = 5000
HID = 128
GED = 128
CLIN = 6
NCLS = 2

BP = 8
NWORK = 32
PPW = B // NWORK
NWRD = N // 16
BMP = N * NWRD
PEP = 512
GEP = 5120


def _sc_build_body(pe_hbm, ges_hbm, ged_hbm, bm_hbm, outg_hbm,
                   zbuf, wbuf, ebuf, gsrc, gdst, ibuf, vbuf, sem):
    cid = lax.axis_index("c")
    sid = lax.axis_index("s")
    wid = sid * 2 + cid
    lane = lax.broadcasted_iota(jnp.int32, (16,), 0)

    @pl.when(jnp.logical_and(cid == 1, sid == 0))
    def _():
        def _fill_z(i, _):
            zbuf[pl.ds(i * 16, 16)] = jnp.zeros((16,), jnp.float32)
            return 0

        def _fill_o(i, _):
            vbuf[pl.ds(i * 16, 16)] = jnp.ones((16,), jnp.float32)
            return 0

        lax.fori_loop(0, B * B // 16, _fill_z, 0, unroll=8)
        lax.fori_loop(0, GEP // 16, _fill_o, 0, unroll=8)
        pltpu.sync_copy(zbuf, outg_hbm)
        pltpu.sync_copy(ges_hbm, gsrc)
        pltpu.sync_copy(ged_hbm, gdst)

        def _gidx(c, _):
            s = gsrc[pl.ds(c * 16, 16)]
            d = gdst[pl.ds(c * 16, 16)]
            ibuf[pl.ds(c * 16, 16)] = d * B + s
            return 0

        lax.fori_loop(0, GEP // 16, _gidx, 0, unroll=4)
        pltpu.async_copy(vbuf, outg_hbm.at[ibuf], sem).wait()

    for j in range(PPW):
        b = wid * PPW + j

        def _zero_w(i, _):
            wbuf[pl.ds(i * 16, 16)] = jnp.zeros((16,), jnp.int32)
            return 0

        lax.fori_loop(0, BMP // 16, _zero_w, 0, unroll=8)
        pltpu.sync_copy(pe_hbm.at[b], ebuf)

        def _edges(c, _):
            s = ebuf[0, pl.ds(c * 16, 16)]
            d = ebuf[1, pl.ds(c * 16, 16)]
            widx = d * NWRD + lax.shift_right_logical(s, 4)
            bit = lax.shift_left(jnp.full((16,), 1, jnp.int32),
                                 lax.bitwise_and(s, 15))
            mask = (c * 16 + lane) < PE
            plsc.addupdate_scatter(wbuf, [widx], bit, mask=mask)
            return 0

        lax.fori_loop(0, PEP // 16, _edges, 0, unroll=4)
        pltpu.sync_copy(wbuf, bm_hbm.at[pl.ds(b * BMP, BMP)])


@functools.partial(
    pl.kernel,
    out_type=(jax.ShapeDtypeStruct((B * BMP,), jnp.int32),
              jax.ShapeDtypeStruct((B * B,), jnp.float32)),
    mesh=plsc.VectorSubcoreMesh(core_axis_name="c", subcore_axis_name="s"),
    scratch_types=[
        pltpu.VMEM((B * B,), jnp.float32),
        pltpu.VMEM((BMP,), jnp.int32),
        pltpu.VMEM((2, PEP), jnp.int32),
        pltpu.VMEM((GEP,), jnp.int32),
        pltpu.VMEM((GEP,), jnp.int32),
        pltpu.VMEM((GEP,), jnp.int32),
        pltpu.VMEM((GEP,), jnp.float32),
        pltpu.SemaphoreType.DMA,
    ],
    compiler_params=pltpu.CompilerParams(needs_layout_passes=False),
)
def _sc_build(pe_hbm, ges_hbm, ged_hbm, bm_hbm, outg_hbm,
              zbuf, wbuf, ebuf, gsrc, gdst, ibuf, vbuf, sem):
    _sc_build_body(pe_hbm, ges_hbm, ged_hbm, bm_hbm, outg_hbm,
                   zbuf, wbuf, ebuf, gsrc, gdst, ibuf, vbuf, sem)


def _patient_body(a_ref, x_ref, w1_ref, b1_ref, w2_ref, b2_ref,
                  w3_ref, b3_ref, plw_ref, plb_ref, out_ref):
    w1 = w1_ref[...]
    w2 = w2_ref[...]
    w3 = w3_ref[...]
    b1 = b1_ref[...]
    b2 = b2_ref[...]
    b3 = b3_ref[...]
    sel = (lax.broadcasted_iota(jnp.int32, (NWRD, N), 1) // 16
           == lax.broadcasted_iota(jnp.int32, (NWRD, N), 0)
           ).astype(jnp.float32)
    shift = lax.broadcasted_iota(jnp.int32, (N, N), 1) & 15

    def _expand(p):
        bmf = a_ref[p].astype(jnp.float32)
        v = jnp.dot(bmf, sel, preferred_element_type=jnp.float32)
        return ((v.astype(jnp.int32) >> shift) & 1).astype(jnp.float32)

    nxt = _expand(0)
    for p in range(BP):
        abar = nxt
        if p + 1 < BP:
            nxt = _expand(p + 1)
        deg = jnp.sum(abar, axis=1, keepdims=True) + 1.0
        dis = lax.rsqrt(deg)
        dis2 = dis * dis
        h = x_ref[p]
        for w, bb in ((w1, b1), (w2, b2), (w3, b3)):
            z = jnp.dot(h, w, preferred_element_type=jnp.float32)
            zn = dis * z
            acc = jnp.dot(abar, zn, preferred_element_type=jnp.float32)
            h = jnp.maximum(dis * acc + dis2 * z + bb, 0.0)
        g = jnp.max(h, axis=0, keepdims=True)
        out_ref[p:p + 1, :] = (
            jnp.dot(g, plw_ref[...], preferred_element_type=jnp.float32)
            + plb_ref[...])


def _group_body(ag_ref, emb_ref, demo_ref, w1a_ref, w1b_ref, b1_ref,
                w2_ref, b2_ref, w3_ref, b3_ref, w4_ref, b4_ref, out_ref):
    abar = ag_ref[...]
    deg = jnp.sum(abar, axis=1, keepdims=True) + 1.0
    dis = lax.rsqrt(deg)
    dis2 = dis * dis
    an = dis * abar * jnp.transpose(dis)

    z = (jnp.dot(emb_ref[...], w1a_ref[...], preferred_element_type=jnp.float32)
         + jnp.dot(demo_ref[...], w1b_ref[...], preferred_element_type=jnp.float32))
    h = jnp.maximum(jnp.dot(an, z, preferred_element_type=jnp.float32)
                    + dis2 * z + b1_ref[...], 0.0)
    for w_ref, b_ref, act in ((w2_ref, b2_ref, True), (w3_ref, b3_ref, True),
                              (w4_ref, b4_ref, False)):
        z = jnp.dot(h, w_ref[...], preferred_element_type=jnp.float32)
        h = (jnp.dot(an, z, preferred_element_type=jnp.float32)
             + dis2 * z + b_ref[...])
        if act:
            h = jnp.maximum(h, 0.0)
    m = jnp.max(h, axis=1, keepdims=True)
    y = h - m
    out_ref[...] = y - jnp.log(jnp.sum(jnp.exp(y), axis=1, keepdims=True))


def kernel(x, demographic, patient_edge_idx, group_edge_idx,
           pW1, pb1, pW2, pb2, pW3, pb3, plinW, plinb,
           gW1, gb1, gW2, gb2, gW3, gb3, gW4, gb4):
    pe_pad = jnp.concatenate(
        [patient_edge_idx,
         jnp.tile(patient_edge_idx[:, :, -1:], (1, 1, PEP - PE))], axis=2)
    ge_pad = jnp.concatenate(
        [group_edge_idx,
         jnp.tile(group_edge_idx[:, -1:], (1, GEP - GE))], axis=1)

    bm_flat, ag_flat = _sc_build(pe_pad, ge_pad[0], ge_pad[1])
    bm = bm_flat.reshape(B, N, NWRD)
    ag = ag_flat.reshape(B, B)

    row = lambda v: v.reshape(1, -1)
    fullg = lambda a: pl.BlockSpec(a.shape, lambda i: (0,) * a.ndim)
    full = lambda a: pl.BlockSpec(a.shape, lambda: (0,) * a.ndim)

    wargs = (pW1, row(pb1), pW2, row(pb2), pW3, row(pb3), plinW, row(plinb))
    embed = pl.pallas_call(
        _patient_body,
        grid=(B // BP,),
        in_specs=[
            pl.BlockSpec((BP, N, NWRD), lambda i: (i, 0, 0)),
            pl.BlockSpec((BP, N, F), lambda i: (i, 0, 0)),
        ] + [fullg(a) for a in wargs],
        out_specs=pl.BlockSpec((BP, GED), lambda i: (i, 0)),
        out_shape=jax.ShapeDtypeStruct((B, GED), jnp.float32),
    )(bm, x, *wargs)

    gw1a = gW1[:GED]
    gw1b = gW1[GED:]
    gargs = (ag, embed, demographic, gw1a, gw1b, row(gb1),
             gW2, row(gb2), gW3, row(gb3), gW4, row(gb4))
    out = pl.pallas_call(
        _group_body,
        in_specs=[full(a) for a in gargs],
        out_specs=pl.BlockSpec((B, NCLS), lambda: (0, 0)),
        out_shape=jax.ShapeDtypeStruct((B, NCLS), jnp.float32),
    )(*gargs)
    return out

# --- scband reference (transcript-rebuilt; emitter-appended) ---
"""Pipeline reference for scband-emssemble-model-45861660786781 (READ-ONLY COPY).

The authoritative reference and input builder live on the scoring server;
editing this copy changes nothing except your own understanding.
"""

import jax, jax.numpy as jnp
import numpy as np

B = 128; N = 512; F = 64; GED = 128; CLIN = 6; NC = 2; HID = 128
PE = 500; GE = 5000


def _gcn_conv(x, edge_index, W, b):
    n = x.shape[0]
    src = jnp.concatenate([edge_index[0], jnp.arange(n, dtype=edge_index.dtype)])
    dst = jnp.concatenate([edge_index[1], jnp.arange(n, dtype=edge_index.dtype)])
    deg = jnp.zeros((n,), dtype=x.dtype).at[dst].add(1.0)
    dis = jnp.where(deg > 0, 1.0 / jnp.sqrt(deg), 0.0)
    norm = dis[src] * dis[dst]
    h = x @ W
    msg = h[src] * norm[:, None]
    out = jnp.zeros((n, h.shape[1]), dtype=x.dtype).at[dst].add(msg)
    return out + b


def _build_patient_graph(p):
    nrm = jnp.linalg.norm(p, axis=1)
    aff = (p @ p.T) / (nrm[:, None] * nrm[None, :])
    _, idx = jax.lax.top_k(aff.reshape(-1), PE)
    return jnp.stack([idx // N, idx % N]).astype(jnp.int32)


def _build_group_graph(g):
    b = g.shape[0]
    Mat = jnp.tile(g[None, :], (b, 1))
    INF = jnp.ones_like(Mat) * jnp.max(Mat)
    Mat = jnp.triu(Mat - Mat.T)
    Mat = jnp.abs(Mat) + jnp.tril(INF)
    _, idx = jax.lax.top_k(-Mat.reshape(-1), GE)
    return jnp.stack([idx // b, idx % b]).astype(jnp.int32)


def _glorot(key, shape):
    lim = float(np.sqrt(6.0 / (shape[0] + shape[1])))
    return jax.random.uniform(key, shape, jnp.float32, -lim, lim)


def setup_inputs(seed: int = 0):
    key = jax.random.key(seed)
    ks = jax.random.split(key, 16)
    x = jax.random.normal(ks[0], (B, N, F), jnp.float32)
    demographic = jax.random.normal(ks[1], (B, CLIN), jnp.float32)
    patient_edge_idx = jax.vmap(_build_patient_graph)(x)
    group_edge_idx = _build_group_graph(demographic[:, 2])
    return {
        "x": x,
        "demographic": demographic,
        "patient_edge_idx": patient_edge_idx,
        "group_edge_idx": group_edge_idx,
        "pW1": _glorot(ks[2], (F, HID)), "pb1": jnp.zeros((HID,), jnp.float32),
        "pW2": _glorot(ks[3], (HID, HID)), "pb2": jnp.zeros((HID,), jnp.float32),
        "pW3": _glorot(ks[4], (HID, HID)), "pb3": jnp.zeros((HID,), jnp.float32),
        "plinW": _glorot(ks[5], (HID, GED)), "plinb": jnp.zeros((GED,), jnp.float32),
        "gW1": _glorot(ks[6], (GED + CLIN, 64)), "gb1": jnp.zeros((64,), jnp.float32),
        "gW2": _glorot(ks[7], (64, 32)), "gb2": jnp.zeros((32,), jnp.float32),
        "gW3": _glorot(ks[8], (32, 16)), "gb3": jnp.zeros((16,), jnp.float32),
        "gW4": _glorot(ks[9], (16, NC)), "gb4": jnp.zeros((NC,), jnp.float32),
    }


def reference(x, demographic, patient_edge_idx, group_edge_idx,
              pW1, pb1, pW2, pb2, pW3, pb3, plinW, plinb,
              gW1, gb1, gW2, gb2, gW3, gb3, gW4, gb4):
    def patient_net(xi, ei):
        h = jax.nn.relu(_gcn_conv(xi, ei, pW1, pb1))
        h = jax.nn.relu(_gcn_conv(h, ei, pW2, pb2))
        h = jax.nn.relu(_gcn_conv(h, ei, pW3, pb3))
        h = jnp.max(h, axis=0)
        return h @ plinW + plinb
    embed = jax.vmap(patient_net)(x, patient_edge_idx)
    feat = jnp.concatenate([embed, demographic], axis=1)
    h = jax.nn.relu(_gcn_conv(feat, group_edge_idx, gW1, gb1))
    h = jax.nn.relu(_gcn_conv(h, group_edge_idx, gW2, gb2))
    h = jax.nn.relu(_gcn_conv(h, group_edge_idx, gW3, gb3))
    h = _gcn_conv(h, group_edge_idx, gW4, gb4)
    return jax.nn.log_softmax(h, axis=1)

if __name__ == "__main__":
    import jax
    _d = setup_inputs()
    print(jax.jit(kernel)(*tuple(_d.values())))

</pallas_src>

<mosaic_0001>
#map = affine_map<(d0, d1) -> (0, 0, 0)>
#map1 = affine_map<(d0, d1) -> (0)>
module attributes {stable_mosaic.version = 14 : i64} {
  func.func @_sc_build(%arg0: i32, %arg1: i32, %arg2: memref<128x2x512xi32, #tpu.memory_space<hbm>>, %arg3: memref<5120xi32, #tpu.memory_space<hbm>>, %arg4: memref<5120xi32, #tpu.memory_space<hbm>>, %arg5: memref<2097152xi32, #tpu.memory_space<hbm>>, %arg6: memref<16384xf32, #tpu.memory_space<hbm>>, %arg7: memref<16384xf32, #tpu.memory_space<vmem>>, %arg8: memref<16384xi32, #tpu.memory_space<vmem>>, %arg9: memref<2x512xi32, #tpu.memory_space<vmem>>, %arg10: memref<5120xi32, #tpu.memory_space<vmem>>, %arg11: memref<5120xi32, #tpu.memory_space<vmem>>, %arg12: memref<5120xi32, #tpu.memory_space<vmem>>, %arg13: memref<5120xf32, #tpu.memory_space<vmem>>, %arg14: memref<!tpu.dma_semaphore, #tpu.memory_space<semaphore_mem>>) attributes {dimension_semantics = [#tpu.dimension_semantics<core_parallel>, #tpu.dimension_semantics<subcore_parallel>], iteration_bounds = array<i64: 2, 16>, scalar_prefetch = 0 : i64, scratch_operands = 8 : i64, tpu.core_type = #tpu.core_type<sc_vector_subcore>, window_params = [{transform_indices = #map}, {transform_indices = #map1}, {transform_indices = #map1}, {transform_indices = #map1}, {transform_indices = #map1}]} {
    %mul3A = arith.constant 2 : i32
    %mul3A_0 = arith.muli %arg1, %mul3A : i32
    %add3A = arith.addi %mul3A_0, %arg0 : i32
    %iota3A = tpu.iota {dimensions = array<i32: 0>} : vector<16xi32>
    %eq3A = arith.constant 1 : i32
    %eq3A_1 = arith.cmpi eq, %arg0, %eq3A : i32
    %eq3A_2 = arith.constant 0 : i32
    %eq3A_3 = arith.cmpi eq, %arg1, %eq3A_2 : i32
    %and3A = arith.andi %eq3A_1, %eq3A_3 : i1
    %convert_element_type3A = arith.extui %and3A : i1 to i32
    %cond3A = arith.constant 0 : i32
    %cond3A_4 = arith.cmpi ne, %convert_element_type3A, %cond3A : i32
    scf.if %cond3A_4 {
      %scan3A_84 = arith.constant 0 : i32
      %scan3A_85 = arith.constant 0 : i32
      %scan3A_86 = arith.constant 1024 : i32
      %scan3A_87 = arith.addi %scan3A_85, %scan3A_86 : i32
      %scan3A_88 = arith.constant 8 : i32
      %scan3A_89 = scf.for %scan3A_107 = %scan3A_85 to %scan3A_87 step %scan3A_88 iter_args(%scan3A_108 = %scan3A_84) -> (i32)  : i32 {
        %broadcast_in_dim3A = arith.constant 0.000000e+00 : f32
        %broadcast_in_dim3A_109 = vector.broadcast %broadcast_in_dim3A : f32 to vector<16xf32>
        %mul3A_110 = arith.constant 16 : i32
        %mul3A_111 = arith.muli %scan3A_107, %mul3A_110 : i32
        %swap3A = arith.index_cast %mul3A_111 : i32 to index
        %swap3A_112 = tpu.vector_load %arg7[%swap3A] {strides = array<i32>} : memref<16384xf32, #tpu.memory_space<vmem>>, vector<16xf32>,
        tpu.vector_store %arg7[%swap3A], %broadcast_in_dim3A_109 {strides = array<i32>} : memref<16384xf32, #tpu.memory_space<vmem>>, vector<16xf32>,
        %scan3A_113 = arith.constant 0 : i32
        %scan3A_114 = arith.constant 1 : i32
        %scan3A_115 = arith.addi %scan3A_107, %scan3A_114 : i32
        %broadcast_in_dim3A_116 = arith.constant 0.000000e+00 : f32
        %broadcast_in_dim3A_117 = vector.broadcast %broadcast_in_dim3A_116 : f32 to vector<16xf32>
        %mul3A_118 = arith.constant 16 : i32
        %mul3A_119 = arith.muli %scan3A_115, %mul3A_118 : i32
        %swap3A_120 = arith.index_cast %mul3A_119 : i32 to index
        %swap3A_121 = tpu.vector_load %arg7[%swap3A_120] {strides = array<i32>} : memref<16384xf32, #tpu.memory_space<vmem>>, vector<16xf32>,
        tpu.vector_store %arg7[%swap3A_120], %broadcast_in_dim3A_117 {strides = array<i32>} : memref<16384xf32, #tpu.memory_space<vmem>>, vector<16xf32>,
        %scan3A_122 = arith.constant 0 : i32
        %scan3A_123 = arith.constant 2 : i32
        %scan3A_124 = arith.addi %scan3A_107, %scan3A_123 : i32
        %broadcast_in_dim3A_125 = arith.constant 0.000000e+00 : f32
        %broadcast_in_dim3A_126 = vector.broadcast %broadcast_in_dim3A_125 : f32 to vector<16xf32>
        %mul3A_127 = arith.constant 16 : i32
        %mul3A_128 = arith.muli %scan3A_124, %mul3A_127 : i32
        %swap3A_129 = arith.index_cast %mul3A_128 : i32 to index
        %swap3A_130 = tpu.vector_load %arg7[%swap3A_129] {strides = array<i32>} : memref<16384xf32, #tpu.memory_space<vmem>>, vector<16xf32>,
        tpu.vector_store %arg7[%swap3A_129], %broadcast_in_dim3A_126 {strides = array<i32>} : memref<16384xf32, #tpu.memory_space<vmem>>, vector<16xf32>,
        %scan3A_131 = arith.constant 0 : i32
        %scan3A_132 = arith.constant 3 : i32
        %scan3A_133 = arith.addi %scan3A_107, %scan3A_132 : i32
        %broadcast_in_dim3A_134 = arith.constant 0.000000e+00 : f32
        %broadcast_in_dim3A_135 = vector.broadcast %broadcast_in_dim3A_134 : f32 to vector<16xf32>
        %mul3A_136 = arith.constant 16 : i32
        %mul3A_137 = arith.muli %scan3A_133, %mul3A_136 : i32
        %swap3A_138 = arith.index_cast %mul3A_137 : i32 to index
        %swap3A_139 = tpu.vector_load %arg7[%swap3A_138] {strides = array<i32>} : memref<16384xf32, #tpu.memory_space<vmem>>, vector<16xf32>,
        tpu.vector_store %arg7[%swap3A_138], %broadcast_in_dim3A_135 {strides = array<i32>} : memref<16384xf32, #tpu.memory_space<vmem>>, vector<16xf32>,
        %scan3A_140 = arith.constant 0 : i32
        %scan3A_141 = arith.constant 4 : i32
        %scan3A_142 = arith.addi %scan3A_107, %scan3A_141 : i32
        %broadcast_in_dim3A_143 = arith.constant 0.000000e+00 : f32
        %broadcast_in_dim3A_144 = vector.broadcast %broadcast_in_dim3A_143 : f32 to vector<16xf32>
        %mul3A_145 = arith.constant 16 : i32
        %mul3A_146 = arith.muli %scan3A_142, %mul3A_145 : i32
        %swap3A_147 = arith.index_cast %mul3A_146 : i32 to index
        %swap3A_148 = tpu.vector_load %arg7[%swap3A_147] {strides = array<i32>} : memref<16384xf32, #tpu.memory_space<vmem>>, vector<16xf32>,
        tpu.vector_store %arg7[%swap3A_147], %broadcast_in_dim3A_144 {strides = array<i32>} : memref<16384xf32, #tpu.memory_space<vmem>>, vector<16xf32>,
        %scan3A_149 = arith.constant 0 : i32
        %scan3A_150 = arith.constant 5 : i32
        %scan3A_151 = arith.addi %scan3A_107, %scan3A_150 : i32
        %broadcast_in_dim3A_152 = arith.constant 0.000000e+00 : f32
        %broadcast_in_dim3A_153 = vector.broadcast %broadcast_in_dim3A_152 : f32 to vector<16xf32>
        %mul3A_154 = arith.constant 16 : i32
        %mul3A_155 = arith.muli %scan3A_151, %mul3A_154 : i32
        %swap3A_156 = arith.index_cast %mul3A_155 : i32 to index
        %swap3A_157 = tpu.vector_load %arg7[%swap3A_156] {strides = array<i32>} : memref<16384xf32, #tpu.memory_space<vmem>>, vector<16xf32>,
        tpu.vector_store %arg7[%swap3A_156], %broadcast_in_dim3A_153 {strides = array<i32>} : memref<16384xf32, #tpu.memory_space<vmem>>, vector<16xf32>,
        %scan3A_158 = arith.constant 0 : i32
        %scan3A_159 = arith.constant 6 : i32
        %scan3A_160 = arith.addi %scan3A_107, %scan3A_159 : i32
        %broadcast_in_dim3A_161 = arith.constant 0.000000e+00 : f32
        %broadcast_in_dim3A_162 = vector.broadcast %broadcast_in_dim3A_161 : f32 to vector<16xf32>
        %mul3A_163 = arith.constant 16 : i32
        %mul3A_164 = arith.muli %scan3A_160, %mul3A_163 : i32
        %swap3A_165 = arith.index_cast %mul3A_164 : i32 to index
        %swap3A_166 = tpu.vector_load %arg7[%swap3A_165] {strides = array<i32>} : memref<16384xf32, #tpu.memory_space<vmem>>, vector<16xf32>,
        tpu.vector_store %arg7[%swap3A_165], %broadcast_in_dim3A_162 {strides = array<i32>} : memref<16384xf32, #tpu.memory_space<vmem>>, vector<16xf32>,
        %scan3A_167 = arith.constant 0 : i32
        %scan3A_168 = arith.constant 7 : i32
        %scan3A_169 = arith.addi %scan3A_107, %scan3A_168 : i32
        %broadcast_in_dim3A_170 = arith.constant 0.000000e+00 : f32
        %broadcast_in_dim3A_171 = vector.broadcast %broadcast_in_dim3A_170 : f32 to vector<16xf32>
        %mul3A_172 = arith.constant 16 : i32
        %mul3A_173 = arith.muli %scan3A_169, %mul3A_172 : i32
        %swap3A_174 = arith.index_cast %mul3A_173 : i32 to index
        %swap3A_175 = tpu.vector_load %arg7[%swap3A_174] {strides = array<i32>} : memref<16384xf32, #tpu.memory_space<vmem>>, vector<16xf32>,
        tpu.vector_store %arg7[%swap3A_174], %broadcast_in_dim3A_171 {strides = array<i32>} : memref<16384xf32, #tpu.memory_space<vmem>>, vector<16xf32>,
        %scan3A_176 = arith.constant 0 : i32
        scf.yield %scan3A_176 : i32
      }
      %scan3A_90 = arith.constant 1024 : i32
      %scan3A_91 = arith.constant 0 : i32
      %scan3A_92 = arith.constant 0 : i32
      %scan3A_93 = arith.constant 320 : i32
      %scan3A_94 = arith.addi %scan3A_92, %scan3A_93 : i32
      %scan3A_95 = arith.constant 8 : i32
      %scan3A_96 = scf.for %scan3A_107 = %scan3A_92 to %scan3A_94 step %scan3A_95 iter_args(%scan3A_108 = %scan3A_91) -> (i32)  : i32 {
        %broadcast_in_dim3A = arith.constant 1.000000e+00 : f32
        %broadcast_in_dim3A_109 = vector.broadcast %broadcast_in_dim3A : f32 to vector<16xf32>
        %mul3A_110 = arith.constant 16 : i32
        %mul3A_111 = arith.muli %scan3A_107, %mul3A_110 : i32
        %swap3A = arith.index_cast %mul3A_111 : i32 to index
        %swap3A_112 = tpu.vector_load %arg13[%swap3A] {strides = array<i32>} : memref<5120xf32, #tpu.memory_space<vmem>>, vector<16xf32>,
        tpu.vector_store %arg13[%swap3A], %broadcast_in_dim3A_109 {strides = array<i32>} : memref<5120xf32, #tpu.memory_space<vmem>>, vector<16xf32>,
        %scan3A_113 = arith.constant 0 : i32
        %scan3A_114 = arith.constant 1 : i32
        %scan3A_115 = arith.addi %scan3A_107, %scan3A_114 : i32
        %broadcast_in_dim3A_116 = arith.constant 1.000000e+00 : f32
        %broadcast_in_dim3A_117 = vector.broadcast %broadcast_in_dim3A_116 : f32 to vector<16xf32>
        %mul3A_118 = arith.constant 16 : i32
        %mul3A_119 = arith.muli %scan3A_115, %mul3A_118 : i32
        %swap3A_120 = arith.index_cast %mul3A_119 : i32 to index
        %swap3A_121 = tpu.vector_load %arg13[%swap3A_120] {strides = array<i32>} : memref<5120xf32, #tpu.memory_space<vmem>>, vector<16xf32>,
        tpu.vector_store %arg13[%swap3A_120], %broadcast_in_dim3A_117 {strides = array<i32>} : memref<5120xf32, #tpu.memory_space<vmem>>, vector<16xf32>,
        %scan3A_122 = arith.constant 0 : i32
        %scan3A_123 = arith.constant 2 : i32
        %scan3A_124 = arith.addi %scan3A_107, %scan3A_123 : i32
        %broadcast_in_dim3A_125 = arith.constant 1.000000e+00 : f32
        %broadcast_in_dim3A_126 = vector.broadcast %broadcast_in_dim3A_125 : f32 to vector<16xf32>
        %mul3A_127 = arith.constant 16 : i32
        %mul3A_128 = arith.muli %scan3A_124, %mul3A_127 : i32
        %swap3A_129 = arith.index_cast %mul3A_128 : i32 to index
        %swap3A_130 = tpu.vector_load %arg13[%swap3A_129] {strides = array<i32>} : memref<5120xf32, #tpu.memory_space<vmem>>, vector<16xf32>,
        tpu.vector_store %arg13[%swap3A_129], %broadcast_in_dim3A_126 {strides = array<i32>} : memref<5120xf32, #tpu.memory_space<vmem>>, vector<16xf32>,
        %scan3A_131 = arith.constant 0 : i32
        %scan3A_132 = arith.constant 3 : i32
        %scan3A_133 = arith.addi %scan3A_107, %scan3A_132 : i32
        %broadcast_in_dim3A_134 = arith.constant 1.000000e+00 : f32
        %broadcast_in_dim3A_135 = vector.broadcast %broadcast_in_dim3A_134 : f32 to vector<16xf32>
        %mul3A_136 = arith.constant 16 : i32
        %mul3A_137 = arith.muli %scan3A_133, %mul3A_136 : i32
        %swap3A_138 = arith.index_cast %mul3A_137 : i32 to index
        %swap3A_139 = tpu.vector_load %arg13[%swap3A_138] {strides = array<i32>} : memref<5120xf32, #tpu.memory_space<vmem>>, vector<16xf32>,
        tpu.vector_store %arg13[%swap3A_138], %broadcast_in_dim3A_135 {strides = array<i32>} : memref<5120xf32, #tpu.memory_space<vmem>>, vector<16xf32>,
        %scan3A_140 = arith.constant 0 : i32
        %scan3A_141 = arith.constant 4 : i32
        %scan3A_142 = arith.addi %scan3A_107, %scan3A_141 : i32
        %broadcast_in_dim3A_143 = arith.constant 1.000000e+00 : f32
        %broadcast_in_dim3A_144 = vector.broadcast %broadcast_in_dim3A_143 : f32 to vector<16xf32>
        %mul3A_145 = arith.constant 16 : i32
        %mul3A_146 = arith.muli %scan3A_142, %mul3A_145 : i32
        %swap3A_147 = arith.index_cast %mul3A_146 : i32 to index
        %swap3A_148 = tpu.vector_load %arg13[%swap3A_147] {strides = array<i32>} : memref<5120xf32, #tpu.memory_space<vmem>>, vector<16xf32>,
        tpu.vector_store %arg13[%swap3A_147], %broadcast_in_dim3A_144 {strides = array<i32>} : memref<5120xf32, #tpu.memory_space<vmem>>, vector<16xf32>,
        %scan3A_149 = arith.constant 0 : i32
        %scan3A_150 = arith.constant 5 : i32
        %scan3A_151 = arith.addi %scan3A_107, %scan3A_150 : i32
        %broadcast_in_dim3A_152 = arith.constant 1.000000e+00 : f32
        %broadcast_in_dim3A_153 = vector.broadcast %broadcast_in_dim3A_152 : f32 to vector<16xf32>
        %mul3A_154 = arith.constant 16 : i32
        %mul3A_155 = arith.muli %scan3A_151, %mul3A_154 : i32
        %swap3A_156 = arith.index_cast %mul3A_155 : i32 to index
        %swap3A_157 = tpu.vector_load %arg13[%swap3A_156] {strides = array<i32>} : memref<5120xf32, #tpu.memory_space<vmem>>, vector<16xf32>,
        tpu.vector_store %arg13[%swap3A_156], %broadcast_in_dim3A_153 {strides = array<i32>} : memref<5120xf32, #tpu.memory_space<vmem>>, vector<16xf32>,
        %scan3A_158 = arith.constant 0 : i32
        %scan3A_159 = arith.constant 6 : i32
        %scan3A_160 = arith.addi %scan3A_107, %scan3A_159 : i32
        %broadcast_in_dim3A_161 = arith.constant 1.000000e+00 : f32
        %broadcast_in_dim3A_162 = vector.broadcast %broadcast_in_dim3A_161 : f32 to vector<16xf32>
        %mul3A_163 = arith.constant 16 : i32
        %mul3A_164 = arith.muli %scan3A_160, %mul3A_163 : i32
        %swap3A_165 = arith.index_cast %mul3A_164 : i32 to index
        %swap3A_166 = tpu.vector_load %arg13[%swap3A_165] {strides = array<i32>} : memref<5120xf32, #tpu.memory_space<vmem>>, vector<16xf32>,
        tpu.vector_store %arg13[%swap3A_165], %broadcast_in_dim3A_162 {strides = array<i32>} : memref<5120xf32, #tpu.memory_space<vmem>>, vector<16xf32>,
        %scan3A_167 = arith.constant 0 : i32
        %scan3A_168 = arith.constant 7 : i32
        %scan3A_169 = arith.addi %scan3A_107, %scan3A_168 : i32
        %broadcast_in_dim3A_170 = arith.constant 1.000000e+00 : f32
        %broadcast_in_dim3A_171 = vector.broadcast %broadcast_in_dim3A_170 : f32 to vector<16xf32>
        %mul3A_172 = arith.constant 16 : i32
        %mul3A_173 = arith.muli %scan3A_169, %mul3A_172 : i32
        %swap3A_174 = arith.index_cast %mul3A_173 : i32 to index
        %swap3A_175 = tpu.vector_load %arg13[%swap3A_174] {strides = array<i32>} : memref<5120xf32, #tpu.memory_space<vmem>>, vector<16xf32>,
        tpu.vector_store %arg13[%swap3A_174], %broadcast_in_dim3A_171 {strides = array<i32>} : memref<5120xf32, #tpu.memory_space<vmem>>, vector<16xf32>,
        %scan3A_176 = arith.constant 0 : i32
        scf.yield %scan3A_176 : i32
      }
      %scan3A_97 = arith.constant 320 : i32
      "tpu.region"() ({
        %run_scoped3A = tpu.sem_alloc : memref<!tpu.dma_semaphore, #tpu.memory_space<semaphore_mem>>
        tpu.enqueue_dma source(%arg7 : memref<16384xf32, #tpu.memory_space<vmem>>) target(%arg6 : memref<16384xf32, #tpu.memory_space<hbm>>) target_semaphore(%run_scoped3A : memref<!tpu.dma_semaphore, #tpu.memory_space<semaphore_mem>>)
        tpu.wait_dma2 semaphore(%run_scoped3A : memref<!tpu.dma_semaphore, #tpu.memory_space<semaphore_mem>>) src(%arg7 : memref<16384xf32, #tpu.memory_space<vmem>>) dst(%arg6 : memref<16384xf32, #tpu.memory_space<hbm>>)
        tpu.yield
      }) : () -> ()
      "tpu.region"() ({
        %run_scoped3A = tpu.sem_alloc : memref<!tpu.dma_semaphore, #tpu.memory_space<semaphore_mem>>
        tpu.enqueue_dma source(%arg3 : memref<5120xi32, #tpu.memory_space<hbm>>) target(%arg10 : memref<5120xi32, #tpu.memory_space<vmem>>) target_semaphore(%run_scoped3A : memref<!tpu.dma_semaphore, #tpu.memory_space<semaphore_mem>>)
        tpu.wait_dma2 semaphore(%run_scoped3A : memref<!tpu.dma_semaphore, #tpu.memory_space<semaphore_mem>>) src(%arg3 : memref<5120xi32, #tpu.memory_space<hbm>>) dst(%arg10 : memref<5120xi32, #tpu.memory_space<vmem>>)
        tpu.yield
      }) : () -> ()
      "tpu.region"() ({
        %run_scoped3A = tpu.sem_alloc : memref<!tpu.dma_semaphore, #tpu.memory_space<semaphore_mem>>
        tpu.enqueue_dma source(%arg4 : memref<5120xi32, #tpu.memory_space<hbm>>) target(%arg11 : memref<5120xi32, #tpu.memory_space<vmem>>) target_semaphore(%run_scoped3A : memref<!tpu.dma_semaphore, #tpu.memory_space<semaphore_mem>>)
        tpu.wait_dma2 semaphore(%run_scoped3A : memref<!tpu.dma_semaphore, #tpu.memory_space<semaphore_mem>>) src(%arg4 : memref<5120xi32, #tpu.memory_space<hbm>>) dst(%arg11 : memref<5120xi32, #tpu.memory_space<vmem>>)
        tpu.yield
      }) : () -> ()
      %scan3A_98 = arith.constant 0 : i32
      %scan3A_99 = arith.constant 0 : i32
      %scan3A_100 = arith.constant 320 : i32
      %scan3A_101 = arith.addi %scan3A_99, %scan3A_100 : i32
      %scan3A_102 = arith.constant 4 : i32
      %scan3A_103 = scf.for %scan3A_107 = %scan3A_99 to %scan3A_101 step %scan3A_102 iter_args(%scan3A_108 = %scan3A_98) -> (i32)  : i32 {
        %mul3A_109 = arith.constant 16 : i32
        %mul3A_110 = arith.muli %scan3A_107, %mul3A_109 : i32
        %get3A = arith.index_cast %mul3A_110 : i32 to index
        %get3A_111 = tpu.vector_load %arg10[%get3A] {strides = array<i32>} : memref<5120xi32, #tpu.memory_space<vmem>>, vector<16xi32>,
        %mul3A_112 = arith.constant 16 : i32
        %mul3A_113 = arith.muli %scan3A_107, %mul3A_112 : i32
        %get3A_114 = arith.index_cast %mul3A_113 : i32 to index
        %get3A_115 = tpu.vector_load %arg11[%get3A_114] {strides = array<i32>} : memref<5120xi32, #tpu.memory_space<vmem>>, vector<16xi32>,
        %mul3A_116 = arith.constant 128 : i32
        %mul3A_117 = vector.broadcast %mul3A_116 : i32 to vector<16xi32>
        %mul3A_118 = arith.muli %get3A_115, %mul3A_117 : vector<16xi32>
        %add3A_119 = arith.addi %mul3A_118, %get3A_111 : vector<16xi32>
        %mul3A_120 = arith.constant 16 : i32
        %mul3A_121 = arith.muli %scan3A_107, %mul3A_120 : i32
        %swap3A = arith.index_cast %mul3A_121 : i32 to index
        %swap3A_122 = tpu.vector_load %arg12[%swap3A] {strides = array<i32>} : memref<5120xi32, #tpu.memory_space<vmem>>, vector<16xi32>,
        tpu.vector_store %arg12[%swap3A], %add3A_119 {strides = array<i32>} : memref<5120xi32, #tpu.memory_space<vmem>>, vector<16xi32>,
        %scan3A_123 = arith.constant 0 : i32
        %scan3A_124 = arith.constant 1 : i32
        %scan3A_125 = arith.addi %scan3A_107, %scan3A_124 : i32
        %mul3A_126 = arith.constant 16 : i32
        %mul3A_127 = arith.muli %scan3A_125, %mul3A_126 : i32
        %get3A_128 = arith.index_cast %mul3A_127 : i32 to index
        %get3A_129 = tpu.vector_load %arg10[%get3A_128] {strides = array<i32>} : memref<5120xi32, #tpu.memory_space<vmem>>, vector<16xi32>,
        %mul3A_130 = arith.constant 16 : i32
        %mul3A_131 = arith.muli %scan3A_125, %mul3A_130 : i32
        %get3A_132 = arith.index_cast %mul3A_131 : i32 to index
        %get3A_133 = tpu.vector_load %arg11[%get3A_132] {strides = array<i32>} : memref<5120xi32, #tpu.memory_space<vmem>>, vector<16xi32>,
        %mul3A_134 = arith.constant 128 : i32
        %mul3A_135 = vector.broadcast %mul3A_134 : i32 to vector<16xi32>
        %mul3A_136 = arith.muli %get3A_133, %mul3A_135 : vector<16xi32>
        %add3A_137 = arith.addi %mul3A_136, %get3A_129 : vector<16xi32>
        %mul3A_138 = arith.constant 16 : i32
        %mul3A_139 = arith.muli %scan3A_125, %mul3A_138 : i32
        %swap3A_140 = arith.index_cast %mul3A_139 : i32 to index
        %swap3A_141 = tpu.vector_load %arg12[%swap3A_140] {strides = array<i32>} : memref<5120xi32, #tpu.memory_space<vmem>>, vector<16xi32>,
        tpu.vector_store %arg12[%swap3A_140], %add3A_137 {strides = array<i32>} : memref<5120xi32, #tpu.memory_space<vmem>>, vector<16xi32>,
        %scan3A_142 = arith.constant 0 : i32
        %scan3A_143 = arith.constant 2 : i32
        %scan3A_144 = arith.addi %scan3A_107, %scan3A_143 : i32
        %mul3A_145 = arith.constant 16 : i32
        %mul3A_146 = arith.muli %scan3A_144, %mul3A_145 : i32
        %get3A_147 = arith.index_cast %mul3A_146 : i32 to index
        %get3A_148 = tpu.vector_load %arg10[%get3A_147] {strides = array<i32>} : memref<5120xi32, #tpu.memory_space<vmem>>, vector<16xi32>,
        %mul3A_149 = arith.constant 16 : i32
        %mul3A_150 = arith.muli %scan3A_144, %mul3A_149 : i32
        %get3A_151 = arith.index_cast %mul3A_150 : i32 to index
        %get3A_152 = tpu.vector_load %arg11[%get3A_151] {strides = array<i32>} : memref<5120xi32, #tpu.memory_space<vmem>>, vector<16xi32>,
        %mul3A_153 = arith.constant 128 : i32
        %mul3A_154 = vector.broadcast %mul3A_153 : i32 to vector<16xi32>
        %mul3A_155 = arith.muli %get3A_152, %mul3A_154 : vector<16xi32>
        %add3A_156 = arith.addi %mul3A_155, %get3A_148 : vector<16xi32>
        %mul3A_157 = arith.constant 16 : i32
        %mul3A_158 = arith.muli %scan3A_144, %mul3A_157 : i32
        %swap3A_159 = arith.index_cast %mul3A_158 : i32 to index
        %swap3A_160 = tpu.vector_load %arg12[%swap3A_159] {strides = array<i32>} : memref<5120xi32, #tpu.memory_space<vmem>>, vector<16xi32>,
        tpu.vector_store %arg12[%swap3A_159], %add3A_156 {strides = array<i32>} : memref<5120xi32, #tpu.memory_space<vmem>>, vector<16xi32>,
        %scan3A_161 = arith.constant 0 : i32
        %scan3A_162 = arith.constant 3 : i32
        %scan3A_163 = arith.addi %scan3A_107, %scan3A_162 : i32
        %mul3A_164 = arith.constant 16 : i32
        %mul3A_165 = arith.muli %scan3A_163, %mul3A_164 : i32
        %get3A_166 = arith.index_cast %mul3A_165 : i32 to index
        %get3A_167 = tpu.vector_load %arg10[%get3A_166] {strides = array<i32>} : memref<5120xi32, #tpu.memory_space<vmem>>, vector<16xi32>,
        %mul3A_168 = arith.constant 16 : i32
        %mul3A_169 = arith.muli %scan3A_163, %mul3A_168 : i32
        %get3A_170 = arith.index_cast %mul3A_169 : i32 to index
        %get3A_171 = tpu.vector_load %arg11[%get3A_170] {strides = array<i32>} : memref<5120xi32, #tpu.memory_space<vmem>>, vector<16xi32>,
        %mul3A_172 = arith.constant 128 : i32
        %mul3A_173 = vector.broadcast %mul3A_172 : i32 to vector<16xi32>
        %mul3A_174 = arith.muli %get3A_171, %mul3A_173 : vector<16xi32>
        %add3A_175 = arith.addi %mul3A_174, %get3A_167 : vector<16xi32>
        %mul3A_176 = arith.constant 16 : i32
        %mul3A_177 = arith.muli %scan3A_163, %mul3A_176 : i32
        %swap3A_178 = arith.index_cast %mul3A_177 : i32 to index
        %swap3A_179 = tpu.vector_load %arg12[%swap3A_178] {strides = array<i32>} : memref<5120xi32, #tpu.memory_space<vmem>>, vector<16xi32>,
        tpu.vector_store %arg12[%swap3A_178], %add3A_175 {strides = array<i32>} : memref<5120xi32, #tpu.memory_space<vmem>>, vector<16xi32>,
        %scan3A_180 = arith.constant 0 : i32
        scf.yield %scan3A_180 : i32
      }
      %scan3A_104 = arith.constant 320 : i32
      %dma_start3A = arith.constant 0 : i32
      %dma_start3A_105 = tpu.memref_slice %arg6[%dma_start3A] : memref<16384xf32, #tpu.memory_space<hbm>> -> memref<16384xf32, #tpu.memory_space<hbm>>
      tpu.enqueue_indirect_dma source(%arg13 : memref<5120xf32, #tpu.memory_space<vmem>>) target(%dma_start3A_105 : memref<16384xf32, #tpu.memory_space<hbm>>) offsets(%arg12 : memref<5120xi32, #tpu.memory_space<vmem>>) semaphore(%arg14 : memref<!tpu.dma_semaphore, #tpu.memory_space<semaphore_mem>>)
      %dma_wait3A = arith.constant 0 : i32
      %dma_wait3A_106 = tpu.memref_slice %arg6[%dma_wait3A] : memref<16384xf32, #tpu.memory_space<hbm>> -> memref<16384xf32, #tpu.memory_space<hbm>>
      tpu.wait_indirect_dma semaphore(%arg14 : memref<!tpu.dma_semaphore, #tpu.memory_space<semaphore_mem>>) src(%arg13 : memref<5120xf32, #tpu.memory_space<vmem>>) dst(%dma_wait3A_106 : memref<16384xf32, #tpu.memory_space<hbm>>)
    } else {
    }
    %mul3A_5 = arith.constant 4 : i32
    %mul3A_6 = arith.muli %add3A, %mul3A_5 : i32
    %add3A_7 = arith.constant 0 : i32
    %add3A_8 = arith.addi %mul3A_6, %add3A_7 : i32
    %scan3A = arith.constant 0 : i32
    %scan3A_9 = arith.constant 0 : i32
    %scan3A_10 = arith.constant 1024 : i32
    %scan3A_11 = arith.addi %scan3A_9, %scan3A_10 : i32
    %scan3A_12 = arith.constant 8 : i32
    %scan3A_13 = scf.for %scan3A_84 = %scan3A_9 to %scan3A_11 step %scan3A_12 iter_args(%scan3A_85 = %scan3A) -> (i32)  : i32 {
      %broadcast_in_dim3A = arith.constant 0 : i32
      %broadcast_in_dim3A_86 = vector.broadcast %broadcast_in_dim3A : i32 to vector<16xi32>
      %mul3A_87 = arith.constant 16 : i32
      %mul3A_88 = arith.muli %scan3A_84, %mul3A_87 : i32
      %swap3A = arith.index_cast %mul3A_88 : i32 to index
      %swap3A_89 = tpu.vector_load %arg8[%swap3A] {strides = array<i32>} : memref<16384xi32, #tpu.memory_space<vmem>>, vector<16xi32>,
      tpu.vector_store %arg8[%swap3A], %broadcast_in_dim3A_86 {strides = array<i32>} : memref<16384xi32, #tpu.memory_space<vmem>>, vector<16xi32>,
      %scan3A_90 = arith.constant 0 : i32
      %scan3A_91 = arith.constant 1 : i32
      %scan3A_92 = arith.addi %scan3A_84, %scan3A_91 : i32
      %broadcast_in_dim3A_93 = arith.constant 0 : i32
      %broadcast_in_dim3A_94 = vector.broadcast %broadcast_in_dim3A_93 : i32 to vector<16xi32>
      %mul3A_95 = arith.constant 16 : i32
      %mul3A_96 = arith.muli %scan3A_92, %mul3A_95 : i32
      %swap3A_97 = arith.index_cast %mul3A_96 : i32 to index
      %swap3A_98 = tpu.vector_load %arg8[%swap3A_97] {strides = array<i32>} : memref<16384xi32, #tpu.memory_space<vmem>>, vector<16xi32>,
      tpu.vector_store %arg8[%swap3A_97], %broadcast_in_dim3A_94 {strides = array<i32>} : memref<16384xi32, #tpu.memory_space<vmem>>, vector<16xi32>,
      %scan3A_99 = arith.constant 0 : i32
      %scan3A_100 = arith.constant 2 : i32
      %scan3A_101 = arith.addi %scan3A_84, %scan3A_100 : i32
      %broadcast_in_dim3A_102 = arith.constant 0 : i32
      %broadcast_in_dim3A_103 = vector.broadcast %broadcast_in_dim3A_102 : i32 to vector<16xi32>
      %mul3A_104 = arith.constant 16 : i32
      %mul3A_105 = arith.muli %scan3A_101, %mul3A_104 : i32
      %swap3A_106 = arith.index_cast %mul3A_105 : i32 to index
      %swap3A_107 = tpu.vector_load %arg8[%swap3A_106] {strides = array<i32>} : memref<16384xi32, #tpu.memory_space<vmem>>, vector<16xi32>,
      tpu.vector_store %arg8[%swap3A_106], %broadcast_in_dim3A_103 {strides = array<i32>} : memref<16384xi32, #tpu.memory_space<vmem>>, vector<16xi32>,
      %scan3A_108 = arith.constant 0 : i32
      %scan3A_109 = arith.constant 3 : i32
      %scan3A_110 = arith.addi %scan3A_84, %scan3A_109 : i32
      %broadcast_in_dim3A_111 = arith.constant 0 : i32
      %broadcast_in_dim3A_112 = vector.broadcast %broadcast_in_dim3A_111 : i32 to vector<16xi32>
      %mul3A_113 = arith.constant 16 : i32
      %mul3A_114 = arith.muli %scan3A_110, %mul3A_113 : i32
      %swap3A_115 = arith.index_cast %mul3A_114 : i32 to index
      %swap3A_116 = tpu.vector_load %arg8[%swap3A_115] {strides = array<i32>} : memref<16384xi32, #tpu.memory_space<vmem>>, vector<16xi32>,
      tpu.vector_store %arg8[%swap3A_115], %broadcast_in_dim3A_112 {strides = array<i32>} : memref<16384xi32, #tpu.memory_space<vmem>>, vector<16xi32>,
      %scan3A_117 = arith.constant 0 : i32
      %scan3A_118 = arith.constant 4 : i32
      %scan3A_119 = arith.addi %scan3A_84, %scan3A_118 : i32
      %broadcast_in_dim3A_120 = arith.constant 0 : i32
      %broadcast_in_dim3A_121 = vector.broadcast %broadcast_in_dim3A_120 : i32 to vector<16xi32>
      %mul3A_122 = arith.constant 16 : i32
      %mul3A_123 = arith.muli %scan3A_119, %mul3A_122 : i32
      %swap3A_124 = arith.index_cast %mul3A_123 : i32 to index
      %swap3A_125 = tpu.vector_load %arg8[%swap3A_124] {strides = array<i32>} : memref<16384xi32, #tpu.memory_space<vmem>>, vector<16xi32>,
      tpu.vector_store %arg8[%swap3A_124], %broadcast_in_dim3A_121 {strides = array<i32>} : memref<16384xi32, #tpu.memory_space<vmem>>, vector<16xi32>,
      %scan3A_126 = arith.constant 0 : i32
      %scan3A_127 = arith.constant 5 : i32
      %scan3A_128 = arith.addi %scan3A_84, %scan3A_127 : i32
      %broadcast_in_dim3A_129 = arith.constant 0 : i32
      %broadcast_in_dim3A_130 = vector.broadcast %broadcast_in_dim3A_129 : i32 to vector<16xi32>
      %mul3A_131 = arith.constant 16 : i32
      %mul3A_132 = arith.muli %scan3A_128, %mul3A_131 : i32
      %swap3A_133 = arith.index_cast %mul3A_132 : i32 to index
      %swap3A_134 = tpu.vector_load %arg8[%swap3A_133] {strides = array<i32>} : memref<16384xi32, #tpu.memory_space<vmem>>, vector<16xi32>,
      tpu.vector_store %arg8[%swap3A_133], %broadcast_in_dim3A_130 {strides = array<i32>} : memref<16384xi32, #tpu.memory_space<vmem>>, vector<16xi32>,
      %scan3A_135 = arith.constant 0 : i32
      %scan3A_136 = arith.constant 6 : i32
      %scan3A_137 = arith.addi %scan3A_84, %scan3A_136 : i32
      %broadcast_in_dim3A_138 = arith.constant 0 : i32
      %broadcast_in_dim3A_139 = vector.broadcast %broadcast_in_dim3A_138 : i32 to vector<16xi32>
      %mul3A_140 = arith.constant 16 : i32
      %mul3A_141 = arith.muli %scan3A_137, %mul3A_140 : i32
      %swap3A_142 = arith.index_cast %mul3A_141 : i32 to index
      %swap3A_143 = tpu.vector_load %arg8[%swap3A_142] {strides = array<i32>} : memref<16384xi32, #tpu.memory_space<vmem>>, vector<16xi32>,
      tpu.vector_store %arg8[%swap3A_142], %broadcast_in_dim3A_139 {strides = array<i32>} : memref<16384xi32, #tpu.memory_space<vmem>>, vector<16xi32>,
      %scan3A_144 = arith.constant 0 : i32
      %scan3A_145 = arith.constant 7 : i32
      %scan3A_146 = arith.addi %scan3A_84, %scan3A_145 : i32
      %broadcast_in_dim3A_147 = arith.constant 0 : i32
      %broadcast_in_dim3A_148 = vector.broadcast %broadcast_in_dim3A_147 : i32 to vector<16xi32>
      %mul3A_149 = arith.constant 16 : i32
      %mul3A_150 = arith.muli %scan3A_146, %mul3A_149 : i32
      %swap3A_151 = arith.index_cast %mul3A_150 : i32 to index
      %swap3A_152 = tpu.vector_load %arg8[%swap3A_151] {strides = array<i32>} : memref<16384xi32, #tpu.memory_space<vmem>>, vector<16xi32>,
      tpu.vector_store %arg8[%swap3A_151], %broadcast_in_dim3A_148 {strides = array<i32>} : memref<16384xi32, #tpu.memory_space<vmem>>, vector<16xi32>,
      %scan3A_153 = arith.constant 0 : i32
      scf.yield %scan3A_153 : i32
    }
    %scan3A_14 = arith.constant 1024 : i32
    "tpu.region"() ({
      %run_scoped3A = tpu.sem_alloc : memref<!tpu.dma_semaphore, #tpu.memory_space<semaphore_mem>>
      %dma_start3A = arith.constant 0 : i32
      %dma_start3A_84 = arith.constant 0 : i32
      %dma_start3A_85 = tpu.memref_slice %arg2[%add3A_8, %dma_start3A, %dma_start3A_84] : memref<128x2x512xi32, #tpu.memory_space<hbm>> -> memref<1x2x512xi32, #tpu.memory_space<hbm>>
      %dma_start3A_86 = tpu.memref_squeeze %dma_start3A_85 : memref<1x2x512xi32, #tpu.memory_space<hbm>> -> memref<2x512xi32, #tpu.memory_space<hbm>>
      %dma_start3A_87 = arith.constant 0 : i32
      %dma_start3A_88 = arith.constant 0 : i32
      %dma_start3A_89 = tpu.memref_slice %arg2[%add3A_8, %dma_start3A_87, %dma_start3A_88] : memref<128x2x512xi32, #tpu.memory_space<hbm>> -> memref<1x2x512xi32, #tpu.memory_space<hbm>>
      %dma_start3A_90 = tpu.memref_squeeze %dma_start3A_89 : memref<1x2x512xi32, #tpu.memory_space<hbm>> -> memref<2x512xi32, #tpu.memory_space<hbm>>
      tpu.enqueue_dma source(%dma_start3A_90 : memref<2x512xi32, #tpu.memory_space<hbm>>) target(%arg9 : memref<2x512xi32, #tpu.memory_space<vmem>>) target_semaphore(%run_scoped3A : memref<!tpu.dma_semaphore, #tpu.memory_space<semaphore_mem>>)
      %dma_wait3A = arith.constant 0 : i32
      %dma_wait3A_91 = arith.constant 0 : i32
      %dma_wait3A_92 = tpu.memref_slice %arg2[%add3A_8, %dma_wait3A, %dma_wait3A_91] : memref<128x2x512xi32, #tpu.memory_space<hbm>> -> memref<1x2x512xi32, #tpu.memory_space<hbm>>
      %dma_wait3A_93 = tpu.memref_squeeze %dma_wait3A_92 : memref<1x2x512xi32, #tpu.memory_space<hbm>> -> memref<2x512xi32, #tpu.memory_space<hbm>>
      %dma_wait3A_94 = arith.constant 0 : i32
      %dma_wait3A_95 = arith.constant 0 : i32
      %dma_wait3A_96 = tpu.memref_slice %arg2[%add3A_8, %dma_wait3A_94, %dma_wait3A_95] : memref<128x2x512xi32, #tpu.memory_space<hbm>> -> memref<1x2x512xi32, #tpu.memory_space<hbm>>
      %dma_wait3A_97 = tpu.memref_squeeze %dma_wait3A_96 : memref<1x2x512xi32, #tpu.memory_space<hbm>> -> memref<2x512xi32, #tpu.memory_space<hbm>>
      tpu.wait_dma2 semaphore(%run_scoped3A : memref<!tpu.dma_semaphore, #tpu.memory_space<semaphore_mem>>) src(%dma_wait3A_97 : memref<2x512xi32, #tpu.memory_space<hbm>>) dst(%arg9 : memref<2x512xi32, #tpu.memory_space<vmem>>)
      tpu.yield
    }) : () -> ()
    %scan3A_15 = arith.constant 0 : i32
    %scan3A_16 = arith.constant 0 : i32
    %scan3A_17 = arith.constant 32 : i32
    %scan3A_18 = arith.addi %scan3A_16, %scan3A_17 : i32
    %scan3A_19 = arith.constant 4 : i32
    %scan3A_20 = scf.for %scan3A_84 = %scan3A_16 to %scan3A_18 step %scan3A_19 iter_args(%scan3A_85 = %scan3A_15) -> (i32)  : i32 {
      %mul3A_86 = arith.constant 16 : i32
      %mul3A_87 = arith.muli %scan3A_84, %mul3A_86 : i32
      %get3A = arith.constant 0 : i32
      %get3A_88 = arith.index_cast %get3A : i32 to index
      %get3A_89 = arith.index_cast %mul3A_87 : i32 to index
      %get3A_90 = tpu.vector_load %arg9[%get3A_88, %get3A_89] {strides = array<i32>} : memref<2x512xi32, #tpu.memory_space<vmem>>, vector<16xi32>,
      %mul3A_91 = arith.constant 16 : i32
      %mul3A_92 = arith.muli %scan3A_84, %mul3A_91 : i32
      %get3A_93 = arith.constant 1 : i32
      %get3A_94 = arith.index_cast %get3A_93 : i32 to index
      %get3A_95 = arith.index_cast %mul3A_92 : i32 to index
      %get3A_96 = tpu.vector_load %arg9[%get3A_94, %get3A_95] {strides = array<i32>} : memref<2x512xi32, #tpu.memory_space<vmem>>, vector<16xi32>,
      %mul3A_97 = arith.constant 32 : i32
      %mul3A_98 = vector.broadcast %mul3A_97 : i32 to vector<16xi32>
      %mul3A_99 = arith.muli %get3A_96, %mul3A_98 : vector<16xi32>
      %shift_right_logical3A = arith.constant 4 : i32
      %shift_right_logical3A_100 = vector.broadcast %shift_right_logical3A : i32 to vector<16xi32>
      %shift_right_logical3A_101 = arith.shrui %get3A_90, %shift_right_logical3A_100 : vector<16xi32>
      %add3A_102 = arith.addi %mul3A_99, %shift_right_logical3A_101 : vector<16xi32>
      %broadcast_in_dim3A = arith.constant 1 : i32
      %broadcast_in_dim3A_103 = vector.broadcast %broadcast_in_dim3A : i32 to vector<16xi32>
      %and3A_104 = arith.constant 15 : i32
      %and3A_105 = vector.broadcast %and3A_104 : i32 to vector<16xi32>
      %and3A_106 = arith.andi %get3A_90, %and3A_105 : vector<16xi32>
      %shift_left3A = arith.shli %broadcast_in_dim3A_103, %and3A_106 : vector<16xi32>
      %mul3A_107 = arith.constant 16 : i32
      %mul3A_108 = arith.muli %scan3A_84, %mul3A_107 : i32
      %add3A_109 = vector.broadcast %mul3A_108 : i32 to vector<16xi32>
      %add3A_110 = arith.addi %add3A_109, %iota3A : vector<16xi32>
      %lt3A = arith.constant 500 : i32
      %lt3A_111 = vector.broadcast %lt3A : i32 to vector<16xi32>
      %lt3A_112 = arith.cmpi slt, %add3A_110, %lt3A_111 : vector<16xi32>
      tpu.vector_store_idx %arg8[%add3A_102], %shift_left3A masked %lt3A_112 {add = true} : memref<16384xi32, #tpu.memory_space<vmem>>[vector<16xi32>], vector<16xi32>, vector<16xi1>
      %scan3A_113 = arith.constant 0 : i32
      %scan3A_114 = arith.constant 1 : i32
      %scan3A_115 = arith.addi %scan3A_84, %scan3A_114 : i32
      %mul3A_116 = arith.constant 16 : i32
      %mul3A_117 = arith.muli %scan3A_115, %mul3A_116 : i32
      %get3A_118 = arith.constant 0 : i32
      %get3A_119 = arith.index_cast %get3A_118 : i32 to index
      %get3A_120 = arith.index_cast %mul3A_117 : i32 to index
      %get3A_121 = tpu.vector_load %arg9[%get3A_119, %get3A_120] {strides = array<i32>} : memref<2x512xi32, #tpu.memory_space<vmem>>, vector<16xi32>,
      %mul3A_122 = arith.constant 16 : i32
      %mul3A_123 = arith.muli %scan3A_115, %mul3A_122 : i32
      %get3A_124 = arith.constant 1 : i32
      %get3A_125 = arith.index_cast %get3A_124 : i32 to index
      %get3A_126 = arith.index_cast %mul3A_123 : i32 to index
      %get3A_127 = tpu.vector_load %arg9[%get3A_125, %get3A_126] {strides = array<i32>} : memref<2x512xi32, #tpu.memory_space<vmem>>, vector<16xi32>,
      %mul3A_128 = arith.constant 32 : i32
      %mul3A_129 = vector.broadcast %mul3A_128 : i32 to vector<16xi32>
      %mul3A_130 = arith.muli %get3A_127, %mul3A_129 : vector<16xi32>
      %shift_right_logical3A_131 = arith.constant 4 : i32
      %shift_right_logical3A_132 = vector.broadcast %shift_right_logical3A_131 : i32 to vector<16xi32>
      %shift_right_logical3A_133 = arith.shrui %get3A_121, %shift_right_logical3A_132 : vector<16xi32>
      %add3A_134 = arith.addi %mul3A_130, %shift_right_logical3A_133 : vector<16xi32>
      %broadcast_in_dim3A_135 = arith.constant 1 : i32
      %broadcast_in_dim3A_136 = vector.broadcast %broadcast_in_dim3A_135 : i32 to vector<16xi32>
      %and3A_137 = arith.constant 15 : i32
      %and3A_138 = vector.broadcast %and3A_137 : i32 to vector<16xi32>
      %and3A_139 = arith.andi %get3A_121, %and3A_138 : vector<16xi32>
      %shift_left3A_140 = arith.shli %broadcast_in_dim3A_136, %and3A_139 : vector<16xi32>
      %mul3A_141 = arith.constant 16 : i32
      %mul3A_142 = arith.muli %scan3A_115, %mul3A_141 : i32
      %add3A_143 = vector.broadcast %mul3A_142 : i32 to vector<16xi32>
      %add3A_144 = arith.addi %add3A_143, %iota3A : vector<16xi32>
      %lt3A_145 = arith.constant 500 : i32
      %lt3A_146 = vector.broadcast %lt3A_145 : i32 to vector<16xi32>
      %lt3A_147 = arith.cmpi slt, %add3A_144, %lt3A_146 : vector<16xi32>
      tpu.vector_store_idx %arg8[%add3A_134], %shift_left3A_140 masked %lt3A_147 {add = true} : memref<16384xi32, #tpu.memory_space<vmem>>[vector<16xi32>], vector<16xi32>, vector<16xi1>
      %scan3A_148 = arith.constant 0 : i32
      %scan3A_149 = arith.constant 2 : i32
      %scan3A_150 = arith.addi %scan3A_84, %scan3A_149 : i32
      %mul3A_151 = arith.constant 16 : i32
      %mul3A_152 = arith.muli %scan3A_150, %mul3A_151 : i32
      %get3A_153 = arith.constant 0 : i32
      %get3A_154 = arith.index_cast %get3A_153 : i32 to index
      %get3A_155 = arith.index_cast %mul3A_152 : i32 to index
      %get3A_156 = tpu.vector_load %arg9[%get3A_154, %get3A_155] {strides = array<i32>} : memref<2x512xi32, #tpu.memory_space<vmem>>, vector<16xi32>,
      %mul3A_157 = arith.constant 16 : i32
      %mul3A_158 = arith.muli %scan3A_150, %mul3A_157 : i32
      %get3A_159 = arith.constant 1 : i32
      %get3A_160 = arith.index_cast %get3A_159 : i32 to index
      %get3A_161 = arith.index_cast %mul3A_158 : i32 to index
      %get3A_162 = tpu.vector_load %arg9[%get3A_160, %get3A_161] {strides = array<i32>} : memref<2x512xi32, #tpu.memory_space<vmem>>, vector<16xi32>,
      %mul3A_163 = arith.constant 32 : i32
      %mul3A_164 = vector.broadcast %mul3A_163 : i32 to vector<16xi32>
      %mul3A_165 = arith.muli %get3A_162, %mul3A_164 : vector<16xi32>
      %shift_right_logical3A_166 = arith.constant 4 : i32
      %shift_right_logical3A_167 = vector.broadcast %shift_right_logical3A_166 : i32 to vector<16xi32>
      %shift_right_logical3A_168 = arith.shrui %get3A_156, %shift_right_logical3A_167 : vector<16xi32>
      %add3A_169 = arith.addi %mul3A_165, %shift_right_logical3A_168 : vector<16xi32>
      %broadcast_in_dim3A_170 = arith.constant 1 : i32
      %broadcast_in_dim3A_171 = vector.broadcast %broadcast_in_dim3A_170 : i32 to vector<16xi32>
      %and3A_172 = arith.constant 15 : i32
      %and3A_173 = vector.broadcast %and3A_172 : i32 to vector<16xi32>
      %and3A_174 = arith.andi %get3A_156, %and3A_173 : vector<16xi32>
      %shift_left3A_175 = arith.shli %broadcast_in_dim3A_171, %and3A_174 : vector<16xi32>
      %mul3A_176 = arith.constant 16 : i32
      %mul3A_177 = arith.muli %scan3A_150, %mul3A_176 : i32
      %add3A_178 = vector.broadcast %mul3A_177 : i32 to vector<16xi32>
      %add3A_179 = arith.addi %add3A_178, %iota3A : vector<16xi32>
      %lt3A_180 = arith.constant 500 : i32
      %lt3A_181 = vector.broadcast %lt3A_180 : i32 to vector<16xi32>
      %lt3A_182 = arith.cmpi slt, %add3A_179, %lt3A_181 : vector<16xi32>
      tpu.vector_store_idx %arg8[%add3A_169], %shift_left3A_175 masked %lt3A_182 {add = true} : memref<16384xi32, #tpu.memory_space<vmem>>[vector<16xi32>], vector<16xi32>, vector<16xi1>
      %scan3A_183 = arith.constant 0 : i32
      %scan3A_184 = arith.constant 3 : i32
      %scan3A_185 = arith.addi %scan3A_84, %scan3A_184 : i32
      %mul3A_186 = arith.constant 16 : i32
      %mul3A_187 = arith.muli %scan3A_185, %mul3A_186 : i32
      %get3A_188 = arith.constant 0 : i32
      %get3A_189 = arith.index_cast %get3A_188 : i32 to index
      %get3A_190 = arith.index_cast %mul3A_187 : i32 to index
      %get3A_191 = tpu.vector_load %arg9[%get3A_189, %get3A_190] {strides = array<i32>} : memref<2x512xi32, #tpu.memory_space<vmem>>, vector<16xi32>,
      %mul3A_192 = arith.constant 16 : i32
      %mul3A_193 = arith.muli %scan3A_185, %mul3A_192 : i32
      %get3A_194 = arith.constant 1 : i32
      %get3A_195 = arith.index_cast %get3A_194 : i32 to index
      %get3A_196 = arith.index_cast %mul3A_193 : i32 to index
      %get3A_197 = tpu.vector_load %arg9[%get3A_195, %get3A_196] {strides = array<i32>} : memref<2x512xi32, #tpu.memory_space<vmem>>, vector<16xi32>,
      %mul3A_198 = arith.constant 32 : i32
      %mul3A_199 = vector.broadcast %mul3A_198 : i32 to vector<16xi32>
      %mul3A_200 = arith.muli %get3A_197, %mul3A_199 : vector<16xi32>
      %shift_right_logical3A_201 = arith.constant 4 : i32
      %shift_right_logical3A_202 = vector.broadcast %shift_right_logical3A_201 : i32 to vector<16xi32>
      %shift_right_logical3A_203 = arith.shrui %get3A_191, %shift_right_logical3A_202 : vector<16xi32>
      %add3A_204 = arith.addi %mul3A_200, %shift_right_logical3A_203 : vector<16xi32>
      %broadcast_in_dim3A_205 = arith.constant 1 : i32
      %broadcast_in_dim3A_206 = vector.broadcast %broadcast_in_dim3A_205 : i32 to vector<16xi32>
      %and3A_207 = arith.constant 15 : i32
      %and3A_208 = vector.broadcast %and3A_207 : i32 to vector<16xi32>
      %and3A_209 = arith.andi %get3A_191, %and3A_208 : vector<16xi32>
      %shift_left3A_210 = arith.shli %broadcast_in_dim3A_206, %and3A_209 : vector<16xi32>
      %mul3A_211 = arith.constant 16 : i32
      %mul3A_212 = arith.muli %scan3A_185, %mul3A_211 : i32
      %add3A_213 = vector.broadcast %mul3A_212 : i32 to vector<16xi32>
      %add3A_214 = arith.addi %add3A_213, %iota3A : vector<16xi32>
      %lt3A_215 = arith.constant 500 : i32
      %lt3A_216 = vector.broadcast %lt3A_215 : i32 to vector<16xi32>
      %lt3A_217 = arith.cmpi slt, %add3A_214, %lt3A_216 : vector<16xi32>
      tpu.vector_store_idx %arg8[%add3A_204], %shift_left3A_210 masked %lt3A_217 {add = true} : memref<16384xi32, #tpu.memory_space<vmem>>[vector<16xi32>], vector<16xi32>, vector<16xi1>
      %scan3A_218 = arith.constant 0 : i32
      scf.yield %scan3A_218 : i32
    }
    %scan3A_21 = arith.constant 32 : i32
    %mul3A_22 = arith.constant 16384 : i32
    %mul3A_23 = arith.muli %add3A_8, %mul3A_22 : i32
    "tpu.region"() ({
      %run_scoped3A = tpu.sem_alloc : memref<!tpu.dma_semaphore, #tpu.memory_space<semaphore_mem>>
      %dma_start3A = tpu.memref_slice %arg5[%mul3A_23] : memref<2097152xi32, #tpu.memory_space<hbm>> -> memref<16384xi32, #tpu.memory_space<hbm>>
      %dma_start3A_84 = tpu.memref_slice %arg5[%mul3A_23] : memref<2097152xi32, #tpu.memory_space<hbm>> -> memref<16384xi32, #tpu.memory_space<hbm>>
      tpu.enqueue_dma source(%arg8 : memref<16384xi32, #tpu.memory_space<vmem>>) target(%dma_start3A_84 : memref<16384xi32, #tpu.memory_space<hbm>>) target_semaphore(%run_scoped3A : memref<!tpu.dma_semaphore, #tpu.memory_space<semaphore_mem>>)
      %dma_wait3A = tpu.memref_slice %arg5[%mul3A_23] : memref<2097152xi32, #tpu.memory_space<hbm>> -> memref<16384xi32, #tpu.memory_space<hbm>>
      %dma_wait3A_85 = tpu.memref_slice %arg5[%mul3A_23] : memref<2097152xi32, #tpu.memory_space<hbm>> -> memref<16384xi32, #tpu.memory_space<hbm>>
      tpu.wait_dma2 semaphore(%run_scoped3A : memref<!tpu.dma_semaphore, #tpu.memory_space<semaphore_mem>>) src(%arg8 : memref<16384xi32, #tpu.memory_space<vmem>>) dst(%dma_wait3A_85 : memref<16384xi32, #tpu.memory_space<hbm>>)
      tpu.yield
    }) : () -> ()
    %mul3A_24 = arith.constant 4 : i32
    %mul3A_25 = arith.muli %add3A, %mul3A_24 : i32
    %add3A_26 = arith.constant 1 : i32
    %add3A_27 = arith.addi %mul3A_25, %add3A_26 : i32
    %scan3A_28 = arith.constant 0 : i32
    %scan3A_29 = arith.constant 0 : i32
    %scan3A_30 = arith.constant 1024 : i32
    %scan3A_31 = arith.addi %scan3A_29, %scan3A_30 : i32
    %scan3A_32 = arith.constant 8 : i32
    %scan3A_33 = scf.for %scan3A_84 = %scan3A_29 to %scan3A_31 step %scan3A_32 iter_args(%scan3A_85 = %scan3A_28) -> (i32)  : i32 {
      %broadcast_in_dim3A = arith.constant 0 : i32
      %broadcast_in_dim3A_86 = vector.broadcast %broadcast_in_dim3A : i32 to vector<16xi32>
      %mul3A_87 = arith.constant 16 : i32
      %mul3A_88 = arith.muli %scan3A_84, %mul3A_87 : i32
      %swap3A = arith.index_cast %mul3A_88 : i32 to index
      %swap3A_89 = tpu.vector_load %arg8[%swap3A] {strides = array<i32>} : memref<16384xi32, #tpu.memory_space<vmem>>, vector<16xi32>,
      tpu.vector_store %arg8[%swap3A], %broadcast_in_dim3A_86 {strides = array<i32>} : memref<16384xi32, #tpu.memory_space<vmem>>, vector<16xi32>,
      %scan3A_90 = arith.constant 0 : i32
      %scan3A_91 = arith.constant 1 : i32
      %scan3A_92 = arith.addi %scan3A_84, %scan3A_91 : i32
      %broadcast_in_dim3A_93 = arith.constant 0 : i32
      %broadcast_in_dim3A_94 = vector.broadcast %broadcast_in_dim3A_93 : i32 to vector<16xi32>
      %mul3A_95 = arith.constant 16 : i32
      %mul3A_96 = arith.muli %scan3A_92, %mul3A_95 : i32
      %swap3A_97 = arith.index_cast %mul3A_96 : i32 to index
      %swap3A_98 = tpu.vector_load %arg8[%swap3A_97] {strides = array<i32>} : memref<16384xi32, #tpu.memory_space<vmem>>, vector<16xi32>,
      tpu.vector_store %arg8[%swap3A_97], %broadcast_in_dim3A_94 {strides = array<i32>} : memref<16384xi32, #tpu.memory_space<vmem>>, vector<16xi32>,
      %scan3A_99 = arith.constant 0 : i32
      %scan3A_100 = arith.constant 2 : i32
      %scan3A_101 = arith.addi %scan3A_84, %scan3A_100 : i32
      %broadcast_in_dim3A_102 = arith.constant 0 : i32
      %broadcast_in_dim3A_103 = vector.broadcast %broadcast_in_dim3A_102 : i32 to vector<16xi32>
      %mul3A_104 = arith.constant 16 : i32
      %mul3A_105 = arith.muli %scan3A_101, %mul3A_104 : i32
      %swap3A_106 = arith.index_cast %mul3A_105 : i32 to index
      %swap3A_107 = tpu.vector_load %arg8[%swap3A_106] {strides = array<i32>} : memref<16384xi32, #tpu.memory_space<vmem>>, vector<16xi32>,
      tpu.vector_store %arg8[%swap3A_106], %broadcast_in_dim3A_103 {strides = array<i32>} : memref<16384xi32, #tpu.memory_space<vmem>>, vector<16xi32>,
      %scan3A_108 = arith.constant 0 : i32
      %scan3A_109 = arith.constant 3 : i32
      %scan3A_110 = arith.addi %scan3A_84, %scan3A_109 : i32
      %broadcast_in_dim3A_111 = arith.constant 0 : i32
      %broadcast_in_dim3A_112 = vector.broadcast %broadcast_in_dim3A_111 : i32 to vector<16xi32>
      %mul3A_113 = arith.constant 16 : i32
      %mul3A_114 = arith.muli %scan3A_110, %mul3A_113 : i32
      %swap3A_115 = arith.index_cast %mul3A_114 : i32 to index
      %swap3A_116 = tpu.vector_load %arg8[%swap3A_115] {strides = array<i32>} : memref<16384xi32, #tpu.memory_space<vmem>>, vector<16xi32>,
      tpu.vector_store %arg8[%swap3A_115], %broadcast_in_dim3A_112 {strides = array<i32>} : memref<16384xi32, #tpu.memory_space<vmem>>, vector<16xi32>,
      %scan3A_117 = arith.constant 0 : i32
      %scan3A_118 = arith.constant 4 : i32
      %scan3A_119 = arith.addi %scan3A_84, %scan3A_118 : i32
      %broadcast_in_dim3A_120 = arith.constant 0 : i32
      %broadcast_in_dim3A_121 = vector.broadcast %broadcast_in_dim3A_120 : i32 to vector<16xi32>
      %mul3A_122 = arith.constant 16 : i32
      %mul3A_123 = arith.muli %scan3A_119, %mul3A_122 : i32
      %swap3A_124 = arith.index_cast %mul3A_123 : i32 to index
      %swap3A_125 = tpu.vector_load %arg8[%swap3A_124] {strides = array<i32>} : memref<16384xi32, #tpu.memory_space<vmem>>, vector<16xi32>,
      tpu.vector_store %arg8[%swap3A_124], %broadcast_in_dim3A_121 {strides = array<i32>} : memref<16384xi32, #tpu.memory_space<vmem>>, vector<16xi32>,
      %scan3A_126 = arith.constant 0 : i32
      %scan3A_127 = arith.constant 5 : i32
      %scan3A_128 = arith.addi %scan3A_84, %scan3A_127 : i32
      %broadcast_in_dim3A_129 = arith.constant 0 : i32
      %broadcast_in_dim3A_130 = vector.broadcast %broadcast_in_dim3A_129 : i32 to vector<16xi32>
      %mul3A_131 = arith.constant 16 : i32
      %mul3A_132 = arith.muli %scan3A_128, %mul3A_131 : i32
      %swap3A_133 = arith.index_cast %mul3A_132 : i32 to index
      %swap3A_134 = tpu.vector_load %arg8[%swap3A_133] {strides = array<i32>} : memref<16384xi32, #tpu.memory_space<vmem>>, vector<16xi32>,
      tpu.vector_store %arg8[%swap3A_133], %broadcast_in_dim3A_130 {strides = array<i32>} : memref<16384xi32, #tpu.memory_space<vmem>>, vector<16xi32>,
      %scan3A_135 = arith.constant 0 : i32
      %scan3A_136 = arith.constant 6 : i32
      %scan3A_137 = arith.addi %scan3A_84, %scan3A_136 : i32
      %broadcast_in_dim3A_138 = arith.constant 0 : i32
      %broadcast_in_dim3A_139 = vector.broadcast %broadcast_in_dim3A_138 : i32 to vector<16xi32>
      %mul3A_140 = arith.constant 16 : i32
      %mul3A_141 = arith.muli %scan3A_137, %mul3A_140 : i32
      %swap3A_142 = arith.index_cast %mul3A_141 : i32 to index
      %swap3A_143 = tpu.vector_load %arg8[%swap3A_142] {strides = array<i32>} : memref<16384xi32, #tpu.memory_space<vmem>>, vector<16xi32>,
      tpu.vector_store %arg8[%swap3A_142], %broadcast_in_dim3A_139 {strides = array<i32>} : memref<16384xi32, #tpu.memory_space<vmem>>, vector<16xi32>,
      %scan3A_144 = arith.constant 0 : i32
      %scan3A_145 = arith.constant 7 : i32
      %scan3A_146 = arith.addi %scan3A_84, %scan3A_145 : i32
      %broadcast_in_dim3A_147 = arith.constant 0 : i32
      %broadcast_in_dim3A_148 = vector.broadcast %broadcast_in_dim3A_147 : i32 to vector<16xi32>
      %mul3A_149 = arith.constant 16 : i32
      %mul3A_150 = arith.muli %scan3A_146, %mul3A_149 : i32
      %swap3A_151 = arith.index_cast %mul3A_150 : i32 to index
      %swap3A_152 = tpu.vector_load %arg8[%swap3A_151] {strides = array<i32>} : memref<16384xi32, #tpu.memory_space<vmem>>, vector<16xi32>,
      tpu.vector_store %arg8[%swap3A_151], %broadcast_in_dim3A_148 {strides = array<i32>} : memref<16384xi32, #tpu.memory_space<vmem>>, vector<16xi32>,
      %scan3A_153 = arith.constant 0 : i32
      scf.yield %scan3A_153 : i32
    }
    %scan3A_34 = arith.constant 1024 : i32
    "tpu.region"() ({
      %run_scoped3A = tpu.sem_alloc : memref<!tpu.dma_semaphore, #tpu.memory_space<semaphore_mem>>
      %dma_start3A = arith.constant 0 : i32
      %dma_start3A_84 = arith.constant 0 : i32
      %dma_start3A_85 = tpu.memref_slice %arg2[%add3A_27, %dma_start3A, %dma_start3A_84] : memref<128x2x512xi32, #tpu.memory_space<hbm>> -> memref<1x2x512xi32, #tpu.memory_space<hbm>>
      %dma_start3A_86 = tpu.memref_squeeze %dma_start3A_85 : memref<1x2x512xi32, #tpu.memory_space<hbm>> -> memref<2x512xi32, #tpu.memory_space<hbm>>
      %dma_start3A_87 = arith.constant 0 : i32
      %dma_start3A_88 = arith.constant 0 : i32
      %dma_start3A_89 = tpu.memref_slice %arg2[%add3A_27, %dma_start3A_87, %dma_start3A_88] : memref<128x2x512xi32, #tpu.memory_space<hbm>> -> memref<1x2x512xi32, #tpu.memory_space<hbm>>
      %dma_start3A_90 = tpu.memref_squeeze %dma_start3A_89 : memref<1x2x512xi32, #tpu.memory_space<hbm>> -> memref<2x512xi32, #tpu.memory_space<hbm>>
      tpu.enqueue_dma source(%dma_start3A_90 : memref<2x512xi32, #tpu.memory_space<hbm>>) target(%arg9 : memref<2x512xi32, #tpu.memory_space<vmem>>) target_semaphore(%run_scoped3A : memref<!tpu.dma_semaphore, #tpu.memory_space<semaphore_mem>>)
      %dma_wait3A = arith.constant 0 : i32
      %dma_wait3A_91 = arith.constant 0 : i32
      %dma_wait3A_92 = tpu.memref_slice %arg2[%add3A_27, %dma_wait3A, %dma_wait3A_91] : memref<128x2x512xi32, #tpu.memory_space<hbm>> -> memref<1x2x512xi32, #tpu.memory_space<hbm>>
      %dma_wait3A_93 = tpu.memref_squeeze %dma_wait3A_92 : memref<1x2x512xi32, #tpu.memory_space<hbm>> -> memref<2x512xi32, #tpu.memory_space<hbm>>
      %dma_wait3A_94 = arith.constant 0 : i32
      %dma_wait3A_95 = arith.constant 0 : i32
      %dma_wait3A_96 = tpu.memref_slice %arg2[%add3A_27, %dma_wait3A_94, %dma_wait3A_95] : memref<128x2x512xi32, #tpu.memory_space<hbm>> -> memref<1x2x512xi32, #tpu.memory_space<hbm>>
      %dma_wait3A_97 = tpu.memref_squeeze %dma_wait3A_96 : memref<1x2x512xi32, #tpu.memory_space<hbm>> -> memref<2x512xi32, #tpu.memory_space<hbm>>
      tpu.wait_dma2 semaphore(%run_scoped3A : memref<!tpu.dma_semaphore, #tpu.memory_space<semaphore_mem>>) src(%dma_wait3A_97 : memref<2x512xi32, #tpu.memory_space<hbm>>) dst(%arg9 : memref<2x512xi32, #tpu.memory_space<vmem>>)
      tpu.yield
    }) : () -> ()
    %scan3A_35 = arith.constant 0 : i32
    %scan3A_36 = arith.constant 0 : i32
    %scan3A_37 = arith.constant 32 : i32
    %scan3A_38 = arith.addi %scan3A_36, %scan3A_37 : i32
    %scan3A_39 = arith.constant 4 : i32
    %scan3A_40 = scf.for %scan3A_84 = %scan3A_36 to %scan3A_38 step %scan3A_39 iter_args(%scan3A_85 = %scan3A_35) -> (i32)  : i32 {
      %mul3A_86 = arith.constant 16 : i32
      %mul3A_87 = arith.muli %scan3A_84, %mul3A_86 : i32
      %get3A = arith.constant 0 : i32
      %get3A_88 = arith.index_cast %get3A : i32 to index
      %get3A_89 = arith.index_cast %mul3A_87 : i32 to index
      %get3A_90 = tpu.vector_load %arg9[%get3A_88, %get3A_89] {strides = array<i32>} : memref<2x512xi32, #tpu.memory_space<vmem>>, vector<16xi32>,
      %mul3A_91 = arith.constant 16 : i32
      %mul3A_92 = arith.muli %scan3A_84, %mul3A_91 : i32
      %get3A_93 = arith.constant 1 : i32
      %get3A_94 = arith.index_cast %get3A_93 : i32 to index
      %get3A_95 = arith.index_cast %mul3A_92 : i32 to index
      %get3A_96 = tpu.vector_load %arg9[%get3A_94, %get3A_95] {strides = array<i32>} : memref<2x512xi32, #tpu.memory_space<vmem>>, vector<16xi32>,
      %mul3A_97 = arith.constant 32 : i32
      %mul3A_98 = vector.broadcast %mul3A_97 : i32 to vector<16xi32>
      %mul3A_99 = arith.muli %get3A_96, %mul3A_98 : vector<16xi32>
      %shift_right_logical3A = arith.constant 4 : i32
      %shift_right_logical3A_100 = vector.broadcast %shift_right_logical3A : i32 to vector<16xi32>
      %shift_right_logical3A_101 = arith.shrui %get3A_90, %shift_right_logical3A_100 : vector<16xi32>
      %add3A_102 = arith.addi %mul3A_99, %shift_right_logical3A_101 : vector<16xi32>
      %broadcast_in_dim3A = arith.constant 1 : i32
      %broadcast_in_dim3A_103 = vector.broadcast %broadcast_in_dim3A : i32 to vector<16xi32>
      %and3A_104 = arith.constant 15 : i32
      %and3A_105 = vector.broadcast %and3A_104 : i32 to vector<16xi32>
      %and3A_106 = arith.andi %get3A_90, %and3A_105 : vector<16xi32>
      %shift_left3A = arith.shli %broadcast_in_dim3A_103, %and3A_106 : vector<16xi32>
      %mul3A_107 = arith.constant 16 : i32
      %mul3A_108 = arith.muli %scan3A_84, %mul3A_107 : i32
      %add3A_109 = vector.broadcast %mul3A_108 : i32 to vector<16xi32>
      %add3A_110 = arith.addi %add3A_109, %iota3A : vector<16xi32>
      %lt3A = arith.constant 500 : i32
      %lt3A_111 = vector.broadcast %lt3A : i32 to vector<16xi32>
      %lt3A_112 = arith.cmpi slt, %add3A_110, %lt3A_111 : vector<16xi32>
      tpu.vector_store_idx %arg8[%add3A_102], %shift_left3A masked %lt3A_112 {add = true} : memref<16384xi32, #tpu.memory_space<vmem>>[vector<16xi32>], vector<16xi32>, vector<16xi1>
      %scan3A_113 = arith.constant 0 : i32
      %scan3A_114 = arith.constant 1 : i32
      %scan3A_115 = arith.addi %scan3A_84, %scan3A_114 : i32
      %mul3A_116 = arith.constant 16 : i32
      %mul3A_117 = arith.muli %scan3A_115, %mul3A_116 : i32
      %get3A_118 = arith.constant 0 : i32
      %get3A_119 = arith.index_cast %get3A_118 : i32 to index
      %get3A_120 = arith.index_cast %mul3A_117 : i32 to index
      %get3A_121 = tpu.vector_load %arg9[%get3A_119, %get3A_120] {strides = array<i32>} : memref<2x512xi32, #tpu.memory_space<vmem>>, vector<16xi32>,
      %mul3A_122 = arith.constant 16 : i32
      %mul3A_123 = arith.muli %scan3A_115, %mul3A_122 : i32
      %get3A_124 = arith.constant 1 : i32
      %get3A_125 = arith.index_cast %get3A_124 : i32 to index
      %get3A_126 = arith.index_cast %mul3A_123 : i32 to index
      %get3A_127 = tpu.vector_load %arg9[%get3A_125, %get3A_126] {strides = array<i32>} : memref<2x512xi32, #tpu.memory_space<vmem>>, vector<16xi32>,
      %mul3A_128 = arith.constant 32 : i32
      %mul3A_129 = vector.broadcast %mul3A_128 : i32 to vector<16xi32>
      %mul3A_130 = arith.muli %get3A_127, %mul3A_129 : vector<16xi32>
      %shift_right_logical3A_131 = arith.constant 4 : i32
      %shift_right_logical3A_132 = vector.broadcast %shift_right_logical3A_131 : i32 to vector<16xi32>
      %shift_right_logical3A_133 = arith.shrui %get3A_121, %shift_right_logical3A_132 : vector<16xi32>
      %add3A_134 = arith.addi %mul3A_130, %shift_right_logical3A_133 : vector<16xi32>
      %broadcast_in_dim3A_135 = arith.constant 1 : i32
      %broadcast_in_dim3A_136 = vector.broadcast %broadcast_in_dim3A_135 : i32 to vector<16xi32>
      %and3A_137 = arith.constant 15 : i32
      %and3A_138 = vector.broadcast %and3A_137 : i32 to vector<16xi32>
      %and3A_139 = arith.andi %get3A_121, %and3A_138 : vector<16xi32>
      %shift_left3A_140 = arith.shli %broadcast_in_dim3A_136, %and3A_139 : vector<16xi32>
      %mul3A_141 = arith.constant 16 : i32
      %mul3A_142 = arith.muli %scan3A_115, %mul3A_141 : i32
      %add3A_143 = vector.broadcast %mul3A_142 : i32 to vector<16xi32>
      %add3A_144 = arith.addi %add3A_143, %iota3A : vector<16xi32>
      %lt3A_145 = arith.constant 500 : i32
      %lt3A_146 = vector.broadcast %lt3A_145 : i32 to vector<16xi32>
      %lt3A_147 = arith.cmpi slt, %add3A_144, %lt3A_146 : vector<16xi32>
      tpu.vector_store_idx %arg8[%add3A_134], %shift_left3A_140 masked %lt3A_147 {add = true} : memref<16384xi32, #tpu.memory_space<vmem>>[vector<16xi32>], vector<16xi32>, vector<16xi1>
      %scan3A_148 = arith.constant 0 : i32
      %scan3A_149 = arith.constant 2 : i32
      %scan3A_150 = arith.addi %scan3A_84, %scan3A_149 : i32
      %mul3A_151 = arith.constant 16 : i32
      %mul3A_152 = arith.muli %scan3A_150, %mul3A_151 : i32
      %get3A_153 = arith.constant 0 : i32
      %get3A_154 = arith.index_cast %get3A_153 : i32 to index
      %get3A_155 = arith.index_cast %mul3A_152 : i32 to index
      %get3A_156 = tpu.vector_load %arg9[%get3A_154, %get3A_155] {strides = array<i32>} : memref<2x512xi32, #tpu.memory_space<vmem>>, vector<16xi32>,
      %mul3A_157 = arith.constant 16 : i32
      %mul3A_158 = arith.muli %scan3A_150, %mul3A_157 : i32
      %get3A_159 = arith.constant 1 : i32
      %get3A_160 = arith.index_cast %get3A_159 : i32 to index
      %get3A_161 = arith.index_cast %mul3A_158 : i32 to index
      %get3A_162 = tpu.vector_load %arg9[%get3A_160, %get3A_161] {strides = array<i32>} : memref<2x512xi32, #tpu.memory_space<vmem>>, vector<16xi32>,
      %mul3A_163 = arith.constant 32 : i32
      %mul3A_164 = vector.broadcast %mul3A_163 : i32 to vector<16xi32>
      %mul3A_165 = arith.muli %get3A_162, %mul3A_164 : vector<16xi32>
      %shift_right_logical3A_166 = arith.constant 4 : i32
      %shift_right_logical3A_167 = vector.broadcast %shift_right_logical3A_166 : i32 to vector<16xi32>
      %shift_right_logical3A_168 = arith.shrui %get3A_156, %shift_right_logical3A_167 : vector<16xi32>
      %add3A_169 = arith.addi %mul3A_165, %shift_right_logical3A_168 : vector<16xi32>
      %broadcast_in_dim3A_170 = arith.constant 1 : i32
      %broadcast_in_dim3A_171 = vector.broadcast %broadcast_in_dim3A_170 : i32 to vector<16xi32>
      %and3A_172 = arith.constant 15 : i32
      %and3A_173 = vector.broadcast %and3A_172 : i32 to vector<16xi32>
      %and3A_174 = arith.andi %get3A_156, %and3A_173 : vector<16xi32>
      %shift_left3A_175 = arith.shli %broadcast_in_dim3A_171, %and3A_174 : vector<16xi32>
      %mul3A_176 = arith.constant 16 : i32
      %mul3A_177 = arith.muli %scan3A_150, %mul3A_176 : i32
      %add3A_178 = vector.broadcast %mul3A_177 : i32 to vector<16xi32>
      %add3A_179 = arith.addi %add3A_178, %iota3A : vector<16xi32>
      %lt3A_180 = arith.constant 500 : i32
      %lt3A_181 = vector.broadcast %lt3A_180 : i32 to vector<16xi32>
      %lt3A_182 = arith.cmpi slt, %add3A_179, %lt3A_181 : vector<16xi32>
      tpu.vector_store_idx %arg8[%add3A_169], %shift_left3A_175 masked %lt3A_182 {add = true} : memref<16384xi32, #tpu.memory_space<vmem>>[vector<16xi32>], vector<16xi32>, vector<16xi1>
      %scan3A_183 = arith.constant 0 : i32
      %scan3A_184 = arith.constant 3 : i32
      %scan3A_185 = arith.addi %scan3A_84, %scan3A_184 : i32
      %mul3A_186 = arith.constant 16 : i32
      %mul3A_187 = arith.muli %scan3A_185, %mul3A_186 : i32
      %get3A_188 = arith.constant 0 : i32
      %get3A_189 = arith.index_cast %get3A_188 : i32 to index
      %get3A_190 = arith.index_cast %mul3A_187 : i32 to index
      %get3A_191 = tpu.vector_load %arg9[%get3A_189, %get3A_190] {strides = array<i32>} : memref<2x512xi32, #tpu.memory_space<vmem>>, vector<16xi32>,
      %mul3A_192 = arith.constant 16 : i32
      %mul3A_193 = arith.muli %scan3A_185, %mul3A_192 : i32
      %get3A_194 = arith.constant 1 : i32
      %get3A_195 = arith.index_cast %get3A_194 : i32 to index
      %get3A_196 = arith.index_cast %mul3A_193 : i32 to index
      %get3A_197 = tpu.vector_load %arg9[%get3A_195, %get3A_196] {strides = array<i32>} : memref<2x512xi32, #tpu.memory_space<vmem>>, vector<16xi32>,
      %mul3A_198 = arith.constant 32 : i32
      %mul3A_199 = vector.broadcast %mul3A_198 : i32 to vector<16xi32>
      %mul3A_200 = arith.muli %get3A_197, %mul3A_199 : vector<16xi32>
      %shift_right_logical3A_201 = arith.constant 4 : i32
      %shift_right_logical3A_202 = vector.broadcast %shift_right_logical3A_201 : i32 to vector<16xi32>
      %shift_right_logical3A_203 = arith.shrui %get3A_191, %shift_right_logical3A_202 : vector<16xi32>
      %add3A_204 = arith.addi %mul3A_200, %shift_right_logical3A_203 : vector<16xi32>
      %broadcast_in_dim3A_205 = arith.constant 1 : i32
      %broadcast_in_dim3A_206 = vector.broadcast %broadcast_in_dim3A_205 : i32 to vector<16xi32>
      %and3A_207 = arith.constant 15 : i32
      %and3A_208 = vector.broadcast %and3A_207 : i32 to vector<16xi32>
      %and3A_209 = arith.andi %get3A_191, %and3A_208 : vector<16xi32>
      %shift_left3A_210 = arith.shli %broadcast_in_dim3A_206, %and3A_209 : vector<16xi32>
      %mul3A_211 = arith.constant 16 : i32
      %mul3A_212 = arith.muli %scan3A_185, %mul3A_211 : i32
      %add3A_213 = vector.broadcast %mul3A_212 : i32 to vector<16xi32>
      %add3A_214 = arith.addi %add3A_213, %iota3A : vector<16xi32>
      %lt3A_215 = arith.constant 500 : i32
      %lt3A_216 = vector.broadcast %lt3A_215 : i32 to vector<16xi32>
      %lt3A_217 = arith.cmpi slt, %add3A_214, %lt3A_216 : vector<16xi32>
      tpu.vector_store_idx %arg8[%add3A_204], %shift_left3A_210 masked %lt3A_217 {add = true} : memref<16384xi32, #tpu.memory_space<vmem>>[vector<16xi32>], vector<16xi32>, vector<16xi1>
      %scan3A_218 = arith.constant 0 : i32
      scf.yield %scan3A_218 : i32
    }
    %scan3A_41 = arith.constant 32 : i32
    %mul3A_42 = arith.constant 16384 : i32
    %mul3A_43 = arith.muli %add3A_27, %mul3A_42 : i32
    "tpu.region"() ({
      %run_scoped3A = tpu.sem_alloc : memref<!tpu.dma_semaphore, #tpu.memory_space<semaphore_mem>>
      %dma_start3A = tpu.memref_slice %arg5[%mul3A_43] : memref<2097152xi32, #tpu.memory_space<hbm>> -> memref<16384xi32, #tpu.memory_space<hbm>>
      %dma_start3A_84 = tpu.memref_slice %arg5[%mul3A_43] : memref<2097152xi32, #tpu.memory_space<hbm>> -> memref<16384xi32, #tpu.memory_space<hbm>>
      tpu.enqueue_dma source(%arg8 : memref<16384xi32, #tpu.memory_space<vmem>>) target(%dma_start3A_84 : memref<16384xi32, #tpu.memory_space<hbm>>) target_semaphore(%run_scoped3A : memref<!tpu.dma_semaphore, #tpu.memory_space<semaphore_mem>>)
      %dma_wait3A = tpu.memref_slice %arg5[%mul3A_43] : memref<2097152xi32, #tpu.memory_space<hbm>> -> memref<16384xi32, #tpu.memory_space<hbm>>
      %dma_wait3A_85 = tpu.memref_slice %arg5[%mul3A_43] : memref<2097152xi32, #tpu.memory_space<hbm>> -> memref<16384xi32, #tpu.memory_space<hbm>>
      tpu.wait_dma2 semaphore(%run_scoped3A : memref<!tpu.dma_semaphore, #tpu.memory_space<semaphore_mem>>) src(%arg8 : memref<16384xi32, #tpu.memory_space<vmem>>) dst(%dma_wait3A_85 : memref<16384xi32, #tpu.memory_space<hbm>>)
      tpu.yield
    }) : () -> ()
    %mul3A_44 = arith.constant 4 : i32
    %mul3A_45 = arith.muli %add3A, %mul3A_44 : i32
    %add3A_46 = arith.constant 2 : i32
    %add3A_47 = arith.addi %mul3A_45, %add3A_46 : i32
    %scan3A_48 = arith.constant 0 : i32
    %scan3A_49 = arith.constant 0 : i32
    %scan3A_50 = arith.constant 1024 : i32
    %scan3A_51 = arith.addi %scan3A_49, %scan3A_50 : i32
    %scan3A_52 = arith.constant 8 : i32
    %scan3A_53 = scf.for %scan3A_84 = %scan3A_49 to %scan3A_51 step %scan3A_52 iter_args(%scan3A_85 = %scan3A_48) -> (i32)  : i32 {
      %broadcast_in_dim3A = arith.constant 0 : i32
      %broadcast_in_dim3A_86 = vector.broadcast %broadcast_in_dim3A : i32 to vector<16xi32>
      %mul3A_87 = arith.constant 16 : i32
      %mul3A_88 = arith.muli %scan3A_84, %mul3A_87 : i32
      %swap3A = arith.index_cast %mul3A_88 : i32 to index
      %swap3A_89 = tpu.vector_load %arg8[%swap3A] {strides = array<i32>} : memref<16384xi32, #tpu.memory_space<vmem>>, vector<16xi32>,
      tpu.vector_store %arg8[%swap3A], %broadcast_in_dim3A_86 {strides = array<i32>} : memref<16384xi32, #tpu.memory_space<vmem>>, vector<16xi32>,
      %scan3A_90 = arith.constant 0 : i32
      %scan3A_91 = arith.constant 1 : i32
      %scan3A_92 = arith.addi %scan3A_84, %scan3A_91 : i32
      %broadcast_in_dim3A_93 = arith.constant 0 : i32
      %broadcast_in_dim3A_94 = vector.broadcast %broadcast_in_dim3A_93 : i32 to vector<16xi32>
      %mul3A_95 = arith.constant 16 : i32
      %mul3A_96 = arith.muli %scan3A_92, %mul3A_95 : i32
      %swap3A_97 = arith.index_cast %mul3A_96 : i32 to index
      %swap3A_98 = tpu.vector_load %arg8[%swap3A_97] {strides = array<i32>} : memref<16384xi32, #tpu.memory_space<vmem>>, vector<16xi32>,
      tpu.vector_store %arg8[%swap3A_97], %broadcast_in_dim3A_94 {strides = array<i32>} : memref<16384xi32, #tpu.memory_space<vmem>>, vector<16xi32>,
      %scan3A_99 = arith.constant 0 : i32
      %scan3A_100 = arith.constant 2 : i32
      %scan3A_101 = arith.addi %scan3A_84, %scan3A_100 : i32
      %broadcast_in_dim3A_102 = arith.constant 0 : i32
      %broadcast_in_dim3A_103 = vector.broadcast %broadcast_in_dim3A_102 : i32 to vector<16xi32>
      %mul3A_104 = arith.constant 16 : i32
      %mul3A_105 = arith.muli %scan3A_101, %mul3A_104 : i32
      %swap3A_106 = arith.index_cast %mul3A_105 : i32 to index
      %swap3A_107 = tpu.vector_load %arg8[%swap3A_106] {strides = array<i32>} : memref<16384xi32, #tpu.memory_space<vmem>>, vector<16xi32>,
      tpu.vector_store %arg8[%swap3A_106], %broadcast_in_dim3A_103 {strides = array<i32>} : memref<16384xi32, #tpu.memory_space<vmem>>, vector<16xi32>,
      %scan3A_108 = arith.constant 0 : i32
      %scan3A_109 = arith.constant 3 : i32
      %scan3A_110 = arith.addi %scan3A_84, %scan3A_109 : i32
      %broadcast_in_dim3A_111 = arith.constant 0 : i32
      %broadcast_in_dim3A_112 = vector.broadcast %broadcast_in_dim3A_111 : i32 to vector<16xi32>
      %mul3A_113 = arith.constant 16 : i32
      %mul3A_114 = arith.muli %scan3A_110, %mul3A_113 : i32
      %swap3A_115 = arith.index_cast %mul3A_114 : i32 to index
      %swap3A_116 = tpu.vector_load %arg8[%swap3A_115] {strides = array<i32>} : memref<16384xi32, #tpu.memory_space<vmem>>, vector<16xi32>,
      tpu.vector_store %arg8[%swap3A_115], %broadcast_in_dim3A_112 {strides = array<i32>} : memref<16384xi32, #tpu.memory_space<vmem>>, vector<16xi32>,
      %scan3A_117 = arith.constant 0 : i32
      %scan3A_118 = arith.constant 4 : i32
      %scan3A_119 = arith.addi %scan3A_84, %scan3A_118 : i32
      %broadcast_in_dim3A_120 = arith.constant 0 : i32
      %broadcast_in_dim3A_121 = vector.broadcast %broadcast_in_dim3A_120 : i32 to vector<16xi32>
      %mul3A_122 = arith.constant 16 : i32
      %mul3A_123 = arith.muli %scan3A_119, %mul3A_122 : i32
      %swap3A_124 = arith.index_cast %mul3A_123 : i32 to index
      %swap3A_125 = tpu.vector_load %arg8[%swap3A_124] {strides = array<i32>} : memref<16384xi32, #tpu.memory_space<vmem>>, vector<16xi32>,
      tpu.vector_store %arg8[%swap3A_124], %broadcast_in_dim3A_121 {strides = array<i32>} : memref<16384xi32, #tpu.memory_space<vmem>>, vector<16xi32>,
      %scan3A_126 = arith.constant 0 : i32
      %scan3A_127 = arith.constant 5 : i32
      %scan3A_128 = arith.addi %scan3A_84, %scan3A_127 : i32
      %broadcast_in_dim3A_129 = arith.constant 0 : i32
      %broadcast_in_dim3A_130 = vector.broadcast %broadcast_in_dim3A_129 : i32 to vector<16xi32>
      %mul3A_131 = arith.constant 16 : i32
      %mul3A_132 = arith.muli %scan3A_128, %mul3A_131 : i32
      %swap3A_133 = arith.index_cast %mul3A_132 : i32 to index
      %swap3A_134 = tpu.vector_load %arg8[%swap3A_133] {strides = array<i32>} : memref<16384xi32, #tpu.memory_space<vmem>>, vector<16xi32>,
      tpu.vector_store %arg8[%swap3A_133], %broadcast_in_dim3A_130 {strides = array<i32>} : memref<16384xi32, #tpu.memory_space<vmem>>, vector<16xi32>,
      %scan3A_135 = arith.constant 0 : i32
      %scan3A_136 = arith.constant 6 : i32
      %scan3A_137 = arith.addi %scan3A_84, %scan3A_136 : i32
      %broadcast_in_dim3A_138 = arith.constant 0 : i32
      %broadcast_in_dim3A_139 = vector.broadcast %broadcast_in_dim3A_138 : i32 to vector<16xi32>
      %mul3A_140 = arith.constant 16 : i32
      %mul3A_141 = arith.muli %scan3A_137, %mul3A_140 : i32
      %swap3A_142 = arith.index_cast %mul3A_141 : i32 to index
      %swap3A_143 = tpu.vector_load %arg8[%swap3A_142] {strides = array<i32>} : memref<16384xi32, #tpu.memory_space<vmem>>, vector<16xi32>,
      tpu.vector_store %arg8[%swap3A_142], %broadcast_in_dim3A_139 {strides = array<i32>} : memref<16384xi32, #tpu.memory_space<vmem>>, vector<16xi32>,
      %scan3A_144 = arith.constant 0 : i32
      %scan3A_145 = arith.constant 7 : i32
      %scan3A_146 = arith.addi %scan3A_84, %scan3A_145 : i32
      %broadcast_in_dim3A_147 = arith.constant 0 : i32
      %broadcast_in_dim3A_148 = vector.broadcast %broadcast_in_dim3A_147 : i32 to vector<16xi32>
      %mul3A_149 = arith.constant 16 : i32
      %mul3A_150 = arith.muli %scan3A_146, %mul3A_149 : i32
      %swap3A_151 = arith.index_cast %mul3A_150 : i32 to index
      %swap3A_152 = tpu.vector_load %arg8[%swap3A_151] {strides = array<i32>} : memref<16384xi32, #tpu.memory_space<vmem>>, vector<16xi32>,
      tpu.vector_store %arg8[%swap3A_151], %broadcast_in_dim3A_148 {strides = array<i32>} : memref<16384xi32, #tpu.memory_space<vmem>>, vector<16xi32>,
      %scan3A_153 = arith.constant 0 : i32
      scf.yield %scan3A_153 : i32
    }
    %scan3A_54 = arith.constant 1024 : i32
    "tpu.region"() ({
      %run_scoped3A = tpu.sem_alloc : memref<!tpu.dma_semaphore, #tpu.memory_space<semaphore_mem>>
      %dma_start3A = arith.constant 0 : i32
      %dma_start3A_84 = arith.constant 0 : i32
      %dma_start3A_85 = tpu.memref_slice %arg2[%add3A_47, %dma_start3A, %dma_start3A_84] : memref<128x2x512xi32, #tpu.memory_space<hbm>> -> memref<1x2x512xi32, #tpu.memory_space<hbm>>
      %dma_start3A_86 = tpu.memref_squeeze %dma_start3A_85 : memref<1x2x512xi32, #tpu.memory_space<hbm>> -> memref<2x512xi32, #tpu.memory_space<hbm>>
      %dma_start3A_87 = arith.constant 0 : i32
      %dma_start3A_88 = arith.constant 0 : i32
      %dma_start3A_89 = tpu.memref_slice %arg2[%add3A_47, %dma_start3A_87, %dma_start3A_88] : memref<128x2x512xi32, #tpu.memory_space<hbm>> -> memref<1x2x512xi32, #tpu.memory_space<hbm>>
      %dma_start3A_90 = tpu.memref_squeeze %dma_start3A_89 : memref<1x2x512xi32, #tpu.memory_space<hbm>> -> memref<2x512xi32, #tpu.memory_space<hbm>>
      tpu.enqueue_dma source(%dma_start3A_90 : memref<2x512xi32, #tpu.memory_space<hbm>>) target(%arg9 : memref<2x512xi32, #tpu.memory_space<vmem>>) target_semaphore(%run_scoped3A : memref<!tpu.dma_semaphore, #tpu.memory_space<semaphore_mem>>)
      %dma_wait3A = arith.constant 0 : i32
      %dma_wait3A_91 = arith.constant 0 : i32
      %dma_wait3A_92 = tpu.memref_slice %arg2[%add3A_47, %dma_wait3A, %dma_wait3A_91] : memref<128x2x512xi32, #tpu.memory_space<hbm>> -> memref<1x2x512xi32, #tpu.memory_space<hbm>>
      %dma_wait3A_93 = tpu.memref_squeeze %dma_wait3A_92 : memref<1x2x512xi32, #tpu.memory_space<hbm>> -> memref<2x512xi32, #tpu.memory_space<hbm>>
      %dma_wait3A_94 = arith.constant 0 : i32
      %dma_wait3A_95 = arith.constant 0 : i32
      %dma_wait3A_96 = tpu.memref_slice %arg2[%add3A_47, %dma_wait3A_94, %dma_wait3A_95] : memref<128x2x512xi32, #tpu.memory_space<hbm>> -> memref<1x2x512xi32, #tpu.memory_space<hbm>>
      %dma_wait3A_97 = tpu.memref_squeeze %dma_wait3A_96 : memref<1x2x512xi32, #tpu.memory_space<hbm>> -> memref<2x512xi32, #tpu.memory_space<hbm>>
      tpu.wait_dma2 semaphore(%run_scoped3A : memref<!tpu.dma_semaphore, #tpu.memory_space<semaphore_mem>>) src(%dma_wait3A_97 : memref<2x512xi32, #tpu.memory_space<hbm>>) dst(%arg9 : memref<2x512xi32, #tpu.memory_space<vmem>>)
      tpu.yield
    }) : () -> ()
    %scan3A_55 = arith.constant 0 : i32
    %scan3A_56 = arith.constant 0 : i32
    %scan3A_57 = arith.constant 32 : i32
    %scan3A_58 = arith.addi %scan3A_56, %scan3A_57 : i32
    %scan3A_59 = arith.constant 4 : i32
    %scan3A_60 = scf.for %scan3A_84 = %scan3A_56 to %scan3A_58 step %scan3A_59 iter_args(%scan3A_85 = %scan3A_55) -> (i32)  : i32 {
      %mul3A_86 = arith.constant 16 : i32
      %mul3A_87 = arith.muli %scan3A_84, %mul3A_86 : i32
      %get3A = arith.constant 0 : i32
      %get3A_88 = arith.index_cast %get3A : i32 to index
      %get3A_89 = arith.index_cast %mul3A_87 : i32 to index
      %get3A_90 = tpu.vector_load %arg9[%get3A_88, %get3A_89] {strides = array<i32>} : memref<2x512xi32, #tpu.memory_space<vmem>>, vector<16xi32>,
      %mul3A_91 = arith.constant 16 : i32
      %mul3A_92 = arith.muli %scan3A_84, %mul3A_91 : i32
      %get3A_93 = arith.constant 1 : i32
      %get3A_94 = arith.index_cast %get3A_93 : i32 to index
      %get3A_95 = arith.index_cast %mul3A_92 : i32 to index
      %get3A_96 = tpu.vector_load %arg9[%get3A_94, %get3A_95] {strides = array<i32>} : memref<2x512xi32, #tpu.memory_space<vmem>>, vector<16xi32>,
      %mul3A_97 = arith.constant 32 : i32
      %mul3A_98 = vector.broadcast %mul3A_97 : i32 to vector<16xi32>
      %mul3A_99 = arith.muli %get3A_96, %mul3A_98 : vector<16xi32>
      %shift_right_logical3A = arith.constant 4 : i32
      %shift_right_logical3A_100 = vector.broadcast %shift_right_logical3A : i32 to vector<16xi32>
      %shift_right_logical3A_101 = arith.shrui %get3A_90, %shift_right_logical3A_100 : vector<16xi32>
      %add3A_102 = arith.addi %mul3A_99, %shift_right_logical3A_101 : vector<16xi32>
      %broadcast_in_dim3A = arith.constant 1 : i32
      %broadcast_in_dim3A_103 = vector.broadcast %broadcast_in_dim3A : i32 to vector<16xi32>
      %and3A_104 = arith.constant 15 : i32
      %and3A_105 = vector.broadcast %and3A_104 : i32 to vector<16xi32>
      %and3A_106 = arith.andi %get3A_90, %and3A_105 : vector<16xi32>
      %shift_left3A = arith.shli %broadcast_in_dim3A_103, %and3A_106 : vector<16xi32>
      %mul3A_107 = arith.constant 16 : i32
      %mul3A_108 = arith.muli %scan3A_84, %mul3A_107 : i32
      %add3A_109 = vector.broadcast %mul3A_108 : i32 to vector<16xi32>
      %add3A_110 = arith.addi %add3A_109, %iota3A : vector<16xi32>
      %lt3A = arith.constant 500 : i32
      %lt3A_111 = vector.broadcast %lt3A : i32 to vector<16xi32>
      %lt3A_112 = arith.cmpi slt, %add3A_110, %lt3A_111 : vector<16xi32>
      tpu.vector_store_idx %arg8[%add3A_102], %shift_left3A masked %lt3A_112 {add = true} : memref<16384xi32, #tpu.memory_space<vmem>>[vector<16xi32>], vector<16xi32>, vector<16xi1>
      %scan3A_113 = arith.constant 0 : i32
      %scan3A_114 = arith.constant 1 : i32
      %scan3A_115 = arith.addi %scan3A_84, %scan3A_114 : i32
      %mul3A_116 = arith.constant 16 : i32
      %mul3A_117 = arith.muli %scan3A_115, %mul3A_116 : i32
      %get3A_118 = arith.constant 0 : i32
      %get3A_119 = arith.index_cast %get3A_118 : i32 to index
      %get3A_120 = arith.index_cast %mul3A_117 : i32 to index
      %get3A_121 = tpu.vector_load %arg9[%get3A_119, %get3A_120] {strides = array<i32>} : memref<2x512xi32, #tpu.memory_space<vmem>>, vector<16xi32>,
      %mul3A_122 = arith.constant 16 : i32
      %mul3A_123 = arith.muli %scan3A_115, %mul3A_122 : i32
      %get3A_124 = arith.constant 1 : i32
      %get3A_125 = arith.index_cast %get3A_124 : i32 to index
      %get3A_126 = arith.index_cast %mul3A_123 : i32 to index
      %get3A_127 = tpu.vector_load %arg9[%get3A_125, %get3A_126] {strides = array<i32>} : memref<2x512xi32, #tpu.memory_space<vmem>>, vector<16xi32>,
      %mul3A_128 = arith.constant 32 : i32
      %mul3A_129 = vector.broadcast %mul3A_128 : i32 to vector<16xi32>
      %mul3A_130 = arith.muli %get3A_127, %mul3A_129 : vector<16xi32>
      %shift_right_logical3A_131 = arith.constant 4 : i32
      %shift_right_logical3A_132 = vector.broadcast %shift_right_logical3A_131 : i32 to vector<16xi32>
      %shift_right_logical3A_133 = arith.shrui %get3A_121, %shift_right_logical3A_132 : vector<16xi32>
      %add3A_134 = arith.addi %mul3A_130, %shift_right_logical3A_133 : vector<16xi32>
      %broadcast_in_dim3A_135 = arith.constant 1 : i32
      %broadcast_in_dim3A_136 = vector.broadcast %broadcast_in_dim3A_135 : i32 to vector<16xi32>
      %and3A_137 = arith.constant 15 : i32
      %and3A_138 = vector.broadcast %and3A_137 : i32 to vector<16xi32>
      %and3A_139 = arith.andi %get3A_121, %and3A_138 : vector<16xi32>
      %shift_left3A_140 = arith.shli %broadcast_in_dim3A_136, %and3A_139 : vector<16xi32>
      %mul3A_141 = arith.constant 16 : i32
      %mul3A_142 = arith.muli %scan3A_115, %mul3A_141 : i32
      %add3A_143 = vector.broadcast %mul3A_142 : i32 to vector<16xi32>
      %add3A_144 = arith.addi %add3A_143, %iota3A : vector<16xi32>
      %lt3A_145 = arith.constant 500 : i32
      %lt3A_146 = vector.broadcast %lt3A_145 : i32 to vector<16xi32>
      %lt3A_147 = arith.cmpi slt, %add3A_144, %lt3A_146 : vector<16xi32>
      tpu.vector_store_idx %arg8[%add3A_134], %shift_left3A_140 masked %lt3A_147 {add = true} : memref<16384xi32, #tpu.memory_space<vmem>>[vector<16xi32>], vector<16xi32>, vector<16xi1>
      %scan3A_148 = arith.constant 0 : i32
      %scan3A_149 = arith.constant 2 : i32
      %scan3A_150 = arith.addi %scan3A_84, %scan3A_149 : i32
      %mul3A_151 = arith.constant 16 : i32
      %mul3A_152 = arith.muli %scan3A_150, %mul3A_151 : i32
      %get3A_153 = arith.constant 0 : i32
      %get3A_154 = arith.index_cast %get3A_153 : i32 to index
      %get3A_155 = arith.index_cast %mul3A_152 : i32 to index
      %get3A_156 = tpu.vector_load %arg9[%get3A_154, %get3A_155] {strides = array<i32>} : memref<2x512xi32, #tpu.memory_space<vmem>>, vector<16xi32>,
      %mul3A_157 = arith.constant 16 : i32
      %mul3A_158 = arith.muli %scan3A_150, %mul3A_157 : i32
      %get3A_159 = arith.constant 1 : i32
      %get3A_160 = arith.index_cast %get3A_159 : i32 to index
      %get3A_161 = arith.index_cast %mul3A_158 : i32 to index
      %get3A_162 = tpu.vector_load %arg9[%get3A_160, %get3A_161] {strides = array<i32>} : memref<2x512xi32, #tpu.memory_space<vmem>>, vector<16xi32>,
      %mul3A_163 = arith.constant 32 : i32
      %mul3A_164 = vector.broadcast %mul3A_163 : i32 to vector<16xi32>
      %mul3A_165 = arith.muli %get3A_162, %mul3A_164 : vector<16xi32>
      %shift_right_logical3A_166 = arith.constant 4 : i32
      %shift_right_logical3A_167 = vector.broadcast %shift_right_logical3A_166 : i32 to vector<16xi32>
      %shift_right_logical3A_168 = arith.shrui %get3A_156, %shift_right_logical3A_167 : vector<16xi32>
      %add3A_169 = arith.addi %mul3A_165, %shift_right_logical3A_168 : vector<16xi32>
      %broadcast_in_dim3A_170 = arith.constant 1 : i32
      %broadcast_in_dim3A_171 = vector.broadcast %broadcast_in_dim3A_170 : i32 to vector<16xi32>
      %and3A_172 = arith.constant 15 : i32
      %and3A_173 = vector.broadcast %and3A_172 : i32 to vector<16xi32>
      %and3A_174 = arith.andi %get3A_156, %and3A_173 : vector<16xi32>
      %shift_left3A_175 = arith.shli %broadcast_in_dim3A_171, %and3A_174 : vector<16xi32>
      %mul3A_176 = arith.constant 16 : i32
      %mul3A_177 = arith.muli %scan3A_150, %mul3A_176 : i32
      %add3A_178 = vector.broadcast %mul3A_177 : i32 to vector<16xi32>
      %add3A_179 = arith.addi %add3A_178, %iota3A : vector<16xi32>
      %lt3A_180 = arith.constant 500 : i32
      %lt3A_181 = vector.broadcast %lt3A_180 : i32 to vector<16xi32>
      %lt3A_182 = arith.cmpi slt, %add3A_179, %lt3A_181 : vector<16xi32>
      tpu.vector_store_idx %arg8[%add3A_169], %shift_left3A_175 masked %lt3A_182 {add = true} : memref<16384xi32, #tpu.memory_space<vmem>>[vector<16xi32>], vector<16xi32>, vector<16xi1>
      %scan3A_183 = arith.constant 0 : i32
      %scan3A_184 = arith.constant 3 : i32
      %scan3A_185 = arith.addi %scan3A_84, %scan3A_184 : i32
      %mul3A_186 = arith.constant 16 : i32
      %mul3A_187 = arith.muli %scan3A_185, %mul3A_186 : i32
      %get3A_188 = arith.constant 0 : i32
      %get3A_189 = arith.index_cast %get3A_188 : i32 to index
      %get3A_190 = arith.index_cast %mul3A_187 : i32 to index
      %get3A_191 = tpu.vector_load %arg9[%get3A_189, %get3A_190] {strides = array<i32>} : memref<2x512xi32, #tpu.memory_space<vmem>>, vector<16xi32>,
      %mul3A_192 = arith.constant 16 : i32
      %mul3A_193 = arith.muli %scan3A_185, %mul3A_192 : i32
      %get3A_194 = arith.constant 1 : i32
      %get3A_195 = arith.index_cast %get3A_194 : i32 to index
      %get3A_196 = arith.index_cast %mul3A_193 : i32 to index
      %get3A_197 = tpu.vector_load %arg9[%get3A_195, %get3A_196] {strides = array<i32>} : memref<2x512xi32, #tpu.memory_space<vmem>>, vector<16xi32>,
      %mul3A_198 = arith.constant 32 : i32
      %mul3A_199 = vector.broadcast %mul3A_198 : i32 to vector<16xi32>
      %mul3A_200 = arith.muli %get3A_197, %mul3A_199 : vector<16xi32>
      %shift_right_logical3A_201 = arith.constant 4 : i32
      %shift_right_logical3A_202 = vector.broadcast %shift_right_logical3A_201 : i32 to vector<16xi32>
      %shift_right_logical3A_203 = arith.shrui %get3A_191, %shift_right_logical3A_202 : vector<16xi32>
      %add3A_204 = arith.addi %mul3A_200, %shift_right_logical3A_203 : vector<16xi32>
      %broadcast_in_dim3A_205 = arith.constant 1 : i32
      %broadcast_in_dim3A_206 = vector.broadcast %broadcast_in_dim3A_205 : i32 to vector<16xi32>
      %and3A_207 = arith.constant 15 : i32
      %and3A_208 = vector.broadcast %and3A_207 : i32 to vector<16xi32>
      %and3A_209 = arith.andi %get3A_191, %and3A_208 : vector<16xi32>
      %shift_left3A_210 = arith.shli %broadcast_in_dim3A_206, %and3A_209 : vector<16xi32>
      %mul3A_211 = arith.constant 16 : i32
      %mul3A_212 = arith.muli %scan3A_185, %mul3A_211 : i32
      %add3A_213 = vector.broadcast %mul3A_212 : i32 to vector<16xi32>
      %add3A_214 = arith.addi %add3A_213, %iota3A : vector<16xi32>
      %lt3A_215 = arith.constant 500 : i32
      %lt3A_216 = vector.broadcast %lt3A_215 : i32 to vector<16xi32>
      %lt3A_217 = arith.cmpi slt, %add3A_214, %lt3A_216 : vector<16xi32>
      tpu.vector_store_idx %arg8[%add3A_204], %shift_left3A_210 masked %lt3A_217 {add = true} : memref<16384xi32, #tpu.memory_space<vmem>>[vector<16xi32>], vector<16xi32>, vector<16xi1>
      %scan3A_218 = arith.constant 0 : i32
      scf.yield %scan3A_218 : i32
    }
    %scan3A_61 = arith.constant 32 : i32
    %mul3A_62 = arith.constant 16384 : i32
    %mul3A_63 = arith.muli %add3A_47, %mul3A_62 : i32
    "tpu.region"() ({
      %run_scoped3A = tpu.sem_alloc : memref<!tpu.dma_semaphore, #tpu.memory_space<semaphore_mem>>
      %dma_start3A = tpu.memref_slice %arg5[%mul3A_63] : memref<2097152xi32, #tpu.memory_space<hbm>> -> memref<16384xi32, #tpu.memory_space<hbm>>
      %dma_start3A_84 = tpu.memref_slice %arg5[%mul3A_63] : memref<2097152xi32, #tpu.memory_space<hbm>> -> memref<16384xi32, #tpu.memory_space<hbm>>
      tpu.enqueue_dma source(%arg8 : memref<16384xi32, #tpu.memory_space<vmem>>) target(%dma_start3A_84 : memref<16384xi32, #tpu.memory_space<hbm>>) target_semaphore(%run_scoped3A : memref<!tpu.dma_semaphore, #tpu.memory_space<semaphore_mem>>)
      %dma_wait3A = tpu.memref_slice %arg5[%mul3A_63] : memref<2097152xi32, #tpu.memory_space<hbm>> -> memref<16384xi32, #tpu.memory_space<hbm>>
      %dma_wait3A_85 = tpu.memref_slice %arg5[%mul3A_63] : memref<2097152xi32, #tpu.memory_space<hbm>> -> memref<16384xi32, #tpu.memory_space<hbm>>
      tpu.wait_dma2 semaphore(%run_scoped3A : memref<!tpu.dma_semaphore, #tpu.memory_space<semaphore_mem>>) src(%arg8 : memref<16384xi32, #tpu.memory_space<vmem>>) dst(%dma_wait3A_85 : memref<16384xi32, #tpu.memory_space<hbm>>)
      tpu.yield
    }) : () -> ()
    %mul3A_64 = arith.constant 4 : i32
    %mul3A_65 = arith.muli %add3A, %mul3A_64 : i32
    %add3A_66 = arith.constant 3 : i32
    %add3A_67 = arith.addi %mul3A_65, %add3A_66 : i32
    %scan3A_68 = arith.constant 0 : i32
    %scan3A_69 = arith.constant 0 : i32
    %scan3A_70 = arith.constant 1024 : i32
    %scan3A_71 = arith.addi %scan3A_69, %scan3A_70 : i32
    %scan3A_72 = arith.constant 8 : i32
    %scan3A_73 = scf.for %scan3A_84 = %scan3A_69 to %scan3A_71 step %scan3A_72 iter_args(%scan3A_85 = %scan3A_68) -> (i32)  : i32 {
      %broadcast_in_dim3A = arith.constant 0 : i32
      %broadcast_in_dim3A_86 = vector.broadcast %broadcast_in_dim3A : i32 to vector<16xi32>
      %mul3A_87 = arith.constant 16 : i32
      %mul3A_88 = arith.muli %scan3A_84, %mul3A_87 : i32
      %swap3A = arith.index_cast %mul3A_88 : i32 to index
      %swap3A_89 = tpu.vector_load %arg8[%swap3A] {strides = array<i32>} : memref<16384xi32, #tpu.memory_space<vmem>>, vector<16xi32>,
      tpu.vector_store %arg8[%swap3A], %broadcast_in_dim3A_86 {strides = array<i32>} : memref<16384xi32, #tpu.memory_space<vmem>>, vector<16xi32>,
      %scan3A_90 = arith.constant 0 : i32
      %scan3A_91 = arith.constant 1 : i32
      %scan3A_92 = arith.addi %scan3A_84, %scan3A_91 : i32
      %broadcast_in_dim3A_93 = arith.constant 0 : i32
      %broadcast_in_dim3A_94 = vector.broadcast %broadcast_in_dim3A_93 : i32 to vector<16xi32>
      %mul3A_95 = arith.constant 16 : i32
      %mul3A_96 = arith.muli %scan3A_92, %mul3A_95 : i32
      %swap3A_97 = arith.index_cast %mul3A_96 : i32 to index
      %swap3A_98 = tpu.vector_load %arg8[%swap3A_97] {strides = array<i32>} : memref<16384xi32, #tpu.memory_space<vmem>>, vector<16xi32>,
      tpu.vector_store %arg8[%swap3A_97], %broadcast_in_dim3A_94 {strides = array<i32>} : memref<16384xi32, #tpu.memory_space<vmem>>, vector<16xi32>,
      %scan3A_99 = arith.constant 0 : i32
      %scan3A_100 = arith.constant 2 : i32
      %scan3A_101 = arith.addi %scan3A_84, %scan3A_100 : i32
      %broadcast_in_dim3A_102 = arith.constant 0 : i32
      %broadcast_in_dim3A_103 = vector.broadcast %broadcast_in_dim3A_102 : i32 to vector<16xi32>
      %mul3A_104 = arith.constant 16 : i32
      %mul3A_105 = arith.muli %scan3A_101, %mul3A_104 : i32
      %swap3A_106 = arith.index_cast %mul3A_105 : i32 to index
      %swap3A_107 = tpu.vector_load %arg8[%swap3A_106] {strides = array<i32>} : memref<16384xi32, #tpu.memory_space<vmem>>, vector<16xi32>,
      tpu.vector_store %arg8[%swap3A_106], %broadcast_in_dim3A_103 {strides = array<i32>} : memref<16384xi32, #tpu.memory_space<vmem>>, vector<16xi32>,
      %scan3A_108 = arith.constant 0 : i32
      %scan3A_109 = arith.constant 3 : i32
      %scan3A_110 = arith.addi %scan3A_84, %scan3A_109 : i32
      %broadcast_in_dim3A_111 = arith.constant 0 : i32
      %broadcast_in_dim3A_112 = vector.broadcast %broadcast_in_dim3A_111 : i32 to vector<16xi32>
      %mul3A_113 = arith.constant 16 : i32
      %mul3A_114 = arith.muli %scan3A_110, %mul3A_113 : i32
      %swap3A_115 = arith.index_cast %mul3A_114 : i32 to index
      %swap3A_116 = tpu.vector_load %arg8[%swap3A_115] {strides = array<i32>} : memref<16384xi32, #tpu.memory_space<vmem>>, vector<16xi32>,
      tpu.vector_store %arg8[%swap3A_115], %broadcast_in_dim3A_112 {strides = array<i32>} : memref<16384xi32, #tpu.memory_space<vmem>>, vector<16xi32>,
      %scan3A_117 = arith.constant 0 : i32
      %scan3A_118 = arith.constant 4 : i32
      %scan3A_119 = arith.addi %scan3A_84, %scan3A_118 : i32
      %broadcast_in_dim3A_120 = arith.constant 0 : i32
      %broadcast_in_dim3A_121 = vector.broadcast %broadcast_in_dim3A_120 : i32 to vector<16xi32>
      %mul3A_122 = arith.constant 16 : i32
      %mul3A_123 = arith.muli %scan3A_119, %mul3A_122 : i32
      %swap3A_124 = arith.index_cast %mul3A_123 : i32 to index
      %swap3A_125 = tpu.vector_load %arg8[%swap3A_124] {strides = array<i32>} : memref<16384xi32, #tpu.memory_space<vmem>>, vector<16xi32>,
      tpu.vector_store %arg8[%swap3A_124], %broadcast_in_dim3A_121 {strides = array<i32>} : memref<16384xi32, #tpu.memory_space<vmem>>, vector<16xi32>,
      %scan3A_126 = arith.constant 0 : i32
      %scan3A_127 = arith.constant 5 : i32
      %scan3A_128 = arith.addi %scan3A_84, %scan3A_127 : i32
      %broadcast_in_dim3A_129 = arith.constant 0 : i32
      %broadcast_in_dim3A_130 = vector.broadcast %broadcast_in_dim3A_129 : i32 to vector<16xi32>
      %mul3A_131 = arith.constant 16 : i32
      %mul3A_132 = arith.muli %scan3A_128, %mul3A_131 : i32
      %swap3A_133 = arith.index_cast %mul3A_132 : i32 to index
      %swap3A_134 = tpu.vector_load %arg8[%swap3A_133] {strides = array<i32>} : memref<16384xi32, #tpu.memory_space<vmem>>, vector<16xi32>,
      tpu.vector_store %arg8[%swap3A_133], %broadcast_in_dim3A_130 {strides = array<i32>} : memref<16384xi32, #tpu.memory_space<vmem>>, vector<16xi32>,
      %scan3A_135 = arith.constant 0 : i32
      %scan3A_136 = arith.constant 6 : i32
      %scan3A_137 = arith.addi %scan3A_84, %scan3A_136 : i32
      %broadcast_in_dim3A_138 = arith.constant 0 : i32
      %broadcast_in_dim3A_139 = vector.broadcast %broadcast_in_dim3A_138 : i32 to vector<16xi32>
      %mul3A_140 = arith.constant 16 : i32
      %mul3A_141 = arith.muli %scan3A_137, %mul3A_140 : i32
      %swap3A_142 = arith.index_cast %mul3A_141 : i32 to index
      %swap3A_143 = tpu.vector_load %arg8[%swap3A_142] {strides = array<i32>} : memref<16384xi32, #tpu.memory_space<vmem>>, vector<16xi32>,
      tpu.vector_store %arg8[%swap3A_142], %broadcast_in_dim3A_139 {strides = array<i32>} : memref<16384xi32, #tpu.memory_space<vmem>>, vector<16xi32>,
      %scan3A_144 = arith.constant 0 : i32
      %scan3A_145 = arith.constant 7 : i32
      %scan3A_146 = arith.addi %scan3A_84, %scan3A_145 : i32
      %broadcast_in_dim3A_147 = arith.constant 0 : i32
      %broadcast_in_dim3A_148 = vector.broadcast %broadcast_in_dim3A_147 : i32 to vector<16xi32>
      %mul3A_149 = arith.constant 16 : i32
      %mul3A_150 = arith.muli %scan3A_146, %mul3A_149 : i32
      %swap3A_151 = arith.index_cast %mul3A_150 : i32 to index
      %swap3A_152 = tpu.vector_load %arg8[%swap3A_151] {strides = array<i32>} : memref<16384xi32, #tpu.memory_space<vmem>>, vector<16xi32>,
      tpu.vector_store %arg8[%swap3A_151], %broadcast_in_dim3A_148 {strides = array<i32>} : memref<16384xi32, #tpu.memory_space<vmem>>, vector<16xi32>,
      %scan3A_153 = arith.constant 0 : i32
      scf.yield %scan3A_153 : i32
    }
    %scan3A_74 = arith.constant 1024 : i32
    "tpu.region"() ({
      %run_scoped3A = tpu.sem_alloc : memref<!tpu.dma_semaphore, #tpu.memory_space<semaphore_mem>>
      %dma_start3A = arith.constant 0 : i32
      %dma_start3A_84 = arith.constant 0 : i32
      %dma_start3A_85 = tpu.memref_slice %arg2[%add3A_67, %dma_start3A, %dma_start3A_84] : memref<128x2x512xi32, #tpu.memory_space<hbm>> -> memref<1x2x512xi32, #tpu.memory_space<hbm>>
      %dma_start3A_86 = tpu.memref_squeeze %dma_start3A_85 : memref<1x2x512xi32, #tpu.memory_space<hbm>> -> memref<2x512xi32, #tpu.memory_space<hbm>>
      %dma_start3A_87 = arith.constant 0 : i32
      %dma_start3A_88 = arith.constant 0 : i32
      %dma_start3A_89 = tpu.memref_slice %arg2[%add3A_67, %dma_start3A_87, %dma_start3A_88] : memref<128x2x512xi32, #tpu.memory_space<hbm>> -> memref<1x2x512xi32, #tpu.memory_space<hbm>>
      %dma_start3A_90 = tpu.memref_squeeze %dma_start3A_89 : memref<1x2x512xi32, #tpu.memory_space<hbm>> -> memref<2x512xi32, #tpu.memory_space<hbm>>
      tpu.enqueue_dma source(%dma_start3A_90 : memref<2x512xi32, #tpu.memory_space<hbm>>) target(%arg9 : memref<2x512xi32, #tpu.memory_space<vmem>>) target_semaphore(%run_scoped3A : memref<!tpu.dma_semaphore, #tpu.memory_space<semaphore_mem>>)
      %dma_wait3A = arith.constant 0 : i32
      %dma_wait3A_91 = arith.constant 0 : i32
      %dma_wait3A_92 = tpu.memref_slice %arg2[%add3A_67, %dma_wait3A, %dma_wait3A_91] : memref<128x2x512xi32, #tpu.memory_space<hbm>> -> memref<1x2x512xi32, #tpu.memory_space<hbm>>
      %dma_wait3A_93 = tpu.memref_squeeze %dma_wait3A_92 : memref<1x2x512xi32, #tpu.memory_space<hbm>> -> memref<2x512xi32, #tpu.memory_space<hbm>>
      %dma_wait3A_94 = arith.constant 0 : i32
      %dma_wait3A_95 = arith.constant 0 : i32
      %dma_wait3A_96 = tpu.memref_slice %arg2[%add3A_67, %dma_wait3A_94, %dma_wait3A_95] : memref<128x2x512xi32, #tpu.memory_space<hbm>> -> memref<1x2x512xi32, #tpu.memory_space<hbm>>
      %dma_wait3A_97 = tpu.memref_squeeze %dma_wait3A_96 : memref<1x2x512xi32, #tpu.memory_space<hbm>> -> memref<2x512xi32, #tpu.memory_space<hbm>>
      tpu.wait_dma2 semaphore(%run_scoped3A : memref<!tpu.dma_semaphore, #tpu.memory_space<semaphore_mem>>) src(%dma_wait3A_97 : memref<2x512xi32, #tpu.memory_space<hbm>>) dst(%arg9 : memref<2x512xi32, #tpu.memory_space<vmem>>)
      tpu.yield
    }) : () -> ()
    %scan3A_75 = arith.constant 0 : i32
    %scan3A_76 = arith.constant 0 : i32
    %scan3A_77 = arith.constant 32 : i32
    %scan3A_78 = arith.addi %scan3A_76, %scan3A_77 : i32
    %scan3A_79 = arith.constant 4 : i32
    %scan3A_80 = scf.for %scan3A_84 = %scan3A_76 to %scan3A_78 step %scan3A_79 iter_args(%scan3A_85 = %scan3A_75) -> (i32)  : i32 {
      %mul3A_86 = arith.constant 16 : i32
      %mul3A_87 = arith.muli %scan3A_84, %mul3A_86 : i32
      %get3A = arith.constant 0 : i32
      %get3A_88 = arith.index_cast %get3A : i32 to index
      %get3A_89 = arith.index_cast %mul3A_87 : i32 to index
      %get3A_90 = tpu.vector_load %arg9[%get3A_88, %get3A_89] {strides = array<i32>} : memref<2x512xi32, #tpu.memory_space<vmem>>, vector<16xi32>,
      %mul3A_91 = arith.constant 16 : i32
      %mul3A_92 = arith.muli %scan3A_84, %mul3A_91 : i32
      %get3A_93 = arith.constant 1 : i32
      %get3A_94 = arith.index_cast %get3A_93 : i32 to index
      %get3A_95 = arith.index_cast %mul3A_92 : i32 to index
      %get3A_96 = tpu.vector_load %arg9[%get3A_94, %get3A_95] {strides = array<i32>} : memref<2x512xi32, #tpu.memory_space<vmem>>, vector<16xi32>,
      %mul3A_97 = arith.constant 32 : i32
      %mul3A_98 = vector.broadcast %mul3A_97 : i32 to vector<16xi32>
      %mul3A_99 = arith.muli %get3A_96, %mul3A_98 : vector<16xi32>
      %shift_right_logical3A = arith.constant 4 : i32
      %shift_right_logical3A_100 = vector.broadcast %shift_right_logical3A : i32 to vector<16xi32>
      %shift_right_logical3A_101 = arith.shrui %get3A_90, %shift_right_logical3A_100 : vector<16xi32>
      %add3A_102 = arith.addi %mul3A_99, %shift_right_logical3A_101 : vector<16xi32>
      %broadcast_in_dim3A = arith.constant 1 : i32
      %broadcast_in_dim3A_103 = vector.broadcast %broadcast_in_dim3A : i32 to vector<16xi32>
      %and3A_104 = arith.constant 15 : i32
      %and3A_105 = vector.broadcast %and3A_104 : i32 to vector<16xi32>
      %and3A_106 = arith.andi %get3A_90, %and3A_105 : vector<16xi32>
      %shift_left3A = arith.shli %broadcast_in_dim3A_103, %and3A_106 : vector<16xi32>
      %mul3A_107 = arith.constant 16 : i32
      %mul3A_108 = arith.muli %scan3A_84, %mul3A_107 : i32
      %add3A_109 = vector.broadcast %mul3A_108 : i32 to vector<16xi32>
      %add3A_110 = arith.addi %add3A_109, %iota3A : vector<16xi32>
      %lt3A = arith.constant 500 : i32
      %lt3A_111 = vector.broadcast %lt3A : i32 to vector<16xi32>
      %lt3A_112 = arith.cmpi slt, %add3A_110, %lt3A_111 : vector<16xi32>
      tpu.vector_store_idx %arg8[%add3A_102], %shift_left3A masked %lt3A_112 {add = true} : memref<16384xi32, #tpu.memory_space<vmem>>[vector<16xi32>], vector<16xi32>, vector<16xi1>
      %scan3A_113 = arith.constant 0 : i32
      %scan3A_114 = arith.constant 1 : i32
      %scan3A_115 = arith.addi %scan3A_84, %scan3A_114 : i32
      %mul3A_116 = arith.constant 16 : i32
      %mul3A_117 = arith.muli %scan3A_115, %mul3A_116 : i32
      %get3A_118 = arith.constant 0 : i32
      %get3A_119 = arith.index_cast %get3A_118 : i32 to index
      %get3A_120 = arith.index_cast %mul3A_117 : i32 to index
      %get3A_121 = tpu.vector_load %arg9[%get3A_119, %get3A_120] {strides = array<i32>} : memref<2x512xi32, #tpu.memory_space<vmem>>, vector<16xi32>,
      %mul3A_122 = arith.constant 16 : i32
      %mul3A_123 = arith.muli %scan3A_115, %mul3A_122 : i32
      %get3A_124 = arith.constant 1 : i32
      %get3A_125 = arith.index_cast %get3A_124 : i32 to index
      %get3A_126 = arith.index_cast %mul3A_123 : i32 to index
      %get3A_127 = tpu.vector_load %arg9[%get3A_125, %get3A_126] {strides = array<i32>} : memref<2x512xi32, #tpu.memory_space<vmem>>, vector<16xi32>,
      %mul3A_128 = arith.constant 32 : i32
      %mul3A_129 = vector.broadcast %mul3A_128 : i32 to vector<16xi32>
      %mul3A_130 = arith.muli %get3A_127, %mul3A_129 : vector<16xi32>
      %shift_right_logical3A_131 = arith.constant 4 : i32
      %shift_right_logical3A_132 = vector.broadcast %shift_right_logical3A_131 : i32 to vector<16xi32>
      %shift_right_logical3A_133 = arith.shrui %get3A_121, %shift_right_logical3A_132 : vector<16xi32>
      %add3A_134 = arith.addi %mul3A_130, %shift_right_logical3A_133 : vector<16xi32>
      %broadcast_in_dim3A_135 = arith.constant 1 : i32
      %broadcast_in_dim3A_136 = vector.broadcast %broadcast_in_dim3A_135 : i32 to vector<16xi32>
      %and3A_137 = arith.constant 15 : i32
      %and3A_138 = vector.broadcast %and3A_137 : i32 to vector<16xi32>
      %and3A_139 = arith.andi %get3A_121, %and3A_138 : vector<16xi32>
      %shift_left3A_140 = arith.shli %broadcast_in_dim3A_136, %and3A_139 : vector<16xi32>
      %mul3A_141 = arith.constant 16 : i32
      %mul3A_142 = arith.muli %scan3A_115, %mul3A_141 : i32
      %add3A_143 = vector.broadcast %mul3A_142 : i32 to vector<16xi32>
      %add3A_144 = arith.addi %add3A_143, %iota3A : vector<16xi32>
      %lt3A_145 = arith.constant 500 : i32
      %lt3A_146 = vector.broadcast %lt3A_145 : i32 to vector<16xi32>
      %lt3A_147 = arith.cmpi slt, %add3A_144, %lt3A_146 : vector<16xi32>
      tpu.vector_store_idx %arg8[%add3A_134], %shift_left3A_140 masked %lt3A_147 {add = true} : memref<16384xi32, #tpu.memory_space<vmem>>[vector<16xi32>], vector<16xi32>, vector<16xi1>
      %scan3A_148 = arith.constant 0 : i32
      %scan3A_149 = arith.constant 2 : i32
      %scan3A_150 = arith.addi %scan3A_84, %scan3A_149 : i32
      %mul3A_151 = arith.constant 16 : i32
      %mul3A_152 = arith.muli %scan3A_150, %mul3A_151 : i32
      %get3A_153 = arith.constant 0 : i32
      %get3A_154 = arith.index_cast %get3A_153 : i32 to index
      %get3A_155 = arith.index_cast %mul3A_152 : i32 to index
      %get3A_156 = tpu.vector_load %arg9[%get3A_154, %get3A_155] {strides = array<i32>} : memref<2x512xi32, #tpu.memory_space<vmem>>, vector<16xi32>,
      %mul3A_157 = arith.constant 16 : i32
      %mul3A_158 = arith.muli %scan3A_150, %mul3A_157 : i32
      %get3A_159 = arith.constant 1 : i32
      %get3A_160 = arith.index_cast %get3A_159 : i32 to index
      %get3A_161 = arith.index_cast %mul3A_158 : i32 to index
      %get3A_162 = tpu.vector_load %arg9[%get3A_160, %get3A_161] {strides = array<i32>} : memref<2x512xi32, #tpu.memory_space<vmem>>, vector<16xi32>,
      %mul3A_163 = arith.constant 32 : i32
      %mul3A_164 = vector.broadcast %mul3A_163 : i32 to vector<16xi32>
      %mul3A_165 = arith.muli %get3A_162, %mul3A_164 : vector<16xi32>
      %shift_right_logical3A_166 = arith.constant 4 : i32
      %shift_right_logical3A_167 = vector.broadcast %shift_right_logical3A_166 : i32 to vector<16xi32>
      %shift_right_logical3A_168 = arith.shrui %get3A_156, %shift_right_logical3A_167 : vector<16xi32>
      %add3A_169 = arith.addi %mul3A_165, %shift_right_logical3A_168 : vector<16xi32>
      %broadcast_in_dim3A_170 = arith.constant 1 : i32
      %broadcast_in_dim3A_171 = vector.broadcast %broadcast_in_dim3A_170 : i32 to vector<16xi32>
      %and3A_172 = arith.constant 15 : i32
      %and3A_173 = vector.broadcast %and3A_172 : i32 to vector<16xi32>
      %and3A_174 = arith.andi %get3A_156, %and3A_173 : vector<16xi32>
      %shift_left3A_175 = arith.shli %broadcast_in_dim3A_171, %and3A_174 : vector<16xi32>
      %mul3A_176 = arith.constant 16 : i32
      %mul3A_177 = arith.muli %scan3A_150, %mul3A_176 : i32
      %add3A_178 = vector.broadcast %mul3A_177 : i32 to vector<16xi32>
      %add3A_179 = arith.addi %add3A_178, %iota3A : vector<16xi32>
      %lt3A_180 = arith.constant 500 : i32
      %lt3A_181 = vector.broadcast %lt3A_180 : i32 to vector<16xi32>
      %lt3A_182 = arith.cmpi slt, %add3A_179, %lt3A_181 : vector<16xi32>
      tpu.vector_store_idx %arg8[%add3A_169], %shift_left3A_175 masked %lt3A_182 {add = true} : memref<16384xi32, #tpu.memory_space<vmem>>[vector<16xi32>], vector<16xi32>, vector<16xi1>
      %scan3A_183 = arith.constant 0 : i32
      %scan3A_184 = arith.constant 3 : i32
      %scan3A_185 = arith.addi %scan3A_84, %scan3A_184 : i32
      %mul3A_186 = arith.constant 16 : i32
      %mul3A_187 = arith.muli %scan3A_185, %mul3A_186 : i32
      %get3A_188 = arith.constant 0 : i32
      %get3A_189 = arith.index_cast %get3A_188 : i32 to index
      %get3A_190 = arith.index_cast %mul3A_187 : i32 to index
      %get3A_191 = tpu.vector_load %arg9[%get3A_189, %get3A_190] {strides = array<i32>} : memref<2x512xi32, #tpu.memory_space<vmem>>, vector<16xi32>,
      %mul3A_192 = arith.constant 16 : i32
      %mul3A_193 = arith.muli %scan3A_185, %mul3A_192 : i32
      %get3A_194 = arith.constant 1 : i32
      %get3A_195 = arith.index_cast %get3A_194 : i32 to index
      %get3A_196 = arith.index_cast %mul3A_193 : i32 to index
      %get3A_197 = tpu.vector_load %arg9[%get3A_195, %get3A_196] {strides = array<i32>} : memref<2x512xi32, #tpu.memory_space<vmem>>, vector<16xi32>,
      %mul3A_198 = arith.constant 32 : i32
      %mul3A_199 = vector.broadcast %mul3A_198 : i32 to vector<16xi32>
      %mul3A_200 = arith.muli %get3A_197, %mul3A_199 : vector<16xi32>
      %shift_right_logical3A_201 = arith.constant 4 : i32
      %shift_right_logical3A_202 = vector.broadcast %shift_right_logical3A_201 : i32 to vector<16xi32>
      %shift_right_logical3A_203 = arith.shrui %get3A_191, %shift_right_logical3A_202 : vector<16xi32>
      %add3A_204 = arith.addi %mul3A_200, %shift_right_logical3A_203 : vector<16xi32>
      %broadcast_in_dim3A_205 = arith.constant 1 : i32
      %broadcast_in_dim3A_206 = vector.broadcast %broadcast_in_dim3A_205 : i32 to vector<16xi32>
      %and3A_207 = arith.constant 15 : i32
      %and3A_208 = vector.broadcast %and3A_207 : i32 to vector<16xi32>
      %and3A_209 = arith.andi %get3A_191, %and3A_208 : vector<16xi32>
      %shift_left3A_210 = arith.shli %broadcast_in_dim3A_206, %and3A_209 : vector<16xi32>
      %mul3A_211 = arith.constant 16 : i32
      %mul3A_212 = arith.muli %scan3A_185, %mul3A_211 : i32
      %add3A_213 = vector.broadcast %mul3A_212 : i32 to vector<16xi32>
      %add3A_214 = arith.addi %add3A_213, %iota3A : vector<16xi32>
      %lt3A_215 = arith.constant 500 : i32
      %lt3A_216 = vector.broadcast %lt3A_215 : i32 to vector<16xi32>
      %lt3A_217 = arith.cmpi slt, %add3A_214, %lt3A_216 : vector<16xi32>
      tpu.vector_store_idx %arg8[%add3A_204], %shift_left3A_210 masked %lt3A_217 {add = true} : memref<16384xi32, #tpu.memory_space<vmem>>[vector<16xi32>], vector<16xi32>, vector<16xi1>
      %scan3A_218 = arith.constant 0 : i32
      scf.yield %scan3A_218 : i32
    }
    %scan3A_81 = arith.constant 32 : i32
    %mul3A_82 = arith.constant 16384 : i32
    %mul3A_83 = arith.muli %add3A_67, %mul3A_82 : i32
    "tpu.region"() ({
      %run_scoped3A = tpu.sem_alloc : memref<!tpu.dma_semaphore, #tpu.memory_space<semaphore_mem>>
      %dma_start3A = tpu.memref_slice %arg5[%mul3A_83] : memref<2097152xi32, #tpu.memory_space<hbm>> -> memref<16384xi32, #tpu.memory_space<hbm>>
      %dma_start3A_84 = tpu.memref_slice %arg5[%mul3A_83] : memref<2097152xi32, #tpu.memory_space<hbm>> -> memref<16384xi32, #tpu.memory_space<hbm>>
      tpu.enqueue_dma source(%arg8 : memref<16384xi32, #tpu.memory_space<vmem>>) target(%dma_start3A_84 : memref<16384xi32, #tpu.memory_space<hbm>>) target_semaphore(%run_scoped3A : memref<!tpu.dma_semaphore, #tpu.memory_space<semaphore_mem>>)
      %dma_wait3A = tpu.memref_slice %arg5[%mul3A_83] : memref<2097152xi32, #tpu.memory_space<hbm>> -> memref<16384xi32, #tpu.memory_space<hbm>>
      %dma_wait3A_85 = tpu.memref_slice %arg5[%mul3A_83] : memref<2097152xi32, #tpu.memory_space<hbm>> -> memref<16384xi32, #tpu.memory_space<hbm>>
      tpu.wait_dma2 semaphore(%run_scoped3A : memref<!tpu.dma_semaphore, #tpu.memory_space<semaphore_mem>>) src(%arg8 : memref<16384xi32, #tpu.memory_space<vmem>>) dst(%dma_wait3A_85 : memref<16384xi32, #tpu.memory_space<hbm>>)
      tpu.yield
    }) : () -> ()
    return
  }
}

module attributes {stable_mosaic.version = 14 : i64} {
  func.func @_patient_body(%arg0: i32, %arg1: memref<8x512x32xi32, #tpu.memory_space<vmem>>, %arg2: memref<8x512x64xf32, #tpu.memory_space<vmem>>, %arg3: memref<64x128xf32, #tpu.memory_space<vmem>>, %arg4: memref<1x128xf32, #tpu.memory_space<vmem>>, %arg5: memref<128x128xf32, #tpu.memory_space<vmem>>, %arg6: memref<1x128xf32, #tpu.memory_space<vmem>>, %arg7: memref<128x128xf32, #tpu.memory_space<vmem>>, %arg8: memref<1x128xf32, #tpu.memory_space<vmem>>, %arg9: memref<128x128xf32, #tpu.memory_space<vmem>>, %arg10: memref<1x128xf32, #tpu.memory_space<vmem>>, %arg11: memref<8x128xf32, #tpu.memory_space<vmem>>) attributes {dimension_semantics = [#tpu.dimension_semantics<arbitrary>], iteration_bounds = array<i64: 16>, scalar_prefetch = 0 : i64, scratch_operands = 0 : i64, tpu.core_type = #tpu.core_type<tc>, window_params = [{transform_indices = @transform_0, window_bounds = array<i64: 8, 512, 32>}, {transform_indices = @transform_1, window_bounds = array<i64: 8, 512, 64>}, {pipeline_mode = #tpu.pipeline_mode<synchronous>, transform_indices = @transform_2, window_bounds = array<i64: 64, 128>}, {pipeline_mode = #tpu.pipeline_mode<synchronous>, transform_indices = @transform_3, window_bounds = array<i64: 1, 128>}, {pipeline_mode = #tpu.pipeline_mode<synchronous>, transform_indices = @transform_4, window_bounds = array<i64: 128, 128>}, {pipeline_mode = #tpu.pipeline_mode<synchronous>, transform_indices = @transform_5, window_bounds = array<i64: 1, 128>}, {pipeline_mode = #tpu.pipeline_mode<synchronous>, transform_indices = @transform_6, window_bounds = array<i64: 128, 128>}, {pipeline_mode = #tpu.pipeline_mode<synchronous>, transform_indices = @transform_7, window_bounds = array<i64: 1, 128>}, {pipeline_mode = #tpu.pipeline_mode<synchronous>, transform_indices = @transform_8, window_bounds = array<i64: 128, 128>}, {pipeline_mode = #tpu.pipeline_mode<synchronous>, transform_indices = @transform_9, window_bounds = array<i64: 1, 128>}, {transform_indices = @transform_10, window_bounds = array<i64: 8, 128>}]} {
    %get3A = arith.constant 0 : index
    %get3A_0 = arith.constant 0 : index
    %get3A_1 = vector.load %arg3[%get3A, %get3A_0] : memref<64x128xf32, #tpu.memory_space<vmem>>, vector<64x128xf32>
    %get3A_2 = arith.constant 0 : index
    %get3A_3 = arith.constant 0 : index
    %get3A_4 = vector.load %arg5[%get3A_2, %get3A_3] : memref<128x128xf32, #tpu.memory_space<vmem>>, vector<128x128xf32>
    %get3A_5 = arith.constant 0 : index
    %get3A_6 = arith.constant 0 : index
    %get3A_7 = vector.load %arg7[%get3A_5, %get3A_6] : memref<128x128xf32, #tpu.memory_space<vmem>>, vector<128x128xf32>
    %get3A_8 = arith.constant 0 : index
    %get3A_9 = arith.constant 0 : index
    %get3A_10 = vector.load %arg4[%get3A_8, %get3A_9] : memref<1x128xf32, #tpu.memory_space<vmem>>, vector<1x128xf32>
    %get3A_11 = arith.constant 0 : index
    %get3A_12 = arith.constant 0 : index
    %get3A_13 = vector.load %arg6[%get3A_11, %get3A_12] : memref<1x128xf32, #tpu.memory_space<vmem>>, vector<1x128xf32>
    %get3A_14 = arith.constant 0 : index
    %get3A_15 = arith.constant 0 : index
    %get3A_16 = vector.load %arg8[%get3A_14, %get3A_15] : memref<1x128xf32, #tpu.memory_space<vmem>>, vector<1x128xf32>
    %iota3A = tpu.iota {dimensions = array<i32: 1>} : vector<32x512xi32>
    %jit3A = arith.constant 16 : i32
    %div3A = vector.broadcast %jit3A : i32 to vector<32x512xi32>
    %div3A_17 = arith.divsi %iota3A, %div3A : vector<32x512xi32>
    %sign3A = arith.constant 0 : i32
    %sign3A_18 = vector.broadcast %sign3A : i32 to vector<32x512xi32>
    %sign3A_19 = arith.cmpi sgt, %iota3A, %sign3A_18 : vector<32x512xi32>
    %sign3A_20 = arith.extui %sign3A_19 : vector<32x512xi1> to vector<32x512xi32>
    %sign3A_21 = arith.constant 0 : i32
    %sign3A_22 = vector.broadcast %sign3A_21 : i32 to vector<32x512xi32>
    %sign3A_23 = arith.cmpi slt, %iota3A, %sign3A_22 : vector<32x512xi32>
    %sign3A_24 = arith.extui %sign3A_23 : vector<32x512xi1> to vector<32x512xi32>
    %sign3A_25 = arith.subi %sign3A_20, %sign3A_24 : vector<32x512xi32>
    %sign3A_26 = arith.constant 0 : i32
    %sign3A_27 = arith.cmpi sgt, %jit3A, %sign3A_26 : i32
    %sign3A_28 = arith.extui %sign3A_27 : i1 to i32
    %sign3A_29 = arith.constant 0 : i32
    %sign3A_30 = arith.cmpi slt, %jit3A, %sign3A_29 : i32
    %sign3A_31 = arith.extui %sign3A_30 : i1 to i32
    %sign3A_32 = arith.subi %sign3A_28, %sign3A_31 : i32
    %ne3A = vector.broadcast %sign3A_32 : i32 to vector<32x512xi32>
    %ne3A_33 = arith.cmpi ne, %sign3A_25, %ne3A : vector<32x512xi32>
    %rem3A = vector.broadcast %jit3A : i32 to vector<32x512xi32>
    %rem3A_34 = arith.remsi %iota3A, %rem3A : vector<32x512xi32>
    %ne3A_35 = arith.constant 0 : i32
    %ne3A_36 = vector.broadcast %ne3A_35 : i32 to vector<32x512xi32>
    %ne3A_37 = arith.cmpi ne, %rem3A_34, %ne3A_36 : vector<32x512xi32>
    %and3A = arith.andi %ne3A_33, %ne3A_37 : vector<32x512xi1>
    %sub3A = arith.constant 1 : i32
    %sub3A_38 = vector.broadcast %sub3A : i32 to vector<32x512xi32>
    %sub3A_39 = arith.subi %div3A_17, %sub3A_38 : vector<32x512xi32>
    %select_n3A = arith.select %and3A, %sub3A_39, %div3A_17 : vector<32x512xi1>, vector<32x512xi32>
    %iota3A_40 = tpu.iota {dimensions = array<i32: 0>} : vector<32x512xi32>
    %eq3A = arith.cmpi eq, %select_n3A, %iota3A_40 : vector<32x512xi32>
    %convert_element_type3A = arith.extui %eq3A : vector<32x512xi1> to vector<32x512xi32>
    %convert_element_type3A_41 = arith.sitofp %convert_element_type3A : vector<32x512xi32> to vector<32x512xf32>
    %iota3A_42 = tpu.iota {dimensions = array<i32: 1>} : vector<512x512xi32>
    %and3A_43 = arith.constant 15 : i32
    %and3A_44 = vector.broadcast %and3A_43 : i32 to vector<512x512xi32>
    %and3A_45 = arith.andi %iota3A_42, %and3A_44 : vector<512x512xi32>
    %get3A_46 = arith.constant 0 : index
    %get3A_47 = arith.constant 0 : index
    %get3A_48 = arith.constant 0 : index
    %get3A_49 = vector.load %arg1[%get3A_46, %get3A_47, %get3A_48] : memref<8x512x32xi32, #tpu.memory_space<vmem>>, vector<1x512x32xi32>
    %get3A_50 = vector.shape_cast %get3A_49 : vector<1x512x32xi32> to vector<512x32xi32>
    %convert_element_type3A_51 = arith.sitofp %get3A_50 : vector<512x32xi32> to vector<512x32xf32>
    %dot_general3A = arith.constant dense<0.000000e+00> : vector<512x512xf32>
    %dot_general3A_52 = tpu.matmul %convert_element_type3A_51, %convert_element_type3A_41, %dot_general3A {dimension_numbers = #tpu.dot_dimension_numbers<[1], [0], [0], [1], [0, 0, 1, 1], [], []>, transpose_lhs_hint = false} : vector<512x32xf32>, vector<32x512xf32>, vector<512x512xf32> -> vector<512x512xf32>
    %convert_element_type3A_53 = arith.fptosi %dot_general3A_52 : vector<512x512xf32> to vector<512x512xi32>
    %shift_right_arithmetic3A = arith.shrsi %convert_element_type3A_53, %and3A_45 : vector<512x512xi32>
    %and3A_54 = arith.constant 1 : i32
    %and3A_55 = vector.broadcast %and3A_54 : i32 to vector<512x512xi32>
    %and3A_56 = arith.andi %shift_right_arithmetic3A, %and3A_55 : vector<512x512xi32>
    %convert_element_type3A_57 = arith.sitofp %and3A_56 : vector<512x512xi32> to vector<512x512xf32>
    %get3A_58 = arith.constant 1 : index
    %get3A_59 = arith.constant 0 : index
    %get3A_60 = arith.constant 0 : index
    %get3A_61 = vector.load %arg1[%get3A_58, %get3A_59, %get3A_60] : memref<8x512x32xi32, #tpu.memory_space<vmem>>, vector<1x512x32xi32>
    %get3A_62 = vector.shape_cast %get3A_61 : vector<1x512x32xi32> to vector<512x32xi32>
    %convert_element_type3A_63 = arith.sitofp %get3A_62 : vector<512x32xi32> to vector<512x32xf32>
    %dot_general3A_64 = arith.constant dense<0.000000e+00> : vector<512x512xf32>
    %dot_general3A_65 = tpu.matmul %convert_element_type3A_63, %convert_element_type3A_41, %dot_general3A_64 {dimension_numbers = #tpu.dot_dimension_numbers<[1], [0], [0], [1], [0, 0, 1, 1], [], []>, transpose_lhs_hint = false} : vector<512x32xf32>, vector<32x512xf32>, vector<512x512xf32> -> vector<512x512xf32>
    %convert_element_type3A_66 = arith.fptosi %dot_general3A_65 : vector<512x512xf32> to vector<512x512xi32>
    %shift_right_arithmetic3A_67 = arith.shrsi %convert_element_type3A_66, %and3A_45 : vector<512x512xi32>
    %and3A_68 = arith.constant 1 : i32
    %and3A_69 = vector.broadcast %and3A_68 : i32 to vector<512x512xi32>
    %and3A_70 = arith.andi %shift_right_arithmetic3A_67, %and3A_69 : vector<512x512xi32>
    %convert_element_type3A_71 = arith.sitofp %and3A_70 : vector<512x512xi32> to vector<512x512xf32>
    %reduce_sum3A = arith.constant dense<0.000000e+00> : vector<512xf32>
    %reduce_sum3A_72 = vector.multi_reduction <add>, %convert_element_type3A_57, %reduce_sum3A [1] : vector<512x512xf32> to vector<512xf32>
    %broadcast_in_dim3A = vector.shape_cast %reduce_sum3A_72 : vector<512xf32> to vector<512x1xf32>
    %add3A = arith.constant 1.000000e+00 : f32
    %add3A_73 = vector.broadcast %add3A : f32 to vector<512x1xf32>
    %add3A_74 = arith.addf %broadcast_in_dim3A, %add3A_73 : vector<512x1xf32>
    %rsqrt3A = math.rsqrt %add3A_74 : vector<512x1xf32>
    %mul3A = arith.mulf %rsqrt3A, %rsqrt3A : vector<512x1xf32>
    %get3A_75 = arith.constant 0 : index
    %get3A_76 = arith.constant 0 : index
    %get3A_77 = arith.constant 0 : index
    %get3A_78 = vector.load %arg2[%get3A_75, %get3A_76, %get3A_77] : memref<8x512x64xf32, #tpu.memory_space<vmem>>, vector<1x512x64xf32>
    %get3A_79 = vector.shape_cast %get3A_78 : vector<1x512x64xf32> to vector<512x64xf32>
    %dot_general3A_80 = arith.constant dense<0.000000e+00> : vector<512x128xf32>
    %dot_general3A_81 = tpu.matmul %get3A_79, %get3A_1, %dot_general3A_80 {dimension_numbers = #tpu.dot_dimension_numbers<[1], [0], [0], [1], [0, 0, 1, 1], [], []>, transpose_lhs_hint = false} : vector<512x64xf32>, vector<64x128xf32>, vector<512x128xf32> -> vector<512x128xf32>
    %mul3A_82 = vector.broadcast %rsqrt3A : vector<512x1xf32> to vector<512x128xf32>
    %mul3A_83 = arith.mulf %mul3A_82, %dot_general3A_81 : vector<512x128xf32>
    %dot_general3A_84 = arith.constant dense<0.000000e+00> : vector<512x128xf32>
    %dot_general3A_85 = tpu.matmul %convert_element_type3A_57, %mul3A_83, %dot_general3A_84 {dimension_numbers = #tpu.dot_dimension_numbers<[1], [0], [0], [1], [0, 0, 1, 1], [], []>, transpose_lhs_hint = false} : vector<512x512xf32>, vector<512x128xf32>, vector<512x128xf32> -> vector<512x128xf32>
    %mul3A_86 = vector.broadcast %rsqrt3A : vector<512x1xf32> to vector<512x128xf32>
    %mul3A_87 = arith.mulf %mul3A_86, %dot_general3A_85 : vector<512x128xf32>
    %mul3A_88 = vector.broadcast %mul3A : vector<512x1xf32> to vector<512x128xf32>
    %mul3A_89 = arith.mulf %mul3A_88, %dot_general3A_81 : vector<512x128xf32>
    %add3A_90 = arith.addf %mul3A_87, %mul3A_89 : vector<512x128xf32>
    %add3A_91 = vector.broadcast %get3A_10 : vector<1x128xf32> to vector<512x128xf32>
    %add3A_92 = arith.addf %add3A_90, %add3A_91 : vector<512x128xf32>
    %max3A = arith.constant 0.000000e+00 : f32
    %max3A_93 = vector.broadcast %max3A : f32 to vector<512x128xf32>
    %max3A_94 = arith.maximumf %add3A_92, %max3A_93 : vector<512x128xf32>
    %dot_general3A_95 = arith.constant dense<0.000000e+00> : vector<512x128xf32>
    %dot_general3A_96 = tpu.matmul %max3A_94, %get3A_4, %dot_general3A_95 {dimension_numbers = #tpu.dot_dimension_numbers<[1], [0], [0], [1], [0, 0, 1, 1], [], []>, transpose_lhs_hint = false} : vector<512x128xf32>, vector<128x128xf32>, vector<512x128xf32> -> vector<512x128xf32>
    %mul3A_97 = vector.broadcast %rsqrt3A : vector<512x1xf32> to vector<512x128xf32>
    %mul3A_98 = arith.mulf %mul3A_97, %dot_general3A_96 : vector<512x128xf32>
    %dot_general3A_99 = arith.constant dense<0.000000e+00> : vector<512x128xf32>
    %dot_general3A_100 = tpu.matmul %convert_element_type3A_57, %mul3A_98, %dot_general3A_99 {dimension_numbers = #tpu.dot_dimension_numbers<[1], [0], [0], [1], [0, 0, 1, 1], [], []>, transpose_lhs_hint = false} : vector<512x512xf32>, vector<512x128xf32>, vector<512x128xf32> -> vector<512x128xf32>
    %mul3A_101 = vector.broadcast %rsqrt3A : vector<512x1xf32> to vector<512x128xf32>
    %mul3A_102 = arith.mulf %mul3A_101, %dot_general3A_100 : vector<512x128xf32>
    %mul3A_103 = vector.broadcast %mul3A : vector<512x1xf32> to vector<512x128xf32>
    %mul3A_104 = arith.mulf %mul3A_103, %dot_general3A_96 : vector<512x128xf32>
    %add3A_105 = arith.addf %mul3A_102, %mul3A_104 : vector<512x128xf32>
    %add3A_106 = vector.broadcast %get3A_13 : vector<1x128xf32> to vector<512x128xf32>
    %add3A_107 = arith.addf %add3A_105, %add3A_106 : vector<512x128xf32>
    %max3A_108 = arith.constant 0.000000e+00 : f32
    %max3A_109 = vector.broadcast %max3A_108 : f32 to vector<512x128xf32>
    %max3A_110 = arith.maximumf %add3A_107, %max3A_109 : vector<512x128xf32>
    %dot_general3A_111 = arith.constant dense<0.000000e+00> : vector<512x128xf32>
    %dot_general3A_112 = tpu.matmul %max3A_110, %get3A_7, %dot_general3A_111 {dimension_numbers = #tpu.dot_dimension_numbers<[1], [0], [0], [1], [0, 0, 1, 1], [], []>, transpose_lhs_hint = false} : vector<512x128xf32>, vector<128x128xf32>, vector<512x128xf32> -> vector<512x128xf32>
    %mul3A_113 = vector.broadcast %rsqrt3A : vector<512x1xf32> to vector<512x128xf32>
    %mul3A_114 = arith.mulf %mul3A_113, %dot_general3A_112 : vector<512x128xf32>
    %dot_general3A_115 = arith.constant dense<0.000000e+00> : vector<512x128xf32>
    %dot_general3A_116 = tpu.matmul %convert_element_type3A_57, %mul3A_114, %dot_general3A_115 {dimension_numbers = #tpu.dot_dimension_numbers<[1], [0], [0], [1], [0, 0, 1, 1], [], []>, transpose_lhs_hint = false} : vector<512x512xf32>, vector<512x128xf32>, vector<512x128xf32> -> vector<512x128xf32>
    %mul3A_117 = vector.broadcast %rsqrt3A : vector<512x1xf32> to vector<512x128xf32>
    %mul3A_118 = arith.mulf %mul3A_117, %dot_general3A_116 : vector<512x128xf32>
    %mul3A_119 = vector.broadcast %mul3A : vector<512x1xf32> to vector<512x128xf32>
    %mul3A_120 = arith.mulf %mul3A_119, %dot_general3A_112 : vector<512x128xf32>
    %add3A_121 = arith.addf %mul3A_118, %mul3A_120 : vector<512x128xf32>
    %add3A_122 = vector.broadcast %get3A_16 : vector<1x128xf32> to vector<512x128xf32>
    %add3A_123 = arith.addf %add3A_121, %add3A_122 : vector<512x128xf32>
    %max3A_124 = arith.constant 0.000000e+00 : f32
    %max3A_125 = vector.broadcast %max3A_124 : f32 to vector<512x128xf32>
    %max3A_126 = arith.maximumf %add3A_123, %max3A_125 : vector<512x128xf32>
    %reduce_max3A = arith.constant dense<0xFF800000> : vector<128xf32>
    %reduce_max3A_127 = vector.multi_reduction <maximumf>, %max3A_126, %reduce_max3A [0] : vector<512x128xf32> to vector<128xf32>
    %broadcast_in_dim3A_128 = vector.shape_cast %reduce_max3A_127 : vector<128xf32> to vector<1x128xf32>
    %get3A_129 = arith.constant 0 : index
    %get3A_130 = arith.constant 0 : index
    %get3A_131 = vector.load %arg9[%get3A_129, %get3A_130] : memref<128x128xf32, #tpu.memory_space<vmem>>, vector<128x128xf32>
    %dot_general3A_132 = arith.constant dense<0.000000e+00> : vector<1x128xf32>
    %dot_general3A_133 = tpu.matmul %broadcast_in_dim3A_128, %get3A_131, %dot_general3A_132 {dimension_numbers = #tpu.dot_dimension_numbers<[1], [0], [0], [1], [0, 0, 1, 1], [], []>, transpose_lhs_hint = false} : vector<1x128xf32>, vector<128x128xf32>, vector<1x128xf32> -> vector<1x128xf32>
    %get3A_134 = arith.constant 0 : index
    %get3A_135 = arith.constant 0 : index
    %get3A_136 = vector.load %arg10[%get3A_134, %get3A_135] : memref<1x128xf32, #tpu.memory_space<vmem>>, vector<1x128xf32>
    %add3A_137 = arith.addf %dot_general3A_133, %get3A_136 : vector<1x128xf32>
    %swap3A = arith.constant 0 : index
    %swap3A_138 = arith.constant 0 : index
    %swap3A_139 = vector.load %arg11[%swap3A, %swap3A_138] : memref<8x128xf32, #tpu.memory_space<vmem>>, vector<1x128xf32>
    tpu.vector_store %arg11[%swap3A, %swap3A_138], %add3A_137 {strides = array<i32>} : memref<8x128xf32, #tpu.memory_space<vmem>>, vector<1x128xf32>,
    %get3A_140 = arith.constant 2 : index
    %get3A_141 = arith.constant 0 : index
    %get3A_142 = arith.constant 0 : index
    %get3A_143 = vector.load %arg1[%get3A_140, %get3A_141, %get3A_142] : memref<8x512x32xi32, #tpu.memory_space<vmem>>, vector<1x512x32xi32>
    %get3A_144 = vector.shape_cast %get3A_143 : vector<1x512x32xi32> to vector<512x32xi32>
    %convert_element_type3A_145 = arith.sitofp %get3A_144 : vector<512x32xi32> to vector<512x32xf32>
    %dot_general3A_146 = arith.constant dense<0.000000e+00> : vector<512x512xf32>
    %dot_general3A_147 = tpu.matmul %convert_element_type3A_145, %convert_element_type3A_41, %dot_general3A_146 {dimension_numbers = #tpu.dot_dimension_numbers<[1], [0], [0], [1], [0, 0, 1, 1], [], []>, transpose_lhs_hint = false} : vector<512x32xf32>, vector<32x512xf32>, vector<512x512xf32> -> vector<512x512xf32>
    %convert_element_type3A_148 = arith.fptosi %dot_general3A_147 : vector<512x512xf32> to vector<512x512xi32>
    %shift_right_arithmetic3A_149 = arith.shrsi %convert_element_type3A_148, %and3A_45 : vector<512x512xi32>
    %and3A_150 = arith.constant 1 : i32
    %and3A_151 = vector.broadcast %and3A_150 : i32 to vector<512x512xi32>
    %and3A_152 = arith.andi %shift_right_arithmetic3A_149, %and3A_151 : vector<512x512xi32>
    %convert_element_type3A_153 = arith.sitofp %and3A_152 : vector<512x512xi32> to vector<512x512xf32>
    %reduce_sum3A_154 = arith.constant dense<0.000000e+00> : vector<512xf32>
    %reduce_sum3A_155 = vector.multi_reduction <add>, %convert_element_type3A_71, %reduce_sum3A_154 [1] : vector<512x512xf32> to vector<512xf32>
    %broadcast_in_dim3A_156 = vector.shape_cast %reduce_sum3A_155 : vector<512xf32> to vector<512x1xf32>
    %add3A_157 = arith.constant 1.000000e+00 : f32
    %add3A_158 = vector.broadcast %add3A_157 : f32 to vector<512x1xf32>
    %add3A_159 = arith.addf %broadcast_in_dim3A_156, %add3A_158 : vector<512x1xf32>
    %rsqrt3A_160 = math.rsqrt %add3A_159 : vector<512x1xf32>
    %mul3A_161 = arith.mulf %rsqrt3A_160, %rsqrt3A_160 : vector<512x1xf32>
    %get3A_162 = arith.constant 1 : index
    %get3A_163 = arith.constant 0 : index
    %get3A_164 = arith.constant 0 : index
    %get3A_165 = vector.load %arg2[%get3A_162, %get3A_163, %get3A_164] : memref<8x512x64xf32, #tpu.memory_space<vmem>>, vector<1x512x64xf32>
    %get3A_166 = vector.shape_cast %get3A_165 : vector<1x512x64xf32> to vector<512x64xf32>
    %dot_general3A_167 = arith.constant dense<0.000000e+00> : vector<512x128xf32>
    %dot_general3A_168 = tpu.matmul %get3A_166, %get3A_1, %dot_general3A_167 {dimension_numbers = #tpu.dot_dimension_numbers<[1], [0], [0], [1], [0, 0, 1, 1], [], []>, transpose_lhs_hint = false} : vector<512x64xf32>, vector<64x128xf32>, vector<512x128xf32> -> vector<512x128xf32>
    %mul3A_169 = vector.broadcast %rsqrt3A_160 : vector<512x1xf32> to vector<512x128xf32>
    %mul3A_170 = arith.mulf %mul3A_169, %dot_general3A_168 : vector<512x128xf32>
    %dot_general3A_171 = arith.constant dense<0.000000e+00> : vector<512x128xf32>
    %dot_general3A_172 = tpu.matmul %convert_element_type3A_71, %mul3A_170, %dot_general3A_171 {dimension_numbers = #tpu.dot_dimension_numbers<[1], [0], [0], [1], [0, 0, 1, 1], [], []>, transpose_lhs_hint = false} : vector<512x512xf32>, vector<512x128xf32>, vector<512x128xf32> -> vector<512x128xf32>
    %mul3A_173 = vector.broadcast %rsqrt3A_160 : vector<512x1xf32> to vector<512x128xf32>
    %mul3A_174 = arith.mulf %mul3A_173, %dot_general3A_172 : vector<512x128xf32>
    %mul3A_175 = vector.broadcast %mul3A_161 : vector<512x1xf32> to vector<512x128xf32>
    %mul3A_176 = arith.mulf %mul3A_175, %dot_general3A_168 : vector<512x128xf32>
    %add3A_177 = arith.addf %mul3A_174, %mul3A_176 : vector<512x128xf32>
    %add3A_178 = vector.broadcast %get3A_10 : vector<1x128xf32> to vector<512x128xf32>
    %add3A_179 = arith.addf %add3A_177, %add3A_178 : vector<512x128xf32>
    %max3A_180 = arith.constant 0.000000e+00 : f32
    %max3A_181 = vector.broadcast %max3A_180 : f32 to vector<512x128xf32>
    %max3A_182 = arith.maximumf %add3A_179, %max3A_181 : vector<512x128xf32>
    %dot_general3A_183 = arith.constant dense<0.000000e+00> : vector<512x128xf32>
    %dot_general3A_184 = tpu.matmul %max3A_182, %get3A_4, %dot_general3A_183 {dimension_numbers = #tpu.dot_dimension_numbers<[1], [0], [0], [1], [0, 0, 1, 1], [], []>, transpose_lhs_hint = false} : vector<512x128xf32>, vector<128x128xf32>, vector<512x128xf32> -> vector<512x128xf32>
    %mul3A_185 = vector.broadcast %rsqrt3A_160 : vector<512x1xf32> to vector<512x128xf32>
    %mul3A_186 = arith.mulf %mul3A_185, %dot_general3A_184 : vector<512x128xf32>
    %dot_general3A_187 = arith.constant dense<0.000000e+00> : vector<512x128xf32>
    %dot_general3A_188 = tpu.matmul %convert_element_type3A_71, %mul3A_186, %dot_general3A_187 {dimension_numbers = #tpu.dot_dimension_numbers<[1], [0], [0], [1], [0, 0, 1, 1], [], []>, transpose_lhs_hint = false} : vector<512x512xf32>, vector<512x128xf32>, vector<512x128xf32> -> vector<512x128xf32>
    %mul3A_189 = vector.broadcast %rsqrt3A_160 : vector<512x1xf32> to vector<512x128xf32>
    %mul3A_190 = arith.mulf %mul3A_189, %dot_general3A_188 : vector<512x128xf32>
    %mul3A_191 = vector.broadcast %mul3A_161 : vector<512x1xf32> to vector<512x128xf32>
    %mul3A_192 = arith.mulf %mul3A_191, %dot_general3A_184 : vector<512x128xf32>
    %add3A_193 = arith.addf %mul3A_190, %mul3A_192 : vector<512x128xf32>
    %add3A_194 = vector.broadcast %get3A_13 : vector<1x128xf32> to vector<512x128xf32>
    %add3A_195 = arith.addf %add3A_193, %add3A_194 : vector<512x128xf32>
    %max3A_196 = arith.constant 0.000000e+00 : f32
    %max3A_197 = vector.broadcast %max3A_196 : f32 to vector<512x128xf32>
    %max3A_198 = arith.maximumf %add3A_195, %max3A_197 : vector<512x128xf32>
    %dot_general3A_199 = arith.constant dense<0.000000e+00> : vector<512x128xf32>
    %dot_general3A_200 = tpu.matmul %max3A_198, %get3A_7, %dot_general3A_199 {dimension_numbers = #tpu.dot_dimension_numbers<[1], [0], [0], [1], [0, 0, 1, 1], [], []>, transpose_lhs_hint = false} : vector<512x128xf32>, vector<128x128xf32>, vector<512x128xf32> -> vector<512x128xf32>
    %mul3A_201 = vector.broadcast %rsqrt3A_160 : vector<512x1xf32> to vector<512x128xf32>
    %mul3A_202 = arith.mulf %mul3A_201, %dot_general3A_200 : vector<512x128xf32>
    %dot_general3A_203 = arith.constant dense<0.000000e+00> : vector<512x128xf32>
    %dot_general3A_204 = tpu.matmul %convert_element_type3A_71, %mul3A_202, %dot_general3A_203 {dimension_numbers = #tpu.dot_dimension_numbers<[1], [0], [0], [1], [0, 0, 1, 1], [], []>, transpose_lhs_hint = false} : vector<512x512xf32>, vector<512x128xf32>, vector<512x128xf32> -> vector<512x128xf32>
    %mul3A_205 = vector.broadcast %rsqrt3A_160 : vector<512x1xf32> to vector<512x128xf32>
    %mul3A_206 = arith.mulf %mul3A_205, %dot_general3A_204 : vector<512x128xf32>
    %mul3A_207 = vector.broadcast %mul3A_161 : vector<512x1xf32> to vector<512x128xf32>
    %mul3A_208 = arith.mulf %mul3A_207, %dot_general3A_200 : vector<512x128xf32>
    %add3A_209 = arith.addf %mul3A_206, %mul3A_208 : vector<512x128xf32>
    %add3A_210 = vector.broadcast %get3A_16 : vector<1x128xf32> to vector<512x128xf32>
    %add3A_211 = arith.addf %add3A_209, %add3A_210 : vector<512x128xf32>
    %max3A_212 = arith.constant 0.000000e+00 : f32
    %max3A_213 = vector.broadcast %max3A_212 : f32 to vector<512x128xf32>
    %max3A_214 = arith.maximumf %add3A_211, %max3A_213 : vector<512x128xf32>
    %reduce_max3A_215 = arith.constant dense<0xFF800000> : vector<128xf32>
    %reduce_max3A_216 = vector.multi_reduction <maximumf>, %max3A_214, %reduce_max3A_215 [0] : vector<512x128xf32> to vector<128xf32>
    %broadcast_in_dim3A_217 = vector.shape_cast %reduce_max3A_216 : vector<128xf32> to vector<1x128xf32>
    %get3A_218 = arith.constant 0 : index
    %get3A_219 = arith.constant 0 : index
    %get3A_220 = vector.load %arg9[%get3A_218, %get3A_219] : memref<128x128xf32, #tpu.memory_space<vmem>>, vector<128x128xf32>
    %dot_general3A_221 = arith.constant dense<0.000000e+00> : vector<1x128xf32>
    %dot_general3A_222 = tpu.matmul %broadcast_in_dim3A_217, %get3A_220, %dot_general3A_221 {dimension_numbers = #tpu.dot_dimension_numbers<[1], [0], [0], [1], [0, 0, 1, 1], [], []>, transpose_lhs_hint = false} : vector<1x128xf32>, vector<128x128xf32>, vector<1x128xf32> -> vector<1x128xf32>
    %get3A_223 = arith.constant 0 : index
    %get3A_224 = arith.constant 0 : index
    %get3A_225 = vector.load %arg10[%get3A_223, %get3A_224] : memref<1x128xf32, #tpu.memory_space<vmem>>, vector<1x128xf32>
    %add3A_226 = arith.addf %dot_general3A_222, %get3A_225 : vector<1x128xf32>
    %swap3A_227 = arith.constant 1 : index
    %swap3A_228 = arith.constant 0 : index
    %swap3A_229 = vector.load %arg11[%swap3A_227, %swap3A_228] : memref<8x128xf32, #tpu.memory_space<vmem>>, vector<1x128xf32>
    tpu.vector_store %arg11[%swap3A_227, %swap3A_228], %add3A_226 {strides = array<i32>} : memref<8x128xf32, #tpu.memory_space<vmem>>, vector<1x128xf32>,
    %get3A_230 = arith.constant 3 : index
    %get3A_231 = arith.constant 0 : index
    %get3A_232 = arith.constant 0 : index
    %get3A_233 = vector.load %arg1[%get3A_230, %get3A_231, %get3A_232] : memref<8x512x32xi32, #tpu.memory_space<vmem>>, vector<1x512x32xi32>
    %get3A_234 = vector.shape_cast %get3A_233 : vector<1x512x32xi32> to vector<512x32xi32>
    %convert_element_type3A_235 = arith.sitofp %get3A_234 : vector<512x32xi32> to vector<512x32xf32>
    %dot_general3A_236 = arith.constant dense<0.000000e+00> : vector<512x512xf32>
    %dot_general3A_237 = tpu.matmul %convert_element_type3A_235, %convert_element_type3A_41, %dot_general3A_236 {dimension_numbers = #tpu.dot_dimension_numbers<[1], [0], [0], [1], [0, 0, 1, 1], [], []>, transpose_lhs_hint = false} : vector<512x32xf32>, vector<32x512xf32>, vector<512x512xf32> -> vector<512x512xf32>
    %convert_element_type3A_238 = arith.fptosi %dot_general3A_237 : vector<512x512xf32> to vector<512x512xi32>
    %shift_right_arithmetic3A_239 = arith.shrsi %convert_element_type3A_238, %and3A_45 : vector<512x512xi32>
    %and3A_240 = arith.constant 1 : i32
    %and3A_241 = vector.broadcast %and3A_240 : i32 to vector<512x512xi32>
    %and3A_242 = arith.andi %shift_right_arithmetic3A_239, %and3A_241 : vector<512x512xi32>
    %convert_element_type3A_243 = arith.sitofp %and3A_242 : vector<512x512xi32> to vector<512x512xf32>
    %reduce_sum3A_244 = arith.constant dense<0.000000e+00> : vector<512xf32>
    %reduce_sum3A_245 = vector.multi_reduction <add>, %convert_element_type3A_153, %reduce_sum3A_244 [1] : vector<512x512xf32> to vector<512xf32>
    %broadcast_in_dim3A_246 = vector.shape_cast %reduce_sum3A_245 : vector<512xf32> to vector<512x1xf32>
    %add3A_247 = arith.constant 1.000000e+00 : f32
    %add3A_248 = vector.broadcast %add3A_247 : f32 to vector<512x1xf32>
    %add3A_249 = arith.addf %broadcast_in_dim3A_246, %add3A_248 : vector<512x1xf32>
    %rsqrt3A_250 = math.rsqrt %add3A_249 : vector<512x1xf32>
    %mul3A_251 = arith.mulf %rsqrt3A_250, %rsqrt3A_250 : vector<512x1xf32>
    %get3A_252 = arith.constant 2 : index
    %get3A_253 = arith.constant 0 : index
    %get3A_254 = arith.constant 0 : index
    %get3A_255 = vector.load %arg2[%get3A_252, %get3A_253, %get3A_254] : memref<8x512x64xf32, #tpu.memory_space<vmem>>, vector<1x512x64xf32>
    %get3A_256 = vector.shape_cast %get3A_255 : vector<1x512x64xf32> to vector<512x64xf32>
    %dot_general3A_257 = arith.constant dense<0.000000e+00> : vector<512x128xf32>
    %dot_general3A_258 = tpu.matmul %get3A_256, %get3A_1, %dot_general3A_257 {dimension_numbers = #tpu.dot_dimension_numbers<[1], [0], [0], [1], [0, 0, 1, 1], [], []>, transpose_lhs_hint = false} : vector<512x64xf32>, vector<64x128xf32>, vector<512x128xf32> -> vector<512x128xf32>
    %mul3A_259 = vector.broadcast %rsqrt3A_250 : vector<512x1xf32> to vector<512x128xf32>
    %mul3A_260 = arith.mulf %mul3A_259, %dot_general3A_258 : vector<512x128xf32>
    %dot_general3A_261 = arith.constant dense<0.000000e+00> : vector<512x128xf32>
    %dot_general3A_262 = tpu.matmul %convert_element_type3A_153, %mul3A_260, %dot_general3A_261 {dimension_numbers = #tpu.dot_dimension_numbers<[1], [0], [0], [1], [0, 0, 1, 1], [], []>, transpose_lhs_hint = false} : vector<512x512xf32>, vector<512x128xf32>, vector<512x128xf32> -> vector<512x128xf32>
    %mul3A_263 = vector.broadcast %rsqrt3A_250 : vector<512x1xf32> to vector<512x128xf32>
    %mul3A_264 = arith.mulf %mul3A_263, %dot_general3A_262 : vector<512x128xf32>
    %mul3A_265 = vector.broadcast %mul3A_251 : vector<512x1xf32> to vector<512x128xf32>
    %mul3A_266 = arith.mulf %mul3A_265, %dot_general3A_258 : vector<512x128xf32>
    %add3A_267 = arith.addf %mul3A_264, %mul3A_266 : vector<512x128xf32>
    %add3A_268 = vector.broadcast %get3A_10 : vector<1x128xf32> to vector<512x128xf32>
    %add3A_269 = arith.addf %add3A_267, %add3A_268 : vector<512x128xf32>
    %max3A_270 = arith.constant 0.000000e+00 : f32
    %max3A_271 = vector.broadcast %max3A_270 : f32 to vector<512x128xf32>
    %max3A_272 = arith.maximumf %add3A_269, %max3A_271 : vector<512x128xf32>
    %dot_general3A_273 = arith.constant dense<0.000000e+00> : vector<512x128xf32>
    %dot_general3A_274 = tpu.matmul %max3A_272, %get3A_4, %dot_general3A_273 {dimension_numbers = #tpu.dot_dimension_numbers<[1], [0], [0], [1], [0, 0, 1, 1], [], []>, transpose_lhs_hint = false} : vector<512x128xf32>, vector<128x128xf32>, vector<512x128xf32> -> vector<512x128xf32>
    %mul3A_275 = vector.broadcast %rsqrt3A_250 : vector<512x1xf32> to vector<512x128xf32>
    %mul3A_276 = arith.mulf %mul3A_275, %dot_general3A_274 : vector<512x128xf32>
    %dot_general3A_277 = arith.constant dense<0.000000e+00> : vector<512x128xf32>
    %dot_general3A_278 = tpu.matmul %convert_element_type3A_153, %mul3A_276, %dot_general3A_277 {dimension_numbers = #tpu.dot_dimension_numbers<[1], [0], [0], [1], [0, 0, 1, 1], [], []>, transpose_lhs_hint = false} : vector<512x512xf32>, vector<512x128xf32>, vector<512x128xf32> -> vector<512x128xf32>
    %mul3A_279 = vector.broadcast %rsqrt3A_250 : vector<512x1xf32> to vector<512x128xf32>
    %mul3A_280 = arith.mulf %mul3A_279, %dot_general3A_278 : vector<512x128xf32>
    %mul3A_281 = vector.broadcast %mul3A_251 : vector<512x1xf32> to vector<512x128xf32>
    %mul3A_282 = arith.mulf %mul3A_281, %dot_general3A_274 : vector<512x128xf32>
    %add3A_283 = arith.addf %mul3A_280, %mul3A_282 : vector<512x128xf32>
    %add3A_284 = vector.broadcast %get3A_13 : vector<1x128xf32> to vector<512x128xf32>
    %add3A_285 = arith.addf %add3A_283, %add3A_284 : vector<512x128xf32>
    %max3A_286 = arith.constant 0.000000e+00 : f32
    %max3A_287 = vector.broadcast %max3A_286 : f32 to vector<512x128xf32>
    %max3A_288 = arith.maximumf %add3A_285, %max3A_287 : vector<512x128xf32>
    %dot_general3A_289 = arith.constant dense<0.000000e+00> : vector<512x128xf32>
    %dot_general3A_290 = tpu.matmul %max3A_288, %get3A_7, %dot_general3A_289 {dimension_numbers = #tpu.dot_dimension_numbers<[1], [0], [0], [1], [0, 0, 1, 1], [], []>, transpose_lhs_hint = false} : vector<512x128xf32>, vector<128x128xf32>, vector<512x128xf32> -> vector<512x128xf32>
    %mul3A_291 = vector.broadcast %rsqrt3A_250 : vector<512x1xf32> to vector<512x128xf32>
    %mul3A_292 = arith.mulf %mul3A_291, %dot_general3A_290 : vector<512x128xf32>
    %dot_general3A_293 = arith.constant dense<0.000000e+00> : vector<512x128xf32>
    %dot_general3A_294 = tpu.matmul %convert_element_type3A_153, %mul3A_292, %dot_general3A_293 {dimension_numbers = #tpu.dot_dimension_numbers<[1], [0], [0], [1], [0, 0, 1, 1], [], []>, transpose_lhs_hint = false} : vector<512x512xf32>, vector<512x128xf32>, vector<512x128xf32> -> vector<512x128xf32>
    %mul3A_295 = vector.broadcast %rsqrt3A_250 : vector<512x1xf32> to vector<512x128xf32>
    %mul3A_296 = arith.mulf %mul3A_295, %dot_general3A_294 : vector<512x128xf32>
    %mul3A_297 = vector.broadcast %mul3A_251 : vector<512x1xf32> to vector<512x128xf32>
    %mul3A_298 = arith.mulf %mul3A_297, %dot_general3A_290 : vector<512x128xf32>
    %add3A_299 = arith.addf %mul3A_296, %mul3A_298 : vector<512x128xf32>
    %add3A_300 = vector.broadcast %get3A_16 : vector<1x128xf32> to vector<512x128xf32>
    %add3A_301 = arith.addf %add3A_299, %add3A_300 : vector<512x128xf32>
    %max3A_302 = arith.constant 0.000000e+00 : f32
    %max3A_303 = vector.broadcast %max3A_302 : f32 to vector<512x128xf32>
    %max3A_304 = arith.maximumf %add3A_301, %max3A_303 : vector<512x128xf32>
    %reduce_max3A_305 = arith.constant dense<0xFF800000> : vector<128xf32>
    %reduce_max3A_306 = vector.multi_reduction <maximumf>, %max3A_304, %reduce_max3A_305 [0] : vector<512x128xf32> to vector<128xf32>
    %broadcast_in_dim3A_307 = vector.shape_cast %reduce_max3A_306 : vector<128xf32> to vector<1x128xf32>
    %get3A_308 = arith.constant 0 : index
    %get3A_309 = arith.constant 0 : index
    %get3A_310 = vector.load %arg9[%get3A_308, %get3A_309] : memref<128x128xf32, #tpu.memory_space<vmem>>, vector<128x128xf32>
    %dot_general3A_311 = arith.constant dense<0.000000e+00> : vector<1x128xf32>
    %dot_general3A_312 = tpu.matmul %broadcast_in_dim3A_307, %get3A_310, %dot_general3A_311 {dimension_numbers = #tpu.dot_dimension_numbers<[1], [0], [0], [1], [0, 0, 1, 1], [], []>, transpose_lhs_hint = false} : vector<1x128xf32>, vector<128x128xf32>, vector<1x128xf32> -> vector<1x128xf32>
    %get3A_313 = arith.constant 0 : index
    %get3A_314 = arith.constant 0 : index
    %get3A_315 = vector.load %arg10[%get3A_313, %get3A_314] : memref<1x128xf32, #tpu.memory_space<vmem>>, vector<1x128xf32>
    %add3A_316 = arith.addf %dot_general3A_312, %get3A_315 : vector<1x128xf32>
    %swap3A_317 = arith.constant 2 : index
    %swap3A_318 = arith.constant 0 : index
    %swap3A_319 = vector.load %arg11[%swap3A_317, %swap3A_318] : memref<8x128xf32, #tpu.memory_space<vmem>>, vector<1x128xf32>
    tpu.vector_store %arg11[%swap3A_317, %swap3A_318], %add3A_316 {strides = array<i32>} : memref<8x128xf32, #tpu.memory_space<vmem>>, vector<1x128xf32>,
    %get3A_320 = arith.constant 4 : index
    %get3A_321 = arith.constant 0 : index
    %get3A_322 = arith.constant 0 : index
    %get3A_323 = vector.load %arg1[%get3A_320, %get3A_321, %get3A_322] : memref<8x512x32xi32, #tpu.memory_space<vmem>>, vector<1x512x32xi32>
    %get3A_324 = vector.shape_cast %get3A_323 : vector<1x512x32xi32> to vector<512x32xi32>
    %convert_element_type3A_325 = arith.sitofp %get3A_324 : vector<512x32xi32> to vector<512x32xf32>
    %dot_general3A_326 = arith.constant dense<0.000000e+00> : vector<512x512xf32>
    %dot_general3A_327 = tpu.matmul %convert_element_type3A_325, %convert_element_type3A_41, %dot_general3A_326 {dimension_numbers = #tpu.dot_dimension_numbers<[1], [0], [0], [1], [0, 0, 1, 1], [], []>, transpose_lhs_hint = false} : vector<512x32xf32>, vector<32x512xf32>, vector<512x512xf32> -> vector<512x512xf32>
    %convert_element_type3A_328 = arith.fptosi %dot_general3A_327 : vector<512x512xf32> to vector<512x512xi32>
    %shift_right_arithmetic3A_329 = arith.shrsi %convert_element_type3A_328, %and3A_45 : vector<512x512xi32>
    %and3A_330 = arith.constant 1 : i32
    %and3A_331 = vector.broadcast %and3A_330 : i32 to vector<512x512xi32>
    %and3A_332 = arith.andi %shift_right_arithmetic3A_329, %and3A_331 : vector<512x512xi32>
    %convert_element_type3A_333 = arith.sitofp %and3A_332 : vector<512x512xi32> to vector<512x512xf32>
    %reduce_sum3A_334 = arith.constant dense<0.000000e+00> : vector<512xf32>
    %reduce_sum3A_335 = vector.multi_reduction <add>, %convert_element_type3A_243, %reduce_sum3A_334 [1] : vector<512x512xf32> to vector<512xf32>
    %broadcast_in_dim3A_336 = vector.shape_cast %reduce_sum3A_335 : vector<512xf32> to vector<512x1xf32>
    %add3A_337 = arith.constant 1.000000e+00 : f32
    %add3A_338 = vector.broadcast %add3A_337 : f32 to vector<512x1xf32>
    %add3A_339 = arith.addf %broadcast_in_dim3A_336, %add3A_338 : vector<512x1xf32>
    %rsqrt3A_340 = math.rsqrt %add3A_339 : vector<512x1xf32>
    %mul3A_341 = arith.mulf %rsqrt3A_340, %rsqrt3A_340 : vector<512x1xf32>
    %get3A_342 = arith.constant 3 : index
    %get3A_343 = arith.constant 0 : index
    %get3A_344 = arith.constant 0 : index
    %get3A_345 = vector.load %arg2[%get3A_342, %get3A_343, %get3A_344] : memref<8x512x64xf32, #tpu.memory_space<vmem>>, vector<1x512x64xf32>
    %get3A_346 = vector.shape_cast %get3A_345 : vector<1x512x64xf32> to vector<512x64xf32>
    %dot_general3A_347 = arith.constant dense<0.000000e+00> : vector<512x128xf32>
    %dot_general3A_348 = tpu.matmul %get3A_346, %get3A_1, %dot_general3A_347 {dimension_numbers = #tpu.dot_dimension_numbers<[1], [0], [0], [1], [0, 0, 1, 1], [], []>, transpose_lhs_hint = false} : vector<512x64xf32>, vector<64x128xf32>, vector<512x128xf32> -> vector<512x128xf32>
    %mul3A_349 = vector.broadcast %rsqrt3A_340 : vector<512x1xf32> to vector<512x128xf32>
    %mul3A_350 = arith.mulf %mul3A_349, %dot_general3A_348 : vector<512x128xf32>
    %dot_general3A_351 = arith.constant dense<0.000000e+00> : vector<512x128xf32>
    %dot_general3A_352 = tpu.matmul %convert_element_type3A_243, %mul3A_350, %dot_general3A_351 {dimension_numbers = #tpu.dot_dimension_numbers<[1], [0], [0], [1], [0, 0, 1, 1], [], []>, transpose_lhs_hint = false} : vector<512x512xf32>, vector<512x128xf32>, vector<512x128xf32> -> vector<512x128xf32>
    %mul3A_353 = vector.broadcast %rsqrt3A_340 : vector<512x1xf32> to vector<512x128xf32>
    %mul3A_354 = arith.mulf %mul3A_353, %dot_general3A_352 : vector<512x128xf32>
    %mul3A_355 = vector.broadcast %mul3A_341 : vector<512x1xf32> to vector<512x128xf32>
    %mul3A_356 = arith.mulf %mul3A_355, %dot_general3A_348 : vector<512x128xf32>
    %add3A_357 = arith.addf %mul3A_354, %mul3A_356 : vector<512x128xf32>
    %add3A_358 = vector.broadcast %get3A_10 : vector<1x128xf32> to vector<512x128xf32>
    %add3A_359 = arith.addf %add3A_357, %add3A_358 : vector<512x128xf32>
    %max3A_360 = arith.constant 0.000000e+00 : f32
    %max3A_361 = vector.broadcast %max3A_360 : f32 to vector<512x128xf32>
    %max3A_362 = arith.maximumf %add3A_359, %max3A_361 : vector<512x128xf32>
    %dot_general3A_363 = arith.constant dense<0.000000e+00> : vector<512x128xf32>
    %dot_general3A_364 = tpu.matmul %max3A_362, %get3A_4, %dot_general3A_363 {dimension_numbers = #tpu.dot_dimension_numbers<[1], [0], [0], [1], [0, 0, 1, 1], [], []>, transpose_lhs_hint = false} : vector<512x128xf32>, vector<128x128xf32>, vector<512x128xf32> -> vector<512x128xf32>
    %mul3A_365 = vector.broadcast %rsqrt3A_340 : vector<512x1xf32> to vector<512x128xf32>
    %mul3A_366 = arith.mulf %mul3A_365, %dot_general3A_364 : vector<512x128xf32>
    %dot_general3A_367 = arith.constant dense<0.000000e+00> : vector<512x128xf32>
    %dot_general3A_368 = tpu.matmul %convert_element_type3A_243, %mul3A_366, %dot_general3A_367 {dimension_numbers = #tpu.dot_dimension_numbers<[1], [0], [0], [1], [0, 0, 1, 1], [], []>, transpose_lhs_hint = false} : vector<512x512xf32>, vector<512x128xf32>, vector<512x128xf32> -> vector<512x128xf32>
    %mul3A_369 = vector.broadcast %rsqrt3A_340 : vector<512x1xf32> to vector<512x128xf32>
    %mul3A_370 = arith.mulf %mul3A_369, %dot_general3A_368 : vector<512x128xf32>
    %mul3A_371 = vector.broadcast %mul3A_341 : vector<512x1xf32> to vector<512x128xf32>
    %mul3A_372 = arith.mulf %mul3A_371, %dot_general3A_364 : vector<512x128xf32>
    %add3A_373 = arith.addf %mul3A_370, %mul3A_372 : vector<512x128xf32>
    %add3A_374 = vector.broadcast %get3A_13 : vector<1x128xf32> to vector<512x128xf32>
    %add3A_375 = arith.addf %add3A_373, %add3A_374 : vector<512x128xf32>
    %max3A_376 = arith.constant 0.000000e+00 : f32
    %max3A_377 = vector.broadcast %max3A_376 : f32 to vector<512x128xf32>
    %max3A_378 = arith.maximumf %add3A_375, %max3A_377 : vector<512x128xf32>
    %dot_general3A_379 = arith.constant dense<0.000000e+00> : vector<512x128xf32>
    %dot_general3A_380 = tpu.matmul %max3A_378, %get3A_7, %dot_general3A_379 {dimension_numbers = #tpu.dot_dimension_numbers<[1], [0], [0], [1], [0, 0, 1, 1], [], []>, transpose_lhs_hint = false} : vector<512x128xf32>, vector<128x128xf32>, vector<512x128xf32> -> vector<512x128xf32>
    %mul3A_381 = vector.broadcast %rsqrt3A_340 : vector<512x1xf32> to vector<512x128xf32>
    %mul3A_382 = arith.mulf %mul3A_381, %dot_general3A_380 : vector<512x128xf32>
    %dot_general3A_383 = arith.constant dense<0.000000e+00> : vector<512x128xf32>
    %dot_general3A_384 = tpu.matmul %convert_element_type3A_243, %mul3A_382, %dot_general3A_383 {dimension_numbers = #tpu.dot_dimension_numbers<[1], [0], [0], [1], [0, 0, 1, 1], [], []>, transpose_lhs_hint = false} : vector<512x512xf32>, vector<512x128xf32>, vector<512x128xf32> -> vector<512x128xf32>
    %mul3A_385 = vector.broadcast %rsqrt3A_340 : vector<512x1xf32> to vector<512x128xf32>
    %mul3A_386 = arith.mulf %mul3A_385, %dot_general3A_384 : vector<512x128xf32>
    %mul3A_387 = vector.broadcast %mul3A_341 : vector<512x1xf32> to vector<512x128xf32>
    %mul3A_388 = arith.mulf %mul3A_387, %dot_general3A_380 : vector<512x128xf32>
    %add3A_389 = arith.addf %mul3A_386, %mul3A_388 : vector<512x128xf32>
    %add3A_390 = vector.broadcast %get3A_16 : vector<1x128xf32> to vector<512x128xf32>
    %add3A_391 = arith.addf %add3A_389, %add3A_390 : vector<512x128xf32>
    %max3A_392 = arith.constant 0.000000e+00 : f32
    %max3A_393 = vector.broadcast %max3A_392 : f32 to vector<512x128xf32>
    %max3A_394 = arith.maximumf %add3A_391, %max3A_393 : vector<512x128xf32>
    %reduce_max3A_395 = arith.constant dense<0xFF800000> : vector<128xf32>
    %reduce_max3A_396 = vector.multi_reduction <maximumf>, %max3A_394, %reduce_max3A_395 [0] : vector<512x128xf32> to vector<128xf32>
    %broadcast_in_dim3A_397 = vector.shape_cast %reduce_max3A_396 : vector<128xf32> to vector<1x128xf32>
    %get3A_398 = arith.constant 0 : index
    %get3A_399 = arith.constant 0 : index
    %get3A_400 = vector.load %arg9[%get3A_398, %get3A_399] : memref<128x128xf32, #tpu.memory_space<vmem>>, vector<128x128xf32>
    %dot_general3A_401 = arith.constant dense<0.000000e+00> : vector<1x128xf32>
    %dot_general3A_402 = tpu.matmul %broadcast_in_dim3A_397, %get3A_400, %dot_general3A_401 {dimension_numbers = #tpu.dot_dimension_numbers<[1], [0], [0], [1], [0, 0, 1, 1], [], []>, transpose_lhs_hint = false} : vector<1x128xf32>, vector<128x128xf32>, vector<1x128xf32> -> vector<1x128xf32>
    %get3A_403 = arith.constant 0 : index
    %get3A_404 = arith.constant 0 : index
    %get3A_405 = vector.load %arg10[%get3A_403, %get3A_404] : memref<1x128xf32, #tpu.memory_space<vmem>>, vector<1x128xf32>
    %add3A_406 = arith.addf %dot_general3A_402, %get3A_405 : vector<1x128xf32>
    %swap3A_407 = arith.constant 3 : index
    %swap3A_408 = arith.constant 0 : index
    %swap3A_409 = vector.load %arg11[%swap3A_407, %swap3A_408] : memref<8x128xf32, #tpu.memory_space<vmem>>, vector<1x128xf32>
    tpu.vector_store %arg11[%swap3A_407, %swap3A_408], %add3A_406 {strides = array<i32>} : memref<8x128xf32, #tpu.memory_space<vmem>>, vector<1x128xf32>,
    %get3A_410 = arith.constant 5 : index
    %get3A_411 = arith.constant 0 : index
    %get3A_412 = arith.constant 0 : index
    %get3A_413 = vector.load %arg1[%get3A_410, %get3A_411, %get3A_412] : memref<8x512x32xi32, #tpu.memory_space<vmem>>, vector<1x512x32xi32>
    %get3A_414 = vector.shape_cast %get3A_413 : vector<1x512x32xi32> to vector<512x32xi32>
    %convert_element_type3A_415 = arith.sitofp %get3A_414 : vector<512x32xi32> to vector<512x32xf32>
    %dot_general3A_416 = arith.constant dense<0.000000e+00> : vector<512x512xf32>
    %dot_general3A_417 = tpu.matmul %convert_element_type3A_415, %convert_element_type3A_41, %dot_general3A_416 {dimension_numbers = #tpu.dot_dimension_numbers<[1], [0], [0], [1], [0, 0, 1, 1], [], []>, transpose_lhs_hint = false} : vector<512x32xf32>, vector<32x512xf32>, vector<512x512xf32> -> vector<512x512xf32>
    %convert_element_type3A_418 = arith.fptosi %dot_general3A_417 : vector<512x512xf32> to vector<512x512xi32>
    %shift_right_arithmetic3A_419 = arith.shrsi %convert_element_type3A_418, %and3A_45 : vector<512x512xi32>
    %and3A_420 = arith.constant 1 : i32
    %and3A_421 = vector.broadcast %and3A_420 : i32 to vector<512x512xi32>
    %and3A_422 = arith.andi %shift_right_arithmetic3A_419, %and3A_421 : vector<512x512xi32>
    %convert_element_type3A_423 = arith.sitofp %and3A_422 : vector<512x512xi32> to vector<512x512xf32>
    %reduce_sum3A_424 = arith.constant dense<0.000000e+00> : vector<512xf32>
    %reduce_sum3A_425 = vector.multi_reduction <add>, %convert_element_type3A_333, %reduce_sum3A_424 [1] : vector<512x512xf32> to vector<512xf32>
    %broadcast_in_dim3A_426 = vector.shape_cast %reduce_sum3A_425 : vector<512xf32> to vector<512x1xf32>
    %add3A_427 = arith.constant 1.000000e+00 : f32
    %add3A_428 = vector.broadcast %add3A_427 : f32 to vector<512x1xf32>
    %add3A_429 = arith.addf %broadcast_in_dim3A_426, %add3A_428 : vector<512x1xf32>
    %rsqrt3A_430 = math.rsqrt %add3A_429 : vector<512x1xf32>
    %mul3A_431 = arith.mulf %rsqrt3A_430, %rsqrt3A_430 : vector<512x1xf32>
    %get3A_432 = arith.constant 4 : index
    %get3A_433 = arith.constant 0 : index
    %get3A_434 = arith.constant 0 : index
    %get3A_435 = vector.load %arg2[%get3A_432, %get3A_433, %get3A_434] : memref<8x512x64xf32, #tpu.memory_space<vmem>>, vector<1x512x64xf32>
    %get3A_436 = vector.shape_cast %get3A_435 : vector<1x512x64xf32> to vector<512x64xf32>
    %dot_general3A_437 = arith.constant dense<0.000000e+00> : vector<512x128xf32>
    %dot_general3A_438 = tpu.matmul %get3A_436, %get3A_1, %dot_general3A_437 {dimension_numbers = #tpu.dot_dimension_numbers<[1], [0], [0], [1], [0, 0, 1, 1], [], []>, transpose_lhs_hint = false} : vector<512x64xf32>, vector<64x128xf32>, vector<512x128xf32> -> vector<512x128xf32>
    %mul3A_439 = vector.broadcast %rsqrt3A_430 : vector<512x1xf32> to vector<512x128xf32>
    %mul3A_440 = arith.mulf %mul3A_439, %dot_general3A_438 : vector<512x128xf32>
    %dot_general3A_441 = arith.constant dense<0.000000e+00> : vector<512x128xf32>
    %dot_general3A_442 = tpu.matmul %convert_element_type3A_333, %mul3A_440, %dot_general3A_441 {dimension_numbers = #tpu.dot_dimension_numbers<[1], [0], [0], [1], [0, 0, 1, 1], [], []>, transpose_lhs_hint = false} : vector<512x512xf32>, vector<512x128xf32>, vector<512x128xf32> -> vector<512x128xf32>
    %mul3A_443 = vector.broadcast %rsqrt3A_430 : vector<512x1xf32> to vector<512x128xf32>
    %mul3A_444 = arith.mulf %mul3A_443, %dot_general3A_442 : vector<512x128xf32>
    %mul3A_445 = vector.broadcast %mul3A_431 : vector<512x1xf32> to vector<512x128xf32>
    %mul3A_446 = arith.mulf %mul3A_445, %dot_general3A_438 : vector<512x128xf32>
    %add3A_447 = arith.addf %mul3A_444, %mul3A_446 : vector<512x128xf32>
    %add3A_448 = vector.broadcast %get3A_10 : vector<1x128xf32> to vector<512x128xf32>
    %add3A_449 = arith.addf %add3A_447, %add3A_448 : vector<512x128xf32>
    %max3A_450 = arith.constant 0.000000e+00 : f32
    %max3A_451 = vector.broadcast %max3A_450 : f32 to vector<512x128xf32>
    %max3A_452 = arith.maximumf %add3A_449, %max3A_451 : vector<512x128xf32>
    %dot_general3A_453 = arith.constant dense<0.000000e+00> : vector<512x128xf32>
    %dot_general3A_454 = tpu.matmul %max3A_452, %get3A_4, %dot_general3A_453 {dimension_numbers = #tpu.dot_dimension_numbers<[1], [0], [0], [1], [0, 0, 1, 1], [], []>, transpose_lhs_hint = false} : vector<512x128xf32>, vector<128x128xf32>, vector<512x128xf32> -> vector<512x128xf32>
    %mul3A_455 = vector.broadcast %rsqrt3A_430 : vector<512x1xf32> to vector<512x128xf32>
    %mul3A_456 = arith.mulf %mul3A_455, %dot_general3A_454 : vector<512x128xf32>
    %dot_general3A_457 = arith.constant dense<0.000000e+00> : vector<512x128xf32>
    %dot_general3A_458 = tpu.matmul %convert_element_type3A_333, %mul3A_456, %dot_general3A_457 {dimension_numbers = #tpu.dot_dimension_numbers<[1], [0], [0], [1], [0, 0, 1, 1], [], []>, transpose_lhs_hint = false} : vector<512x512xf32>, vector<512x128xf32>, vector<512x128xf32> -> vector<512x128xf32>
    %mul3A_459 = vector.broadcast %rsqrt3A_430 : vector<512x1xf32> to vector<512x128xf32>
    %mul3A_460 = arith.mulf %mul3A_459, %dot_general3A_458 : vector<512x128xf32>
    %mul3A_461 = vector.broadcast %mul3A_431 : vector<512x1xf32> to vector<512x128xf32>
    %mul3A_462 = arith.mulf %mul3A_461, %dot_general3A_454 : vector<512x128xf32>
    %add3A_463 = arith.addf %mul3A_460, %mul3A_462 : vector<512x128xf32>
    %add3A_464 = vector.broadcast %get3A_13 : vector<1x128xf32> to vector<512x128xf32>
    %add3A_465 = arith.addf %add3A_463, %add3A_464 : vector<512x128xf32>
    %max3A_466 = arith.constant 0.000000e+00 : f32
    %max3A_467 = vector.broadcast %max3A_466 : f32 to vector<512x128xf32>
    %max3A_468 = arith.maximumf %add3A_465, %max3A_467 : vector<512x128xf32>
    %dot_general3A_469 = arith.constant dense<0.000000e+00> : vector<512x128xf32>
    %dot_general3A_470 = tpu.matmul %max3A_468, %get3A_7, %dot_general3A_469 {dimension_numbers = #tpu.dot_dimension_numbers<[1], [0], [0], [1], [0, 0, 1, 1], [], []>, transpose_lhs_hint = false} : vector<512x128xf32>, vector<128x128xf32>, vector<512x128xf32> -> vector<512x128xf32>
    %mul3A_471 = vector.broadcast %rsqrt3A_430 : vector<512x1xf32> to vector<512x128xf32>
    %mul3A_472 = arith.mulf %mul3A_471, %dot_general3A_470 : vector<512x128xf32>
    %dot_general3A_473 = arith.constant dense<0.000000e+00> : vector<512x128xf32>
    %dot_general3A_474 = tpu.matmul %convert_element_type3A_333, %mul3A_472, %dot_general3A_473 {dimension_numbers = #tpu.dot_dimension_numbers<[1], [0], [0], [1], [0, 0, 1, 1], [], []>, transpose_lhs_hint = false} : vector<512x512xf32>, vector<512x128xf32>, vector<512x128xf32> -> vector<512x128xf32>
    %mul3A_475 = vector.broadcast %rsqrt3A_430 : vector<512x1xf32> to vector<512x128xf32>
    %mul3A_476 = arith.mulf %mul3A_475, %dot_general3A_474 : vector<512x128xf32>
    %mul3A_477 = vector.broadcast %mul3A_431 : vector<512x1xf32> to vector<512x128xf32>
    %mul3A_478 = arith.mulf %mul3A_477, %dot_general3A_470 : vector<512x128xf32>
    %add3A_479 = arith.addf %mul3A_476, %mul3A_478 : vector<512x128xf32>
    %add3A_480 = vector.broadcast %get3A_16 : vector<1x128xf32> to vector<512x128xf32>
    %add3A_481 = arith.addf %add3A_479, %add3A_480 : vector<512x128xf32>
    %max3A_482 = arith.constant 0.000000e+00 : f32
    %max3A_483 = vector.broadcast %max3A_482 : f32 to vector<512x128xf32>
    %max3A_484 = arith.maximumf %add3A_481, %max3A_483 : vector<512x128xf32>
    %reduce_max3A_485 = arith.constant dense<0xFF800000> : vector<128xf32>
    %reduce_max3A_486 = vector.multi_reduction <maximumf>, %max3A_484, %reduce_max3A_485 [0] : vector<512x128xf32> to vector<128xf32>
    %broadcast_in_dim3A_487 = vector.shape_cast %reduce_max3A_486 : vector<128xf32> to vector<1x128xf32>
    %get3A_488 = arith.constant 0 : index
    %get3A_489 = arith.constant 0 : index
    %get3A_490 = vector.load %arg9[%get3A_488, %get3A_489] : memref<128x128xf32, #tpu.memory_space<vmem>>, vector<128x128xf32>
    %dot_general3A_491 = arith.constant dense<0.000000e+00> : vector<1x128xf32>
    %dot_general3A_492 = tpu.matmul %broadcast_in_dim3A_487, %get3A_490, %dot_general3A_491 {dimension_numbers = #tpu.dot_dimension_numbers<[1], [0], [0], [1], [0, 0, 1, 1], [], []>, transpose_lhs_hint = false} : vector<1x128xf32>, vector<128x128xf32>, vector<1x128xf32> -> vector<1x128xf32>
    %get3A_493 = arith.constant 0 : index
    %get3A_494 = arith.constant 0 : index
    %get3A_495 = vector.load %arg10[%get3A_493, %get3A_494] : memref<1x128xf32, #tpu.memory_space<vmem>>, vector<1x128xf32>
    %add3A_496 = arith.addf %dot_general3A_492, %get3A_495 : vector<1x128xf32>
    %swap3A_497 = arith.constant 4 : index
    %swap3A_498 = arith.constant 0 : index
    %swap3A_499 = vector.load %arg11[%swap3A_497, %swap3A_498] : memref<8x128xf32, #tpu.memory_space<vmem>>, vector<1x128xf32>
    tpu.vector_store %arg11[%swap3A_497, %swap3A_498], %add3A_496 {strides = array<i32>} : memref<8x128xf32, #tpu.memory_space<vmem>>, vector<1x128xf32>,
    %get3A_500 = arith.constant 6 : index
    %get3A_501 = arith.constant 0 : index
    %get3A_502 = arith.constant 0 : index
    %get3A_503 = vector.load %arg1[%get3A_500, %get3A_501, %get3A_502] : memref<8x512x32xi32, #tpu.memory_space<vmem>>, vector<1x512x32xi32>
    %get3A_504 = vector.shape_cast %get3A_503 : vector<1x512x32xi32> to vector<512x32xi32>
    %convert_element_type3A_505 = arith.sitofp %get3A_504 : vector<512x32xi32> to vector<512x32xf32>
    %dot_general3A_506 = arith.constant dense<0.000000e+00> : vector<512x512xf32>
    %dot_general3A_507 = tpu.matmul %convert_element_type3A_505, %convert_element_type3A_41, %dot_general3A_506 {dimension_numbers = #tpu.dot_dimension_numbers<[1], [0], [0], [1], [0, 0, 1, 1], [], []>, transpose_lhs_hint = false} : vector<512x32xf32>, vector<32x512xf32>, vector<512x512xf32> -> vector<512x512xf32>
    %convert_element_type3A_508 = arith.fptosi %dot_general3A_507 : vector<512x512xf32> to vector<512x512xi32>
    %shift_right_arithmetic3A_509 = arith.shrsi %convert_element_type3A_508, %and3A_45 : vector<512x512xi32>
    %and3A_510 = arith.constant 1 : i32
    %and3A_511 = vector.broadcast %and3A_510 : i32 to vector<512x512xi32>
    %and3A_512 = arith.andi %shift_right_arithmetic3A_509, %and3A_511 : vector<512x512xi32>
    %convert_element_type3A_513 = arith.sitofp %and3A_512 : vector<512x512xi32> to vector<512x512xf32>
    %reduce_sum3A_514 = arith.constant dense<0.000000e+00> : vector<512xf32>
    %reduce_sum3A_515 = vector.multi_reduction <add>, %convert_element_type3A_423, %reduce_sum3A_514 [1] : vector<512x512xf32> to vector<512xf32>
    %broadcast_in_dim3A_516 = vector.shape_cast %reduce_sum3A_515 : vector<512xf32> to vector<512x1xf32>
    %add3A_517 = arith.constant 1.000000e+00 : f32
    %add3A_518 = vector.broadcast %add3A_517 : f32 to vector<512x1xf32>
    %add3A_519 = arith.addf %broadcast_in_dim3A_516, %add3A_518 : vector<512x1xf32>
    %rsqrt3A_520 = math.rsqrt %add3A_519 : vector<512x1xf32>
    %mul3A_521 = arith.mulf %rsqrt3A_520, %rsqrt3A_520 : vector<512x1xf32>
    %get3A_522 = arith.constant 5 : index
    %get3A_523 = arith.constant 0 : index
    %get3A_524 = arith.constant 0 : index
    %get3A_525 = vector.load %arg2[%get3A_522, %get3A_523, %get3A_524] : memref<8x512x64xf32, #tpu.memory_space<vmem>>, vector<1x512x64xf32>
    %get3A_526 = vector.shape_cast %get3A_525 : vector<1x512x64xf32> to vector<512x64xf32>
    %dot_general3A_527 = arith.constant dense<0.000000e+00> : vector<512x128xf32>
    %dot_general3A_528 = tpu.matmul %get3A_526, %get3A_1, %dot_general3A_527 {dimension_numbers = #tpu.dot_dimension_numbers<[1], [0], [0], [1], [0, 0, 1, 1], [], []>, transpose_lhs_hint = false} : vector<512x64xf32>, vector<64x128xf32>, vector<512x128xf32> -> vector<512x128xf32>
    %mul3A_529 = vector.broadcast %rsqrt3A_520 : vector<512x1xf32> to vector<512x128xf32>
    %mul3A_530 = arith.mulf %mul3A_529, %dot_general3A_528 : vector<512x128xf32>
    %dot_general3A_531 = arith.constant dense<0.000000e+00> : vector<512x128xf32>
    %dot_general3A_532 = tpu.matmul %convert_element_type3A_423, %mul3A_530, %dot_general3A_531 {dimension_numbers = #tpu.dot_dimension_numbers<[1], [0], [0], [1], [0, 0, 1, 1], [], []>, transpose_lhs_hint = false} : vector<512x512xf32>, vector<512x128xf32>, vector<512x128xf32> -> vector<512x128xf32>
    %mul3A_533 = vector.broadcast %rsqrt3A_520 : vector<512x1xf32> to vector<512x128xf32>
    %mul3A_534 = arith.mulf %mul3A_533, %dot_general3A_532 : vector<512x128xf32>
    %mul3A_535 = vector.broadcast %mul3A_521 : vector<512x1xf32> to vector<512x128xf32>
    %mul3A_536 = arith.mulf %mul3A_535, %dot_general3A_528 : vector<512x128xf32>
    %add3A_537 = arith.addf %mul3A_534, %mul3A_536 : vector<512x128xf32>
    %add3A_538 = vector.broadcast %get3A_10 : vector<1x128xf32> to vector<512x128xf32>
    %add3A_539 = arith.addf %add3A_537, %add3A_538 : vector<512x128xf32>
    %max3A_540 = arith.constant 0.000000e+00 : f32
    %max3A_541 = vector.broadcast %max3A_540 : f32 to vector<512x128xf32>
    %max3A_542 = arith.maximumf %add3A_539, %max3A_541 : vector<512x128xf32>
    %dot_general3A_543 = arith.constant dense<0.000000e+00> : vector<512x128xf32>
    %dot_general3A_544 = tpu.matmul %max3A_542, %get3A_4, %dot_general3A_543 {dimension_numbers = #tpu.dot_dimension_numbers<[1], [0], [0], [1], [0, 0, 1, 1], [], []>, transpose_lhs_hint = false} : vector<512x128xf32>, vector<128x128xf32>, vector<512x128xf32> -> vector<512x128xf32>
    %mul3A_545 = vector.broadcast %rsqrt3A_520 : vector<512x1xf32> to vector<512x128xf32>
    %mul3A_546 = arith.mulf %mul3A_545, %dot_general3A_544 : vector<512x128xf32>
    %dot_general3A_547 = arith.constant dense<0.000000e+00> : vector<512x128xf32>
    %dot_general3A_548 = tpu.matmul %convert_element_type3A_423, %mul3A_546, %dot_general3A_547 {dimension_numbers = #tpu.dot_dimension_numbers<[1], [0], [0], [1], [0, 0, 1, 1], [], []>, transpose_lhs_hint = false} : vector<512x512xf32>, vector<512x128xf32>, vector<512x128xf32> -> vector<512x128xf32>
    %mul3A_549 = vector.broadcast %rsqrt3A_520 : vector<512x1xf32> to vector<512x128xf32>
    %mul3A_550 = arith.mulf %mul3A_549, %dot_general3A_548 : vector<512x128xf32>
    %mul3A_551 = vector.broadcast %mul3A_521 : vector<512x1xf32> to vector<512x128xf32>
    %mul3A_552 = arith.mulf %mul3A_551, %dot_general3A_544 : vector<512x128xf32>
    %add3A_553 = arith.addf %mul3A_550, %mul3A_552 : vector<512x128xf32>
    %add3A_554 = vector.broadcast %get3A_13 : vector<1x128xf32> to vector<512x128xf32>
    %add3A_555 = arith.addf %add3A_553, %add3A_554 : vector<512x128xf32>
    %max3A_556 = arith.constant 0.000000e+00 : f32
    %max3A_557 = vector.broadcast %max3A_556 : f32 to vector<512x128xf32>
    %max3A_558 = arith.maximumf %add3A_555, %max3A_557 : vector<512x128xf32>
    %dot_general3A_559 = arith.constant dense<0.000000e+00> : vector<512x128xf32>
    %dot_general3A_560 = tpu.matmul %max3A_558, %get3A_7, %dot_general3A_559 {dimension_numbers = #tpu.dot_dimension_numbers<[1], [0], [0], [1], [0, 0, 1, 1], [], []>, transpose_lhs_hint = false} : vector<512x128xf32>, vector<128x128xf32>, vector<512x128xf32> -> vector<512x128xf32>
    %mul3A_561 = vector.broadcast %rsqrt3A_520 : vector<512x1xf32> to vector<512x128xf32>
    %mul3A_562 = arith.mulf %mul3A_561, %dot_general3A_560 : vector<512x128xf32>
    %dot_general3A_563 = arith.constant dense<0.000000e+00> : vector<512x128xf32>
    %dot_general3A_564 = tpu.matmul %convert_element_type3A_423, %mul3A_562, %dot_general3A_563 {dimension_numbers = #tpu.dot_dimension_numbers<[1], [0], [0], [1], [0, 0, 1, 1], [], []>, transpose_lhs_hint = false} : vector<512x512xf32>, vector<512x128xf32>, vector<512x128xf32> -> vector<512x128xf32>
    %mul3A_565 = vector.broadcast %rsqrt3A_520 : vector<512x1xf32> to vector<512x128xf32>
    %mul3A_566 = arith.mulf %mul3A_565, %dot_general3A_564 : vector<512x128xf32>
    %mul3A_567 = vector.broadcast %mul3A_521 : vector<512x1xf32> to vector<512x128xf32>
    %mul3A_568 = arith.mulf %mul3A_567, %dot_general3A_560 : vector<512x128xf32>
    %add3A_569 = arith.addf %mul3A_566, %mul3A_568 : vector<512x128xf32>
    %add3A_570 = vector.broadcast %get3A_16 : vector<1x128xf32> to vector<512x128xf32>
    %add3A_571 = arith.addf %add3A_569, %add3A_570 : vector<512x128xf32>
    %max3A_572 = arith.constant 0.000000e+00 : f32
    %max3A_573 = vector.broadcast %max3A_572 : f32 to vector<512x128xf32>
    %max3A_574 = arith.maximumf %add3A_571, %max3A_573 : vector<512x128xf32>
    %reduce_max3A_575 = arith.constant dense<0xFF800000> : vector<128xf32>
    %reduce_max3A_576 = vector.multi_reduction <maximumf>, %max3A_574, %reduce_max3A_575 [0] : vector<512x128xf32> to vector<128xf32>
    %broadcast_in_dim3A_577 = vector.shape_cast %reduce_max3A_576 : vector<128xf32> to vector<1x128xf32>
    %get3A_578 = arith.constant 0 : index
    %get3A_579 = arith.constant 0 : index
    %get3A_580 = vector.load %arg9[%get3A_578, %get3A_579] : memref<128x128xf32, #tpu.memory_space<vmem>>, vector<128x128xf32>
    %dot_general3A_581 = arith.constant dense<0.000000e+00> : vector<1x128xf32>
    %dot_general3A_582 = tpu.matmul %broadcast_in_dim3A_577, %get3A_580, %dot_general3A_581 {dimension_numbers = #tpu.dot_dimension_numbers<[1], [0], [0], [1], [0, 0, 1, 1], [], []>, transpose_lhs_hint = false} : vector<1x128xf32>, vector<128x128xf32>, vector<1x128xf32> -> vector<1x128xf32>
    %get3A_583 = arith.constant 0 : index
    %get3A_584 = arith.constant 0 : index
    %get3A_585 = vector.load %arg10[%get3A_583, %get3A_584] : memref<1x128xf32, #tpu.memory_space<vmem>>, vector<1x128xf32>
    %add3A_586 = arith.addf %dot_general3A_582, %get3A_585 : vector<1x128xf32>
    %swap3A_587 = arith.constant 5 : index
    %swap3A_588 = arith.constant 0 : index
    %swap3A_589 = vector.load %arg11[%swap3A_587, %swap3A_588] : memref<8x128xf32, #tpu.memory_space<vmem>>, vector<1x128xf32>
    tpu.vector_store %arg11[%swap3A_587, %swap3A_588], %add3A_586 {strides = array<i32>} : memref<8x128xf32, #tpu.memory_space<vmem>>, vector<1x128xf32>,
    %get3A_590 = arith.constant 7 : index
    %get3A_591 = arith.constant 0 : index
    %get3A_592 = arith.constant 0 : index
    %get3A_593 = vector.load %arg1[%get3A_590, %get3A_591, %get3A_592] : memref<8x512x32xi32, #tpu.memory_space<vmem>>, vector<1x512x32xi32>
    %get3A_594 = vector.shape_cast %get3A_593 : vector<1x512x32xi32> to vector<512x32xi32>
    %convert_element_type3A_595 = arith.sitofp %get3A_594 : vector<512x32xi32> to vector<512x32xf32>
    %dot_general3A_596 = arith.constant dense<0.000000e+00> : vector<512x512xf32>
    %dot_general3A_597 = tpu.matmul %convert_element_type3A_595, %convert_element_type3A_41, %dot_general3A_596 {dimension_numbers = #tpu.dot_dimension_numbers<[1], [0], [0], [1], [0, 0, 1, 1], [], []>, transpose_lhs_hint = false} : vector<512x32xf32>, vector<32x512xf32>, vector<512x512xf32> -> vector<512x512xf32>
    %convert_element_type3A_598 = arith.fptosi %dot_general3A_597 : vector<512x512xf32> to vector<512x512xi32>
    %shift_right_arithmetic3A_599 = arith.shrsi %convert_element_type3A_598, %and3A_45 : vector<512x512xi32>
    %and3A_600 = arith.constant 1 : i32
    %and3A_601 = vector.broadcast %and3A_600 : i32 to vector<512x512xi32>
    %and3A_602 = arith.andi %shift_right_arithmetic3A_599, %and3A_601 : vector<512x512xi32>
    %convert_element_type3A_603 = arith.sitofp %and3A_602 : vector<512x512xi32> to vector<512x512xf32>
    %reduce_sum3A_604 = arith.constant dense<0.000000e+00> : vector<512xf32>
    %reduce_sum3A_605 = vector.multi_reduction <add>, %convert_element_type3A_513, %reduce_sum3A_604 [1] : vector<512x512xf32> to vector<512xf32>
    %broadcast_in_dim3A_606 = vector.shape_cast %reduce_sum3A_605 : vector<512xf32> to vector<512x1xf32>
    %add3A_607 = arith.constant 1.000000e+00 : f32
    %add3A_608 = vector.broadcast %add3A_607 : f32 to vector<512x1xf32>
    %add3A_609 = arith.addf %broadcast_in_dim3A_606, %add3A_608 : vector<512x1xf32>
    %rsqrt3A_610 = math.rsqrt %add3A_609 : vector<512x1xf32>
    %mul3A_611 = arith.mulf %rsqrt3A_610, %rsqrt3A_610 : vector<512x1xf32>
    %get3A_612 = arith.constant 6 : index
    %get3A_613 = arith.constant 0 : index
    %get3A_614 = arith.constant 0 : index
    %get3A_615 = vector.load %arg2[%get3A_612, %get3A_613, %get3A_614] : memref<8x512x64xf32, #tpu.memory_space<vmem>>, vector<1x512x64xf32>
    %get3A_616 = vector.shape_cast %get3A_615 : vector<1x512x64xf32> to vector<512x64xf32>
    %dot_general3A_617 = arith.constant dense<0.000000e+00> : vector<512x128xf32>
    %dot_general3A_618 = tpu.matmul %get3A_616, %get3A_1, %dot_general3A_617 {dimension_numbers = #tpu.dot_dimension_numbers<[1], [0], [0], [1], [0, 0, 1, 1], [], []>, transpose_lhs_hint = false} : vector<512x64xf32>, vector<64x128xf32>, vector<512x128xf32> -> vector<512x128xf32>
    %mul3A_619 = vector.broadcast %rsqrt3A_610 : vector<512x1xf32> to vector<512x128xf32>
    %mul3A_620 = arith.mulf %mul3A_619, %dot_general3A_618 : vector<512x128xf32>
    %dot_general3A_621 = arith.constant dense<0.000000e+00> : vector<512x128xf32>
    %dot_general3A_622 = tpu.matmul %convert_element_type3A_513, %mul3A_620, %dot_general3A_621 {dimension_numbers = #tpu.dot_dimension_numbers<[1], [0], [0], [1], [0, 0, 1, 1], [], []>, transpose_lhs_hint = false} : vector<512x512xf32>, vector<512x128xf32>, vector<512x128xf32> -> vector<512x128xf32>
    %mul3A_623 = vector.broadcast %rsqrt3A_610 : vector<512x1xf32> to vector<512x128xf32>
    %mul3A_624 = arith.mulf %mul3A_623, %dot_general3A_622 : vector<512x128xf32>
    %mul3A_625 = vector.broadcast %mul3A_611 : vector<512x1xf32> to vector<512x128xf32>
    %mul3A_626 = arith.mulf %mul3A_625, %dot_general3A_618 : vector<512x128xf32>
    %add3A_627 = arith.addf %mul3A_624, %mul3A_626 : vector<512x128xf32>
    %add3A_628 = vector.broadcast %get3A_10 : vector<1x128xf32> to vector<512x128xf32>
    %add3A_629 = arith.addf %add3A_627, %add3A_628 : vector<512x128xf32>
    %max3A_630 = arith.constant 0.000000e+00 : f32
    %max3A_631 = vector.broadcast %max3A_630 : f32 to vector<512x128xf32>
    %max3A_632 = arith.maximumf %add3A_629, %max3A_631 : vector<512x128xf32>
    %dot_general3A_633 = arith.constant dense<0.000000e+00> : vector<512x128xf32>
    %dot_general3A_634 = tpu.matmul %max3A_632, %get3A_4, %dot_general3A_633 {dimension_numbers = #tpu.dot_dimension_numbers<[1], [0], [0], [1], [0, 0, 1, 1], [], []>, transpose_lhs_hint = false} : vector<512x128xf32>, vector<128x128xf32>, vector<512x128xf32> -> vector<512x128xf32>
    %mul3A_635 = vector.broadcast %rsqrt3A_610 : vector<512x1xf32> to vector<512x128xf32>
    %mul3A_636 = arith.mulf %mul3A_635, %dot_general3A_634 : vector<512x128xf32>
    %dot_general3A_637 = arith.constant dense<0.000000e+00> : vector<512x128xf32>
    %dot_general3A_638 = tpu.matmul %convert_element_type3A_513, %mul3A_636, %dot_general3A_637 {dimension_numbers = #tpu.dot_dimension_numbers<[1], [0], [0], [1], [0, 0, 1, 1], [], []>, transpose_lhs_hint = false} : vector<512x512xf32>, vector<512x128xf32>, vector<512x128xf32> -> vector<512x128xf32>
    %mul3A_639 = vector.broadcast %rsqrt3A_610 : vector<512x1xf32> to vector<512x128xf32>
    %mul3A_640 = arith.mulf %mul3A_639, %dot_general3A_638 : vector<512x128xf32>
    %mul3A_641 = vector.broadcast %mul3A_611 : vector<512x1xf32> to vector<512x128xf32>
    %mul3A_642 = arith.mulf %mul3A_641, %dot_general3A_634 : vector<512x128xf32>
    %add3A_643 = arith.addf %mul3A_640, %mul3A_642 : vector<512x128xf32>
    %add3A_644 = vector.broadcast %get3A_13 : vector<1x128xf32> to vector<512x128xf32>
    %add3A_645 = arith.addf %add3A_643, %add3A_644 : vector<512x128xf32>
    %max3A_646 = arith.constant 0.000000e+00 : f32
    %max3A_647 = vector.broadcast %max3A_646 : f32 to vector<512x128xf32>
    %max3A_648 = arith.maximumf %add3A_645, %max3A_647 : vector<512x128xf32>
    %dot_general3A_649 = arith.constant dense<0.000000e+00> : vector<512x128xf32>
    %dot_general3A_650 = tpu.matmul %max3A_648, %get3A_7, %dot_general3A_649 {dimension_numbers = #tpu.dot_dimension_numbers<[1], [0], [0], [1], [0, 0, 1, 1], [], []>, transpose_lhs_hint = false} : vector<512x128xf32>, vector<128x128xf32>, vector<512x128xf32> -> vector<512x128xf32>
    %mul3A_651 = vector.broadcast %rsqrt3A_610 : vector<512x1xf32> to vector<512x128xf32>
    %mul3A_652 = arith.mulf %mul3A_651, %dot_general3A_650 : vector<512x128xf32>
    %dot_general3A_653 = arith.constant dense<0.000000e+00> : vector<512x128xf32>
    %dot_general3A_654 = tpu.matmul %convert_element_type3A_513, %mul3A_652, %dot_general3A_653 {dimension_numbers = #tpu.dot_dimension_numbers<[1], [0], [0], [1], [0, 0, 1, 1], [], []>, transpose_lhs_hint = false} : vector<512x512xf32>, vector<512x128xf32>, vector<512x128xf32> -> vector<512x128xf32>
    %mul3A_655 = vector.broadcast %rsqrt3A_610 : vector<512x1xf32> to vector<512x128xf32>
    %mul3A_656 = arith.mulf %mul3A_655, %dot_general3A_654 : vector<512x128xf32>
    %mul3A_657 = vector.broadcast %mul3A_611 : vector<512x1xf32> to vector<512x128xf32>
    %mul3A_658 = arith.mulf %mul3A_657, %dot_general3A_650 : vector<512x128xf32>
    %add3A_659 = arith.addf %mul3A_656, %mul3A_658 : vector<512x128xf32>
    %add3A_660 = vector.broadcast %get3A_16 : vector<1x128xf32> to vector<512x128xf32>
    %add3A_661 = arith.addf %add3A_659, %add3A_660 : vector<512x128xf32>
    %max3A_662 = arith.constant 0.000000e+00 : f32
    %max3A_663 = vector.broadcast %max3A_662 : f32 to vector<512x128xf32>
    %max3A_664 = arith.maximumf %add3A_661, %max3A_663 : vector<512x128xf32>
    %reduce_max3A_665 = arith.constant dense<0xFF800000> : vector<128xf32>
    %reduce_max3A_666 = vector.multi_reduction <maximumf>, %max3A_664, %reduce_max3A_665 [0] : vector<512x128xf32> to vector<128xf32>
    %broadcast_in_dim3A_667 = vector.shape_cast %reduce_max3A_666 : vector<128xf32> to vector<1x128xf32>
    %get3A_668 = arith.constant 0 : index
    %get3A_669 = arith.constant 0 : index
    %get3A_670 = vector.load %arg9[%get3A_668, %get3A_669] : memref<128x128xf32, #tpu.memory_space<vmem>>, vector<128x128xf32>
    %dot_general3A_671 = arith.constant dense<0.000000e+00> : vector<1x128xf32>
    %dot_general3A_672 = tpu.matmul %broadcast_in_dim3A_667, %get3A_670, %dot_general3A_671 {dimension_numbers = #tpu.dot_dimension_numbers<[1], [0], [0], [1], [0, 0, 1, 1], [], []>, transpose_lhs_hint = false} : vector<1x128xf32>, vector<128x128xf32>, vector<1x128xf32> -> vector<1x128xf32>
    %get3A_673 = arith.constant 0 : index
    %get3A_674 = arith.constant 0 : index
    %get3A_675 = vector.load %arg10[%get3A_673, %get3A_674] : memref<1x128xf32, #tpu.memory_space<vmem>>, vector<1x128xf32>
    %add3A_676 = arith.addf %dot_general3A_672, %get3A_675 : vector<1x128xf32>
    %swap3A_677 = arith.constant 6 : index
    %swap3A_678 = arith.constant 0 : index
    %swap3A_679 = vector.load %arg11[%swap3A_677, %swap3A_678] : memref<8x128xf32, #tpu.memory_space<vmem>>, vector<1x128xf32>
    tpu.vector_store %arg11[%swap3A_677, %swap3A_678], %add3A_676 {strides = array<i32>} : memref<8x128xf32, #tpu.memory_space<vmem>>, vector<1x128xf32>,
    %reduce_sum3A_680 = arith.constant dense<0.000000e+00> : vector<512xf32>
    %reduce_sum3A_681 = vector.multi_reduction <add>, %convert_element_type3A_603, %reduce_sum3A_680 [1] : vector<512x512xf32> to vector<512xf32>
    %broadcast_in_dim3A_682 = vector.shape_cast %reduce_sum3A_681 : vector<512xf32> to vector<512x1xf32>
    %add3A_683 = arith.constant 1.000000e+00 : f32
    %add3A_684 = vector.broadcast %add3A_683 : f32 to vector<512x1xf32>
    %add3A_685 = arith.addf %broadcast_in_dim3A_682, %add3A_684 : vector<512x1xf32>
    %rsqrt3A_686 = math.rsqrt %add3A_685 : vector<512x1xf32>
    %mul3A_687 = arith.mulf %rsqrt3A_686, %rsqrt3A_686 : vector<512x1xf32>
    %get3A_688 = arith.constant 7 : index
    %get3A_689 = arith.constant 0 : index
    %get3A_690 = arith.constant 0 : index
    %get3A_691 = vector.load %arg2[%get3A_688, %get3A_689, %get3A_690] : memref<8x512x64xf32, #tpu.memory_space<vmem>>, vector<1x512x64xf32>
    %get3A_692 = vector.shape_cast %get3A_691 : vector<1x512x64xf32> to vector<512x64xf32>
    %dot_general3A_693 = arith.constant dense<0.000000e+00> : vector<512x128xf32>
    %dot_general3A_694 = tpu.matmul %get3A_692, %get3A_1, %dot_general3A_693 {dimension_numbers = #tpu.dot_dimension_numbers<[1], [0], [0], [1], [0, 0, 1, 1], [], []>, transpose_lhs_hint = false} : vector<512x64xf32>, vector<64x128xf32>, vector<512x128xf32> -> vector<512x128xf32>
    %mul3A_695 = vector.broadcast %rsqrt3A_686 : vector<512x1xf32> to vector<512x128xf32>
    %mul3A_696 = arith.mulf %mul3A_695, %dot_general3A_694 : vector<512x128xf32>
    %dot_general3A_697 = arith.constant dense<0.000000e+00> : vector<512x128xf32>
    %dot_general3A_698 = tpu.matmul %convert_element_type3A_603, %mul3A_696, %dot_general3A_697 {dimension_numbers = #tpu.dot_dimension_numbers<[1], [0], [0], [1], [0, 0, 1, 1], [], []>, transpose_lhs_hint = false} : vector<512x512xf32>, vector<512x128xf32>, vector<512x128xf32> -> vector<512x128xf32>
    %mul3A_699 = vector.broadcast %rsqrt3A_686 : vector<512x1xf32> to vector<512x128xf32>
    %mul3A_700 = arith.mulf %mul3A_699, %dot_general3A_698 : vector<512x128xf32>
    %mul3A_701 = vector.broadcast %mul3A_687 : vector<512x1xf32> to vector<512x128xf32>
    %mul3A_702 = arith.mulf %mul3A_701, %dot_general3A_694 : vector<512x128xf32>
    %add3A_703 = arith.addf %mul3A_700, %mul3A_702 : vector<512x128xf32>
    %add3A_704 = vector.broadcast %get3A_10 : vector<1x128xf32> to vector<512x128xf32>
    %add3A_705 = arith.addf %add3A_703, %add3A_704 : vector<512x128xf32>
    %max3A_706 = arith.constant 0.000000e+00 : f32
    %max3A_707 = vector.broadcast %max3A_706 : f32 to vector<512x128xf32>
    %max3A_708 = arith.maximumf %add3A_705, %max3A_707 : vector<512x128xf32>
    %dot_general3A_709 = arith.constant dense<0.000000e+00> : vector<512x128xf32>
    %dot_general3A_710 = tpu.matmul %max3A_708, %get3A_4, %dot_general3A_709 {dimension_numbers = #tpu.dot_dimension_numbers<[1], [0], [0], [1], [0, 0, 1, 1], [], []>, transpose_lhs_hint = false} : vector<512x128xf32>, vector<128x128xf32>, vector<512x128xf32> -> vector<512x128xf32>
    %mul3A_711 = vector.broadcast %rsqrt3A_686 : vector<512x1xf32> to vector<512x128xf32>
    %mul3A_712 = arith.mulf %mul3A_711, %dot_general3A_710 : vector<512x128xf32>
    %dot_general3A_713 = arith.constant dense<0.000000e+00> : vector<512x128xf32>
    %dot_general3A_714 = tpu.matmul %convert_element_type3A_603, %mul3A_712, %dot_general3A_713 {dimension_numbers = #tpu.dot_dimension_numbers<[1], [0], [0], [1], [0, 0, 1, 1], [], []>, transpose_lhs_hint = false} : vector<512x512xf32>, vector<512x128xf32>, vector<512x128xf32> -> vector<512x128xf32>
    %mul3A_715 = vector.broadcast %rsqrt3A_686 : vector<512x1xf32> to vector<512x128xf32>
    %mul3A_716 = arith.mulf %mul3A_715, %dot_general3A_714 : vector<512x128xf32>
    %mul3A_717 = vector.broadcast %mul3A_687 : vector<512x1xf32> to vector<512x128xf32>
    %mul3A_718 = arith.mulf %mul3A_717, %dot_general3A_710 : vector<512x128xf32>
    %add3A_719 = arith.addf %mul3A_716, %mul3A_718 : vector<512x128xf32>
    %add3A_720 = vector.broadcast %get3A_13 : vector<1x128xf32> to vector<512x128xf32>
    %add3A_721 = arith.addf %add3A_719, %add3A_720 : vector<512x128xf32>
    %max3A_722 = arith.constant 0.000000e+00 : f32
    %max3A_723 = vector.broadcast %max3A_722 : f32 to vector<512x128xf32>
    %max3A_724 = arith.maximumf %add3A_721, %max3A_723 : vector<512x128xf32>
    %dot_general3A_725 = arith.constant dense<0.000000e+00> : vector<512x128xf32>
    %dot_general3A_726 = tpu.matmul %max3A_724, %get3A_7, %dot_general3A_725 {dimension_numbers = #tpu.dot_dimension_numbers<[1], [0], [0], [1], [0, 0, 1, 1], [], []>, transpose_lhs_hint = false} : vector<512x128xf32>, vector<128x128xf32>, vector<512x128xf32> -> vector<512x128xf32>
    %mul3A_727 = vector.broadcast %rsqrt3A_686 : vector<512x1xf32> to vector<512x128xf32>
    %mul3A_728 = arith.mulf %mul3A_727, %dot_general3A_726 : vector<512x128xf32>
    %dot_general3A_729 = arith.constant dense<0.000000e+00> : vector<512x128xf32>
    %dot_general3A_730 = tpu.matmul %convert_element_type3A_603, %mul3A_728, %dot_general3A_729 {dimension_numbers = #tpu.dot_dimension_numbers<[1], [0], [0], [1], [0, 0, 1, 1], [], []>, transpose_lhs_hint = false} : vector<512x512xf32>, vector<512x128xf32>, vector<512x128xf32> -> vector<512x128xf32>
    %mul3A_731 = vector.broadcast %rsqrt3A_686 : vector<512x1xf32> to vector<512x128xf32>
    %mul3A_732 = arith.mulf %mul3A_731, %dot_general3A_730 : vector<512x128xf32>
    %mul3A_733 = vector.broadcast %mul3A_687 : vector<512x1xf32> to vector<512x128xf32>
    %mul3A_734 = arith.mulf %mul3A_733, %dot_general3A_726 : vector<512x128xf32>
    %add3A_735 = arith.addf %mul3A_732, %mul3A_734 : vector<512x128xf32>
    %add3A_736 = vector.broadcast %get3A_16 : vector<1x128xf32> to vector<512x128xf32>
    %add3A_737 = arith.addf %add3A_735, %add3A_736 : vector<512x128xf32>
    %max3A_738 = arith.constant 0.000000e+00 : f32
    %max3A_739 = vector.broadcast %max3A_738 : f32 to vector<512x128xf32>
    %max3A_740 = arith.maximumf %add3A_737, %max3A_739 : vector<512x128xf32>
    %reduce_max3A_741 = arith.constant dense<0xFF800000> : vector<128xf32>
    %reduce_max3A_742 = vector.multi_reduction <maximumf>, %max3A_740, %reduce_max3A_741 [0] : vector<512x128xf32> to vector<128xf32>
    %broadcast_in_dim3A_743 = vector.shape_cast %reduce_max3A_742 : vector<128xf32> to vector<1x128xf32>
    %get3A_744 = arith.constant 0 : index
    %get3A_745 = arith.constant 0 : index
    %get3A_746 = vector.load %arg9[%get3A_744, %get3A_745] : memref<128x128xf32, #tpu.memory_space<vmem>>, vector<128x128xf32>
    %dot_general3A_747 = arith.constant dense<0.000000e+00> : vector<1x128xf32>
    %dot_general3A_748 = tpu.matmul %broadcast_in_dim3A_743, %get3A_746, %dot_general3A_747 {dimension_numbers = #tpu.dot_dimension_numbers<[1], [0], [0], [1], [0, 0, 1, 1], [], []>, transpose_lhs_hint = false} : vector<1x128xf32>, vector<128x128xf32>, vector<1x128xf32> -> vector<1x128xf32>
    %get3A_749 = arith.constant 0 : index
    %get3A_750 = arith.constant 0 : index
    %get3A_751 = vector.load %arg10[%get3A_749, %get3A_750] : memref<1x128xf32, #tpu.memory_space<vmem>>, vector<1x128xf32>
    %add3A_752 = arith.addf %dot_general3A_748, %get3A_751 : vector<1x128xf32>
    %swap3A_753 = arith.constant 7 : index
    %swap3A_754 = arith.constant 0 : index
    %swap3A_755 = vector.load %arg11[%swap3A_753, %swap3A_754] : memref<8x128xf32, #tpu.memory_space<vmem>>, vector<1x128xf32>
    tpu.vector_store %arg11[%swap3A_753, %swap3A_754], %add3A_752 {strides = array<i32>} : memref<8x128xf32, #tpu.memory_space<vmem>>, vector<1x128xf32>,
    return
  }
  func.func @transform_0(%arg0: i32) -> (i32, i32, i32) {
    %c0_i32 = arith.constant 0 : i32
    %c0_i32_0 = arith.constant 0 : i32
    %c0_i32_1 = arith.constant 0 : i32
    return %arg0, %c0_i32, %c0_i32_0 : i32, i32, i32
  }
  func.func @transform_1(%arg0: i32) -> (i32, i32, i32) {
    %c0_i32 = arith.constant 0 : i32
    %c0_i32_0 = arith.constant 0 : i32
    %c0_i32_1 = arith.constant 0 : i32
    return %arg0, %c0_i32, %c0_i32_0 : i32, i32, i32
  }
  func.func @transform_2(%arg0: i32) -> (i32, i32) {
    %c0_i32 = arith.constant 0 : i32
    %c0_i32_0 = arith.constant 0 : i32
    %c0_i32_1 = arith.constant 0 : i32
    return %c0_i32, %c0_i32_0 : i32, i32
  }
  func.func @transform_3(%arg0: i32) -> (i32, i32) {
    %c0_i32 = arith.constant 0 : i32
    %c0_i32_0 = arith.constant 0 : i32
    %c0_i32_1 = arith.constant 0 : i32
    return %c0_i32, %c0_i32_0 : i32, i32
  }
  func.func @transform_4(%arg0: i32) -> (i32, i32) {
    %c0_i32 = arith.constant 0 : i32
    %c0_i32_0 = arith.constant 0 : i32
    %c0_i32_1 = arith.constant 0 : i32
    return %c0_i32, %c0_i32_0 : i32, i32
  }
  func.func @transform_5(%arg0: i32) -> (i32, i32) {
    %c0_i32 = arith.constant 0 : i32
    %c0_i32_0 = arith.constant 0 : i32
    %c0_i32_1 = arith.constant 0 : i32
    return %c0_i32, %c0_i32_0 : i32, i32
  }
  func.func @transform_6(%arg0: i32) -> (i32, i32) {
    %c0_i32 = arith.constant 0 : i32
    %c0_i32_0 = arith.constant 0 : i32
    %c0_i32_1 = arith.constant 0 : i32
    return %c0_i32, %c0_i32_0 : i32, i32
  }
  func.func @transform_7(%arg0: i32) -> (i32, i32) {
    %c0_i32 = arith.constant 0 : i32
    %c0_i32_0 = arith.constant 0 : i32
    %c0_i32_1 = arith.constant 0 : i32
    return %c0_i32, %c0_i32_0 : i32, i32
  }
  func.func @transform_8(%arg0: i32) -> (i32, i32) {
    %c0_i32 = arith.constant 0 : i32
    %c0_i32_0 = arith.constant 0 : i32
    %c0_i32_1 = arith.constant 0 : i32
    return %c0_i32, %c0_i32_0 : i32, i32
  }
  func.func @transform_9(%arg0: i32) -> (i32, i32) {
    %c0_i32 = arith.constant 0 : i32
    %c0_i32_0 = arith.constant 0 : i32
    %c0_i32_1 = arith.constant 0 : i32
    return %c0_i32, %c0_i32_0 : i32, i32
  }
  func.func @transform_10(%arg0: i32) -> (i32, i32) {
    %c0_i32 = arith.constant 0 : i32
    %c0_i32_0 = arith.constant 0 : i32
    return %arg0, %c0_i32 : i32, i32
  }
}

module attributes {stable_mosaic.version = 14 : i64} {
  func.func @_group_body(%arg0: memref<128x128xf32, #tpu.memory_space<vmem>>, %arg1: memref<128x128xf32, #tpu.memory_space<vmem>>, %arg2: memref<128x6xf32, #tpu.memory_space<vmem>>, %arg3: memref<128x64xf32, #tpu.memory_space<vmem>>, %arg4: memref<6x64xf32, #tpu.memory_space<vmem>>, %arg5: memref<1x64xf32, #tpu.memory_space<vmem>>, %arg6: memref<64x32xf32, #tpu.memory_space<vmem>>, %arg7: memref<1x32xf32, #tpu.memory_space<vmem>>, %arg8: memref<32x16xf32, #tpu.memory_space<vmem>>, %arg9: memref<1x16xf32, #tpu.memory_space<vmem>>, %arg10: memref<16x2xf32, #tpu.memory_space<vmem>>, %arg11: memref<1x2xf32, #tpu.memory_space<vmem>>, %arg12: memref<128x2xf32, #tpu.memory_space<vmem>>) attributes {dimension_semantics = [], scalar_prefetch = 0 : i64, scratch_operands = 0 : i64, tpu.core_type = #tpu.core_type<tc>} {
    %get3A = arith.constant 0 : index
    %get3A_0 = arith.constant 0 : index
    %get3A_1 = vector.load %arg0[%get3A, %get3A_0] : memref<128x128xf32, #tpu.memory_space<vmem>>, vector<128x128xf32>
    %reduce_sum3A = arith.constant dense<0.000000e+00> : vector<128xf32>
    %reduce_sum3A_2 = vector.multi_reduction <add>, %get3A_1, %reduce_sum3A [1] : vector<128x128xf32> to vector<128xf32>
    %broadcast_in_dim3A = vector.shape_cast %reduce_sum3A_2 : vector<128xf32> to vector<128x1xf32>
    %add3A = arith.constant 1.000000e+00 : f32
    %add3A_3 = vector.broadcast %add3A : f32 to vector<128x1xf32>
    %add3A_4 = arith.addf %broadcast_in_dim3A, %add3A_3 : vector<128x1xf32>
    %rsqrt3A = math.rsqrt %add3A_4 : vector<128x1xf32>
    %mul3A = arith.mulf %rsqrt3A, %rsqrt3A : vector<128x1xf32>
    %mul3A_5 = vector.broadcast %rsqrt3A : vector<128x1xf32> to vector<128x128xf32>
    %mul3A_6 = arith.mulf %mul3A_5, %get3A_1 : vector<128x128xf32>
    %transpose3A = tpu.transpose %rsqrt3A, [1, 0] : vector<128x1xf32> -> vector<1x128xf32>
    %mul3A_7 = vector.broadcast %transpose3A : vector<1x128xf32> to vector<128x128xf32>
    %mul3A_8 = arith.mulf %mul3A_6, %mul3A_7 : vector<128x128xf32>
    %get3A_9 = arith.constant 0 : index
    %get3A_10 = arith.constant 0 : index
    %get3A_11 = vector.load %arg1[%get3A_9, %get3A_10] : memref<128x128xf32, #tpu.memory_space<vmem>>, vector<128x128xf32>
    %get3A_12 = arith.constant 0 : index
    %get3A_13 = arith.constant 0 : index
    %get3A_14 = vector.load %arg3[%get3A_12, %get3A_13] : memref<128x64xf32, #tpu.memory_space<vmem>>, vector<128x64xf32>
    %dot_general3A = arith.constant dense<0.000000e+00> : vector<128x64xf32>
    %dot_general3A_15 = tpu.matmul %get3A_11, %get3A_14, %dot_general3A {dimension_numbers = #tpu.dot_dimension_numbers<[1], [0], [0], [1], [0, 0, 1, 1], [], []>, transpose_lhs_hint = false} : vector<128x128xf32>, vector<128x64xf32>, vector<128x64xf32> -> vector<128x64xf32>
    %get3A_16 = arith.constant 0 : index
    %get3A_17 = arith.constant 0 : index
    %get3A_18 = vector.load %arg2[%get3A_16, %get3A_17] : memref<128x6xf32, #tpu.memory_space<vmem>>, vector<128x6xf32>
    %get3A_19 = arith.constant 0 : index
    %get3A_20 = arith.constant 0 : index
    %get3A_21 = vector.load %arg4[%get3A_19, %get3A_20] : memref<6x64xf32, #tpu.memory_space<vmem>>, vector<6x64xf32>
    %dot_general3A_22 = arith.constant dense<0.000000e+00> : vector<128x64xf32>
    %dot_general3A_23 = tpu.matmul %get3A_18, %get3A_21, %dot_general3A_22 {dimension_numbers = #tpu.dot_dimension_numbers<[1], [0], [0], [1], [0, 0, 1, 1], [], []>, transpose_lhs_hint = false} : vector<128x6xf32>, vector<6x64xf32>, vector<128x64xf32> -> vector<128x64xf32>
    %add3A_24 = arith.addf %dot_general3A_15, %dot_general3A_23 : vector<128x64xf32>
    %dot_general3A_25 = arith.constant dense<0.000000e+00> : vector<128x64xf32>
    %dot_general3A_26 = tpu.matmul %mul3A_8, %add3A_24, %dot_general3A_25 {dimension_numbers = #tpu.dot_dimension_numbers<[1], [0], [0], [1], [0, 0, 1, 1], [], []>, transpose_lhs_hint = false} : vector<128x128xf32>, vector<128x64xf32>, vector<128x64xf32> -> vector<128x64xf32>
    %mul3A_27 = vector.broadcast %mul3A : vector<128x1xf32> to vector<128x64xf32>
    %mul3A_28 = arith.mulf %mul3A_27, %add3A_24 : vector<128x64xf32>
    %add3A_29 = arith.addf %dot_general3A_26, %mul3A_28 : vector<128x64xf32>
    %get3A_30 = arith.constant 0 : index
    %get3A_31 = arith.constant 0 : index
    %get3A_32 = vector.load %arg5[%get3A_30, %get3A_31] : memref<1x64xf32, #tpu.memory_space<vmem>>, vector<1x64xf32>
    %add3A_33 = vector.broadcast %get3A_32 : vector<1x64xf32> to vector<128x64xf32>
    %add3A_34 = arith.addf %add3A_29, %add3A_33 : vector<128x64xf32>
    %max3A = arith.constant 0.000000e+00 : f32
    %max3A_35 = vector.broadcast %max3A : f32 to vector<128x64xf32>
    %max3A_36 = arith.maximumf %add3A_34, %max3A_35 : vector<128x64xf32>
    %get3A_37 = arith.constant 0 : index
    %get3A_38 = arith.constant 0 : index
    %get3A_39 = vector.load %arg6[%get3A_37, %get3A_38] : memref<64x32xf32, #tpu.memory_space<vmem>>, vector<64x32xf32>
    %dot_general3A_40 = arith.constant dense<0.000000e+00> : vector<128x32xf32>
    %dot_general3A_41 = tpu.matmul %max3A_36, %get3A_39, %dot_general3A_40 {dimension_numbers = #tpu.dot_dimension_numbers<[1], [0], [0], [1], [0, 0, 1, 1], [], []>, transpose_lhs_hint = false} : vector<128x64xf32>, vector<64x32xf32>, vector<128x32xf32> -> vector<128x32xf32>
    %dot_general3A_42 = arith.constant dense<0.000000e+00> : vector<128x32xf32>
    %dot_general3A_43 = tpu.matmul %mul3A_8, %dot_general3A_41, %dot_general3A_42 {dimension_numbers = #tpu.dot_dimension_numbers<[1], [0], [0], [1], [0, 0, 1, 1], [], []>, transpose_lhs_hint = false} : vector<128x128xf32>, vector<128x32xf32>, vector<128x32xf32> -> vector<128x32xf32>
    %mul3A_44 = vector.broadcast %mul3A : vector<128x1xf32> to vector<128x32xf32>
    %mul3A_45 = arith.mulf %mul3A_44, %dot_general3A_41 : vector<128x32xf32>
    %add3A_46 = arith.addf %dot_general3A_43, %mul3A_45 : vector<128x32xf32>
    %get3A_47 = arith.constant 0 : index
    %get3A_48 = arith.constant 0 : index
    %get3A_49 = vector.load %arg7[%get3A_47, %get3A_48] : memref<1x32xf32, #tpu.memory_space<vmem>>, vector<1x32xf32>
    %add3A_50 = vector.broadcast %get3A_49 : vector<1x32xf32> to vector<128x32xf32>
    %add3A_51 = arith.addf %add3A_46, %add3A_50 : vector<128x32xf32>
    %max3A_52 = arith.constant 0.000000e+00 : f32
    %max3A_53 = vector.broadcast %max3A_52 : f32 to vector<128x32xf32>
    %max3A_54 = arith.maximumf %add3A_51, %max3A_53 : vector<128x32xf32>
    %get3A_55 = arith.constant 0 : index
    %get3A_56 = arith.constant 0 : index
    %get3A_57 = vector.load %arg8[%get3A_55, %get3A_56] : memref<32x16xf32, #tpu.memory_space<vmem>>, vector<32x16xf32>
    %dot_general3A_58 = arith.constant dense<0.000000e+00> : vector<128x16xf32>
    %dot_general3A_59 = tpu.matmul %max3A_54, %get3A_57, %dot_general3A_58 {dimension_numbers = #tpu.dot_dimension_numbers<[1], [0], [0], [1], [0, 0, 1, 1], [], []>, transpose_lhs_hint = false} : vector<128x32xf32>, vector<32x16xf32>, vector<128x16xf32> -> vector<128x16xf32>
    %dot_general3A_60 = arith.constant dense<0.000000e+00> : vector<128x16xf32>
    %dot_general3A_61 = tpu.matmul %mul3A_8, %dot_general3A_59, %dot_general3A_60 {dimension_numbers = #tpu.dot_dimension_numbers<[1], [0], [0], [1], [0, 0, 1, 1], [], []>, transpose_lhs_hint = false} : vector<128x128xf32>, vector<128x16xf32>, vector<128x16xf32> -> vector<128x16xf32>
    %mul3A_62 = vector.broadcast %mul3A : vector<128x1xf32> to vector<128x16xf32>
    %mul3A_63 = arith.mulf %mul3A_62, %dot_general3A_59 : vector<128x16xf32>
    %add3A_64 = arith.addf %dot_general3A_61, %mul3A_63 : vector<128x16xf32>
    %get3A_65 = arith.constant 0 : index
    %get3A_66 = arith.constant 0 : index
    %get3A_67 = vector.load %arg9[%get3A_65, %get3A_66] : memref<1x16xf32, #tpu.memory_space<vmem>>, vector<1x16xf32>
    %add3A_68 = vector.broadcast %get3A_67 : vector<1x16xf32> to vector<128x16xf32>
    %add3A_69 = arith.addf %add3A_64, %add3A_68 : vector<128x16xf32>
    %max3A_70 = arith.constant 0.000000e+00 : f32
    %max3A_71 = vector.broadcast %max3A_70 : f32 to vector<128x16xf32>
    %max3A_72 = arith.maximumf %add3A_69, %max3A_71 : vector<128x16xf32>
    %get3A_73 = arith.constant 0 : index
    %get3A_74 = arith.constant 0 : index
    %get3A_75 = vector.load %arg10[%get3A_73, %get3A_74] : memref<16x2xf32, #tpu.memory_space<vmem>>, vector<16x2xf32>
    %dot_general3A_76 = arith.constant dense<0.000000e+00> : vector<128x2xf32>
    %dot_general3A_77 = tpu.matmul %max3A_72, %get3A_75, %dot_general3A_76 {dimension_numbers = #tpu.dot_dimension_numbers<[1], [0], [0], [1], [0, 0, 1, 1], [], []>, transpose_lhs_hint = false} : vector<128x16xf32>, vector<16x2xf32>, vector<128x2xf32> -> vector<128x2xf32>
    %dot_general3A_78 = arith.constant dense<0.000000e+00> : vector<128x2xf32>
    %dot_general3A_79 = tpu.matmul %mul3A_8, %dot_general3A_77, %dot_general3A_78 {dimension_numbers = #tpu.dot_dimension_numbers<[1], [0], [0], [1], [0, 0, 1, 1], [], []>, transpose_lhs_hint = false} : vector<128x128xf32>, vector<128x2xf32>, vector<128x2xf32> -> vector<128x2xf32>
    %mul3A_80 = vector.broadcast %mul3A : vector<128x1xf32> to vector<128x2xf32>
    %mul3A_81 = arith.mulf %mul3A_80, %dot_general3A_77 : vector<128x2xf32>
    %add3A_82 = arith.addf %dot_general3A_79, %mul3A_81 : vector<128x2xf32>
    %get3A_83 = arith.constant 0 : index
    %get3A_84 = arith.constant 0 : index
    %get3A_85 = vector.load %arg11[%get3A_83, %get3A_84] : memref<1x2xf32, #tpu.memory_space<vmem>>, vector<1x2xf32>
    %add3A_86 = vector.broadcast %get3A_85 : vector<1x2xf32> to vector<128x2xf32>
    %add3A_87 = arith.addf %add3A_82, %add3A_86 : vector<128x2xf32>
    %reduce_max3A = arith.constant dense<0xFF800000> : vector<128xf32>
    %reduce_max3A_88 = vector.multi_reduction <maximumf>, %add3A_87, %reduce_max3A [1] : vector<128x2xf32> to vector<128xf32>
    %broadcast_in_dim3A_89 = vector.shape_cast %reduce_max3A_88 : vector<128xf32> to vector<128x1xf32>
    %sub3A = vector.broadcast %broadcast_in_dim3A_89 : vector<128x1xf32> to vector<128x2xf32>
    %sub3A_90 = arith.subf %add3A_87, %sub3A : vector<128x2xf32>
    %exp3A = math.exp %sub3A_90 : vector<128x2xf32>
    %reduce_sum3A_91 = arith.constant dense<0.000000e+00> : vector<128xf32>
    %reduce_sum3A_92 = vector.multi_reduction <add>, %exp3A, %reduce_sum3A_91 [1] : vector<128x2xf32> to vector<128xf32>
    %broadcast_in_dim3A_93 = vector.shape_cast %reduce_sum3A_92 : vector<128xf32> to vector<128x1xf32>
    %log3A = math.log %broadcast_in_dim3A_93 : vector<128x1xf32>
    %sub3A_94 = vector.broadcast %log3A : vector<128x1xf32> to vector<128x2xf32>
    %sub3A_95 = arith.subf %sub3A_90, %sub3A_94 : vector<128x2xf32>
    %swap3A = arith.constant 0 : index
    %swap3A_96 = arith.constant 0 : index
    %swap3A_97 = vector.load %arg12[%swap3A, %swap3A_96] : memref<128x2xf32, #tpu.memory_space<vmem>>, vector<128x2xf32>
    tpu.vector_store %arg12[%swap3A, %swap3A_96], %sub3A_95 {strides = array<i32>} : memref<128x2xf32, #tpu.memory_space<vmem>>, vector<128x2xf32>,
    return
  }
}

</mosaic_0001>

<sc_bundles>
// kernel: kernel.5.cloned.1.call-start
scs
__scs_entry_jumppad:
0x0: {  	(pc) =	sbr.rel $0x88, $3  }
0x1: {  	(tag) =	ssettag $0x0;
	lr =	simm.s32 $0x1  }
0x2: {  	[smem:$0x3F8D] =	sst lr;
	_ =	strace $0xD0000000  }
0x3: {  	_ = 	snop  }
0x4: {  	_ = 	snop  }
0x5: {  	_ = 	snop  }
0x6: {  	_ = 	snop  }
0x7: {  	_ = 	snop  }
__scs_overlays_trampoline_lowered:
0x8: {  	[smem:$0x3F9C] =	sst s0  }
0x9: {  	[smem:$0x3F9D] =	sst s1  }
0xa: {  	[smem:$0x3F9E] =	sst s2  }
0xb: {  	[smem:$0x3F9F] =	sst s3  }
0xc: {  	[smem:$0x3FA0] =	sst s4  }
0xd: {  	[smem:$0x3FA1] =	sst s5  }
0xe: {  	[smem:$0x3FA2] =	sst s6  }
0xf: {  	[smem:$0x3FA3] =	sst s7  }
0x10: {  	[smem:$0x3FA4] =	sst s8  }
0x11: {  	[smem:$0x3FA5] =	sst s9;
	s0 =	simm.s32 @!p0 $0x0  }
0x12: {  	s1 =	sld [smem:$0x3F8B];
	s0 =	simm.s32 @p0 $0x1  }
0x13: {  	[smem:$0x3FA6] =	sst s0;
	s0 =	simm.s32 @!p1 $0x0  }
0x14: {  	s2 =	sld [smem:$0x3F8A];
	s0 =	simm.s32 @p1 $0x1  }
0x15: {  	[smem:$0x3FA7] =	sst s0;
	s0 =	simm.s32 @!p2 $0x0  }
0x16: {  	s3 =	sld [smem:$0x3FDB];
	s0 =	simm.s32 @p2 $0x1  }
0x17: {  	s4 =	simm.s32 $0x1BF5;
	[smem:$0x3FA9] =	sst s0  }
0x18: {  	s0 =	sld [smem:$0x3F8C];
	_ =	swait.ge [sflag:s4], $0x0  }
0x19: {  	s7 =	sld [smem:$0x3F8D]  }
0x1a: {  	s8 =	sadd.s32 $0xFFFFE003, lr  }
0x1b: {  	s9 =	sadd.s32 $0xFFFFFEF7, lr;
	s5 =	simm.s32 $0xFFFFFFFF;
	p2 =	slt.u32 s8, $0xFFFFF086  }
0x1c: {  	p1 =	slt.u32 s9, $0xF7A;
	s5 =	simm.s32 @!p2 $0x0  }
0x1d: {  	s5 =	simm.s32 @p1 $0x1;
	p0 =	seq.s32 s7, s2  }
0x1e: {  	s7 =	smul.u32 @!p0 $0xF7A, s2;
	p2 =	seq.s32 @!p0 s5, $0x0  }
0x1f: {  	s9 =	smul.u32 $0xF7A, s1;
	s8 =	simm.s32 @!p0 $0x1BF5;
	p2 =	por !p2, p0  }
0x20: {  	[sflag:s8] =	ssyncset.s32 @!p0 $0xFFFFF086;
	s6 =	sadd.s32 @!p0 s3, s7;
	s7 =	simm.s32 @!p0 $0x108  }
0x21: {  	s3 =	sadd.s32 s3, s9;
	s6 =	sadd.s32 @!p0 $0x88, s6;
	s7 =	simm.s32 @p2 $0x1082  }
0x22: {  	[simem:s7], [sflag:s8] =	dma.local @!p0 [hbm:s6], $0xF7A  }
0x23: {  	s9 =	sor.u32 $0xD0000000, s2;
	s6 =	simm.s32 $0x108;
	_ =	swait.ge @!p0 [sflag:s8], $0x0  }
0x24: {  	s3 =	sadd.s32 $0x88, s3;
	s6 =	simm.s32 @!p1 $0x1082;
	[sflag:s4] =	ssyncset.s32 $0xFFFFF086  }
0x25: {  	[simem:s6], [sflag:s4] =	dma.local [hbm:s3], $0xF7A  }
0x26: {  	[smem:$0x3F8D] =	sst s1;
	(tag) =	ssettag s2;
	_ =	strace s9  }
0x27: {  	s1 =	sld [smem:$0x3F9D]  }
0x28: {  	s2 =	sld [smem:$0x3F9E]  }
0x29: {  	s4 =	sld [smem:$0x3FA0]  }
0x2a: {  	p0 =	seq.s32 s5, $0x0;
	s5 =	sld [smem:$0x3FA1]  }
0x2b: {  	s6 =	sld [smem:$0x3FA2]  }
0x2c: {  	s7 =	sld [smem:$0x3FA3]  }
0x2d: {  	s3 =	simm.s32 $0x108;
	s8 =	sld [smem:$0x3FA4]  }
0x2e: {  	s3 =	simm.s32 @!p0 $0x1082;
	s9 =	sld [smem:$0x3FA5]  }
0x2f: {  	lr =	sadd.s32 s0, s3;
	s0 =	sld [smem:$0x3F9C]  }
0x30: {  	s3 =	sld [smem:$0x3F9F]  }
0x31: {  	[smem:$0x3FA8] =	sst s10  }
0x32: {  	s10 =	sld [smem:$0x3FA6];
	_ =	sdelay $0x3  }
0x33: {  	p0 =	seq.s32 s10, $0x1;
	s10 =	sld [smem:$0x3FA8];
	_ =	sdelay $0x3  }
0x34: {  	[smem:$0x3FA8] =	sst s10  }
0x35: {  	s10 =	sld [smem:$0x3FA7];
	_ =	sdelay $0x3  }
0x36: {  	p1 =	seq.s32 s10, $0x1;
	s10 =	sld [smem:$0x3FA8];
	_ =	sdelay $0x3  }
0x37: {  	[smem:$0x3FA8] =	sst s10  }
0x38: {  	s10 =	sld [smem:$0x3FA9]  }
0x39: {  	_ = 	snop;
	(pc) =	sbr.ind lr, $3  }
0x3a: {  	_ = 	snop  }
0x3b: {  	_ = 	snop  }
0x3c: {  	p2 =	seq.s32 s10, $0x1;
	s10 =	sld [smem:$0x3FA8]  }
0x3d: {  	_ =	shalt  }
0x3e: {  	_ =	shalt  }
0x3f: {  	_ =	shalt  }
0x40: {  	_ =	shalt  }
0x41: {  	_ =	shalt  }
0x42: {  	_ =	shalt  }
0x43: {  	_ =	shalt  }
0x44: {  	_ =	shalt  }
0x45: {  	_ =	shalt  }
0x46: {  	_ =	shalt  }
0x47: {  	_ =	shalt  }
0x48: {  	_ =	shalt  }
0x49: {  	_ =	shalt  }
0x4a: {  	_ =	shalt  }
0x4b: {  	_ =	shalt  }
0x4c: {  	_ =	shalt  }
0x4d: {  	_ =	shalt  }
0x4e: {  	_ =	shalt  }
0x4f: {  	_ =	shalt  }
0x50: {  	_ =	shalt  }
0x51: {  	_ =	shalt  }
0x52: {  	_ =	shalt  }
0x53: {  	_ =	shalt  }
0x54: {  	_ =	shalt  }
0x55: {  	_ =	shalt  }
0x56: {  	_ =	shalt  }
0x57: {  	_ =	shalt  }
0x58: {  	_ =	shalt  }
0x59: {  	_ =	shalt  }
0x5a: {  	_ =	shalt  }
0x5b: {  	_ =	shalt  }
0x5c: {  	_ =	shalt  }
0x5d: {  	_ =	shalt  }
0x5e: {  	_ =	shalt  }
0x5f: {  	_ =	shalt  }
0x60: {  	_ =	shalt  }
0x61: {  	_ =	shalt  }
0x62: {  	_ =	shalt  }
0x63: {  	_ =	shalt  }
0x64: {  	_ =	shalt  }
0x65: {  	_ =	shalt  }
0x66: {  	_ =	shalt  }
0x67: {  	_ =	shalt  }
0x68: {  	_ =	shalt  }
0x69: {  	_ =	shalt  }
0x6a: {  	_ =	shalt  }
0x6b: {  	_ =	shalt  }
0x6c: {  	_ =	shalt  }
0x6d: {  	_ =	shalt  }
0x6e: {  	_ =	shalt  }
0x6f: {  	_ =	shalt  }
0x70: {  	_ =	shalt  }
0x71: {  	_ =	shalt  }
0x72: {  	_ =	shalt  }
0x73: {  	_ =	shalt  }
0x74: {  	_ =	shalt  }
0x75: {  	_ =	shalt  }
0x76: {  	_ =	shalt  }
0x77: {  	_ =	shalt  }
0x78: {  	_ =	shalt  }
0x79: {  	_ =	shalt  }
0x7a: {  	_ =	shalt  }
0x7b: {  	_ =	shalt  }
0x7c: {  	_ =	shalt  }
0x7d: {  	_ =	shalt  }
0x7e: {  	_ =	shalt  }
0x7f: {  	_ =	shalt  }
0x80: {  	_ =	shalt  }
0x81: {  	_ =	shalt  }
0x82: {  	_ =	shalt  }
0x83: {  	_ =	shalt  }
0x84: {  	_ =	shalt  }
0x85: {  	_ =	shalt  }
0x86: {  	_ =	shalt  }
0x87: {  	_ =	shalt  }
.Lfunc_end0:
.L_simem_size_0:
called_computation_lowered:
.L_overlay_start_0:
0x88: {  	s2 =	sld [smem:$0x3FD9]  }
0x89: {  	s3 =	sld [smem:$0x3FFE];
	_ =	sdelay $0x1  }
0x8a: {  	s1 =	srdreg.scid  }
0x8b: {  	s0 =	sand.u32 $0x1, s1  }
0x8c: {  	s16 =	sshll.u32 s0, $0xA;
	s2 =	sadd.s32 s3, s2  }
0x8d: {  	s2 =	sadd.s32 s2, s16  }
0x8e: {  	[smem:$0x3FB4] =	sst s2  }
0x8f: {  	_ = 	snop  }
0x90: {  	(tm) =	ssettm $0x1  }
0x91: {  	s17 =	sld [smem:$0x3FFB];
	_ =	sdelay $0x3  }
0x92: {  	_ =	strace s17  }
0x93: {  	s2 =	sld [smem:$0x3FFC];
	_ =	sdelay $0x3  }
0x94: {  	_ =	strace s2  }
0x95: {  	s2 =	sld [smem:$0x3FFD];
	_ =	sdelay $0x3  }
0x96: {  	_ =	strace s2  }
0x97: {  	_ =	strace $0x8FFFFFFF  }
0x98: {  	s18 =	sld [smem:$0x3FDB];
	_ =	sdelay $0x1  }
0x99: {  	s19 =	simm.s32 $_scs_section_size  }
0x9a: {  	s4 =	simm.s32 $_size__tile_overlayer_lowered;
	s5 =	simm.s32 $_tile_overlayer_lowered  }
0x9b: {  	s22 =	simm.s32 $0x1BFF;
	s21 =	sshll.u32 s5, $0x1;
	s2 =	sadd.s32 s19, s18  }
0x9c: {  	s6 =	simm.s32 $0x0;
	s20 =	sshll.u32 s4, $0x1;
	s4 =	sadd.s32 s21, s2  }
0x9d: {  	[timem:s6], [sflag:s22] =	dma.local [hbm:s4], s20  }
0x9e: {  	_ =	swait.ge [sflag:s22], s20  }
0x9f: {  	s3 =	ssub.s32 $0x0, s20;
	[sflag:s22] =	ssyncset.done $0x0  }
0xa0: {  	[sflag:s22] =	ssyncadd.s32 s3;
	_ =	sdelay $0x1  }
0xa1: {  	s23 =	simm.s32 $0x1B8B  }
0xa2: {  	_ =	swait.ge [sflag:s23], $0x1  }
0xa3: {  	[sflag:s23] =	ssyncset.done $0x0  }
0xa4: {  	s25 =	simm.s32 $0x1B8E;
	s24 =	sld [smem:$0x3FFE];
	[sflag:s23] =	ssyncadd.s32 $0xFFFFFFFF  }
0xa5: {  	s26 =	simm.s32 $execute0_lowered;
	[smem:$0x3FD2] =	sst s25  }
0xa6: {  	s4 =	sshll.u32 s26, $0x1;
	_ =	strace $0x80000046;
	[dreg:$0x1] =	wrdreg $0xFFFFFFFF  }
0xa7: {  	s28 =	simm.s32 $_size_execute0_lowered;
	s2 =	sadd.s32 s2, s4;
	[dreg:$0x0] =	wrdreg $0x0  }
0xa8: {  	s4 =	sshll.u32 s28, $0x1;
	[dreg:$0x2] =	wrdreg s2  }
0xa9: {  	[dreg:$0x3] =	wrdreg s4  }
0xaa: {  	[dreg:$0x4] =	wrdreg $0xC0  }
0xab: {  	_ =	task [dreg:s6], $0x5FFFF  }
0xac: {  	[dreg:$0x1] =	wrdreg $0xFFFFFFFF  }
0xad: {  	[dreg:$0x0] =	wrdreg $0x60  }
0xae: {  	[dreg:$0x2] =	wrdreg s24  }
0xaf: {  	[dreg:$0x3] =	wrdreg $0x9  }
0xb0: {  	_ =	task.clear_ibuf [dreg:s6], $0x4FFFF;
	_ =	strace $0x90000046  }
0xb1: {  	s29 =	simm.s32 $0x9;
	_ =	strace $0x80000048  }
0xb2: {  	_ =	swait.ge [sflag:s29], $0x1  }
0xb3: {  	[sflag:s29] =	ssyncadd.s32 $0xFFFFFFFF  }
0xb4: {  	_ =	strace $0x90000048  }
0xb5: {  	_ =	sfence  }
0xb6: {  	s30 =	sld [smem:$0x0];
	_ =	sdelay $0x2  }
0xb7: {  	s31 =	sshll.u32 s1, $0xD;
	s1 =	sshrl.u32 s1, $0x2  }
0xb8: {  	s3 =	sand.u32 $0x4000, s31;
	s1 =	sadd.s32 s1, s30  }
0xb9: {  	s0 =	sor.u32 s3, s0;
	s1 =	sshll.u32 s1, $0x11  }
0xba: {  	s0 =	sor.u32 s1, s0  }
0xbb: {  	s0 =	sadd.s32 $0x8F2B, s0  }
0xbc: {  	[sflag:s0] =	ssyncadd.remote.s32 $0x1  }
0xbd: {  	_ =	sfence.sel $0xFFFF  }
0xbe: {  	[dreg:$0x0] =	wrdreg $0xFFFFFFFF;
	(pc) =	sbr.abs _section_cstart, $3  }
0xbf: {  	[dreg:$0x1] =	wrdreg $0xFFFFFFFF  }
0xc0: {  	_ =	task.clear_ibuf [dreg:s6], $0x2FFFF;
	_ =	strace $0x9FFFFFFF  }
0xc1: {  	(tm) =	ssettm $0x7FFFFFFF  }
tec
execute0_lowered:
.L_overlay_start_1:
0x0: {  	(tag) =	ssettag $0x1  }
0x1: {  	s4 =	rddreg [dreg:$0x0];
	s1 =	simm.s32 $0x0  }
0x2: {  	s5 =	srdreg.scid;
	s0 =	stileid.u32;
	s18 =	simm.s32 $0x1400  }
0x3: {  	s19 =	simm.s32 $0xAC00;
	s20 =	simm.s32 $0xC000;
	s21 =	simm.s32 $0x1  }
0x4: {  	s22 =	simm.s32 $0x8000;
	s23 =	simm.s32 $0x4000;
	[smem:$0x7FF] =	sst s1  }
0x5: {  	s12 =	sadd.s32 $0x3800, s4;
	s2 =	sadd.s32 $0x3400, s4;
	s3 =	sadd.s32 $0x3000, s4  }
0x6: {  	s13 =	sadd.s32 $0x7800, s4;
	s6 =	sand.u32 $0x1, s5;
	s5 =	sadd.s32 $0x47800, s4  }
0x7: {  	s8 =	sshll.u32 s0, $0x1;
	p1 =	seq.s32 s0, $0x0;
	_ =	strace $0x80000047  }
0x8: {  	s7 =	ssub.s32 $0x2, s6;
	p0 =	seq.s32 s6, $0x1;
	s10 =	sor.u32 s6, s8  }
0x9: {  	s9 =	sshrl.u32 s7, $0x1;
	p0 =	por !p1, !p0;
	s24 =	sshll.u32 s10, $0x2  }
0xa: {  	s6 =	sshll.u32 s10, $0x9;
	s25 =	sshll.u32 s10, $0xD;
	s16 =	sshllo.u32 s10, $0x2  }
0xb: {  	s14 =	ssub.s32 s7, s9;
	p0 =	por !p0, !p0;
	s11 =	sor.u32 $0x1, s24  }
0xc: {  	s6 =	sadd.s32 s12, s6;
	s7 =	sadd.s32 s13, s25;
	s15 =	sor.u32 $0x2, s24  }
0xd: {  	s30 =	sshll.u32 s16, $0x7;
	s31 =	sshll.u32 s16, $0xB;
	s24 =	simm.s32 $0x0  }
0xe: {  	v0 =	vlaneseq.u32;
	s26 =	sshll.u32 s11, $0x7;
	s11 =	sshll.u32 s11, $0xB;
	s28 =	sshll.u32 s15, $0x7  }
0xf: {  	v4 =	vmul.u32 $0xFFFFFFFF, v0;
	s29 =	sshll.u32 s15, $0xB;
	s14 =	smax.u32 s14, $0x1;
	s15 =	simm.s32 $0x2  }
0x10: {  	v1 =	vimm.f32 $1.000000000e+00;
	v2 =	vimm.s32 $0x0;
	s8 =	sadd.s32 s12, s26;
	s9 =	sadd.s32 s13, s11;
	s10 =	sadd.s32 s12, s28  }
0x11: {  	v3 =	vimm.s32 $0x1;
	v0 =	vimm.f32 $0.0e+00;
	v4 =	vadd.s32 $0x1F4, v4;
	s11 =	sadd.s32 s13, s29;
	s12 =	sadd.s32 s12, s30;
	s13 =	sadd.s32 s13, s31  }
.LBB2_1:
.Ltmp0:
0x12: {  	(pc) =	sbr.rel @!p0 .LBB2_9-.Ltmp0, $2  }
0x13: {  	_ =	sdelay $0x2  }
0x14: {  	s25 =	simm.s32 $0xFFFFFFF8;
	s26 =	simm.s32 $0x40  }
0x15: {  	[tilespmem:s26+$0xFFFFFFC0] =	vst v0  }
0x16: {  	[tilespmem:s26+$0x30] =	vst v0  }
0x17: {  	[tilespmem:s26+$0x20] =	vst v0  }
0x18: {  	[tilespmem:s26+$0x10] =	vst v0  }
0x19: {  	[tilespmem:s26+$0x0] =	vst v0  }
0x1a: {  	[tilespmem:s26+$0xFFFFFFF0] =	vst v0  }
0x1b: {  	s28 =	sadd.s32 $0x8, s25;
	[tilespmem:s26+$0xFFFFFFE0] =	vst v0  }
.LBB2_3:
0x1c: {  	s28 =	sadd.s32 $0x8, s28;
	[tilespmem:s26+$0xFFFFFFD0] =	vst v0;
	s26 =	sadd.s32 $0x80, s26;
	s25 =	simm.s32 $0xC040  }
0x1d: {  	[tilespmem:s26+$0xFFFFFFC0] =	vst v0;
	p1 =	slt.u32 s28, $0x3F8  }
0x1e: {  	[tilespmem:s26+$0x30] =	vst v0  }
.Ltmp1:
0x1f: {  	[tilespmem:s26+$0x20] =	vst v0;
	(pc) =	sbr.rel @p1 .LBB2_3-.Ltmp1, $4  }
0x20: {  	[tilespmem:s26+$0x10] =	vst v0  }
0x21: {  	[tilespmem:s26+$0x0] =	vst v0  }
0x22: {  	[tilespmem:s26+$0xFFFFFFF0] =	vst v0  }
0x23: {  	[tilespmem:s26+$0xFFFFFFE0] =	vst v0  }
0x24: {  	[tilespmem:s26+$0xFFFFFFD0] =	vst v0  }
0x25: {  	[tilespmem:s25+$0xFFFFFFC0] =	vst v1  }
0x26: {  	[tilespmem:s25+$0x30] =	vst v1  }
0x27: {  	[tilespmem:s25+$0x20] =	vst v1  }
0x28: {  	[tilespmem:s25+$0x10] =	vst v1  }
0x29: {  	[tilespmem:s25+$0x0] =	vst v1  }
0x2a: {  	[tilespmem:s25+$0xFFFFFFF0] =	vst v1  }
0x2b: {  	s26 =	simm.s32 $0x0;
	[tilespmem:s25+$0xFFFFFFE0] =	vst v1  }
.LBB2_5:
0x2c: {  	s26 =	sadd.s32 $0x8, s26;
	[tilespmem:s25+$0xFFFFFFD0] =	vst v1;
	s25 =	sadd.s32 $0x80, s25  }
0x2d: {  	[tilespmem:s25+$0xFFFFFFC0] =	vst v1;
	p1 =	slt.u32 s26, $0x138  }
0x2e: {  	[tilespmem:s25+$0x30] =	vst v1  }
.Ltmp2:
0x2f: {  	[tilespmem:s25+$0x20] =	vst v1;
	(pc) =	sbr.rel @p1 .LBB2_5-.Ltmp2, $4  }
0x30: {  	[tilespmem:s25+$0x10] =	vst v1  }
0x31: {  	[tilespmem:s25+$0x0] =	vst v1  }
0x32: {  	[tilespmem:s25+$0xFFFFFFF0] =	vst v1  }
0x33: {  	[tilespmem:s25+$0xFFFFFFE0] =	vst v1  }
0x34: {  	[tilespmem:s25+$0xFFFFFFD0] =	vst v1  }
0x35: {  	[hbm4b:s5+s1] =	stream.linear.scatter [tilespmem:s1], [sflag:$0x2], $0x4000, $0x38;
	[tilespmem:$0xD400] =	vst v63  }
0x36: {  	_ =	swait.ge [sflag:s15], $0x4000  }
0x37: {  	[sflag:s15] =	ssyncset.done $0x0  }
0x38: {  	s0 =	simm.s32 $0x8400;
	[sflag:s15] =	ssyncadd.s32 $0xFFFFC000  }
0x39: {  	[tilespmem:s0], [sflag:$0x2] =	stream.linear.gather [hbm4b:s2+s1], $0x1400, $0x38;
	[tilespmem:$0xD400] =	vst v63  }
0x3a: {  	_ =	swait.ge [sflag:s15], $0x1400  }
0x3b: {  	[sflag:s15] =	ssyncset.done $0x0  }
0x3c: {  	s31 =	simm.s32 $0x9800;
	[sflag:s15] =	ssyncadd.s32 $0xFFFFEC00  }
0x3d: {  	[tilespmem:s31], [sflag:$0x2] =	stream.linear.gather [hbm4b:s3+s1], $0x1400, $0x38;
	[tilespmem:$0xD400] =	vst v63  }
0x3e: {  	_ =	swait.ge [sflag:s15], $0x1400  }
0x3f: {  	[sflag:s15] =	ssyncset.done $0x0  }
0x40: {  	s28 =	simm.s32 $0x9820;
	[sflag:s15] =	ssyncadd.s32 $0xFFFFEC00  }
0x41: {  	s25 =	simm.s32 $0x8420;
	v5 =	vld [tilespmem:s28+$0xFFFFFFE0]  }
0x42: {  	v6 =	vld [tilespmem:s25+$0xFFFFFFE0];
	_ =	sdelay $0x3  }
0x43: {  	v5 =	vshll.u32 v5, $0x7  }
0x44: {  	s26 =	simm.s32 $0xAC20;
	v5 =	vadd.s32 v6, v5  }
0x45: {  	[tilespmem:s26+$0xFFFFFFE0] =	vst v5  }
0x46: {  	v5 =	vld [tilespmem:s28+$0xFFFFFFF0]  }
0x47: {  	v6 =	vld [tilespmem:s25+$0xFFFFFFF0];
	_ =	sdelay $0x3  }
0x48: {  	v5 =	vshll.u32 v5, $0x7  }
0x49: {  	v5 =	vadd.s32 v6, v5  }
0x4a: {  	[tilespmem:s26+$0xFFFFFFF0] =	vst v5  }
0x4b: {  	v5 =	vld [tilespmem:s28+$0x0]  }
0x4c: {  	v6 =	vld [tilespmem:s25+$0x0];
	_ =	sdelay $0x3  }
0x4d: {  	v5 =	vshll.u32 v5, $0x7  }
0x4e: {  	v5 =	vadd.s32 v6, v5  }
0x4f: {  	[tilespmem:s26+$0x0] =	vst v5  }
0x50: {  	v5 =	vld [tilespmem:s28+$0x10]  }
0x51: {  	v6 =	vld [tilespmem:s25+$0x10];
	_ =	sdelay $0x3  }
0x52: {  	v5 =	vshll.u32 v5, $0x7  }
0x53: {  	v5 =	vadd.s32 v6, v5  }
0x54: {  	s29 =	simm.s32 $0x9860;
	s28 =	simm.s32 $0x0;
	[tilespmem:s26+$0x10] =	vst v5  }
.LBB2_7:
0x55: {  	v5 =	vld [tilespmem:s29+$0xFFFFFFE0];
	s28 =	sadd.s32 $0x4, s28;
	s25 =	sadd.s32 $0x40, s25  }
0x56: {  	v6 =	vld [tilespmem:s25+$0xFFFFFFE0];
	p1 =	slt.u32 s28, $0x13C;
	_ =	sdelay $0x3  }
0x57: {  	v5 =	vshll.u32 v5, $0x7  }
0x58: {  	s26 =	sadd.s32 $0x40, s26;
	v5 =	vadd.s32 v6, v5  }
0x59: {  	[tilespmem:s26+$0xFFFFFFE0] =	vst v5  }
0x5a: {  	v5 =	vld [tilespmem:s29+$0xFFFFFFF0]  }
0x5b: {  	v6 =	vld [tilespmem:s25+$0xFFFFFFF0];
	_ =	sdelay $0x3  }
0x5c: {  	v5 =	vshll.u32 v5, $0x7  }
0x5d: {  	v5 =	vadd.s32 v6, v5  }
0x5e: {  	[tilespmem:s26+$0xFFFFFFF0] =	vst v5  }
0x5f: {  	v5 =	vld [tilespmem:s29+$0x0]  }
0x60: {  	v6 =	vld [tilespmem:s25+$0x0];
	_ =	sdelay $0x3  }
0x61: {  	v5 =	vshll.u32 v5, $0x7  }
0x62: {  	v5 =	vadd.s32 v6, v5  }
0x63: {  	[tilespmem:s26+$0x0] =	vst v5  }
0x64: {  	v5 =	vld [tilespmem:s29+$0x10]  }
0x65: {  	v6 =	vld [tilespmem:s25+$0x10];
	_ =	sdelay $0x1  }
.Ltmp3:
0x66: {  	(pc) =	sbr.rel @p1 .LBB2_7-.Ltmp3, $4  }
0x67: {  	_ = 	snop  }
0x68: {  	v5 =	vshll.u32 v5, $0x7  }
0x69: {  	v5 =	vadd.s32 v6, v5  }
0x6a: {  	s29 =	sadd.s32 $0x40, s29;
	[tilespmem:s26+$0x10] =	vst v5  }
0x6b: {  	[hbm4b:s5+s18] =	stream.indirect.scatter [tilespmem:s20], [sflag:$0x1], $0x1, s19, s18, $0xb8;
	[tilespmem:$0xD400] =	vst v63  }
0x6c: {  	_ =	swait.ge [sflag:s21], $0x1400  }
0x6d: {  	[sflag:s21] =	ssyncset.done $0x0  }
0x6e: {  	[sflag:s21] =	ssyncadd.s32 $0xFFFFEC00  }
.LBB2_9:
0x6f: {  	s25 =	simm.s32 $0x4040  }
0x70: {  	[tilespmem:s25+$0xFFFFFFC0] =	vst v2  }
0x71: {  	[tilespmem:s25+$0x30] =	vst v2  }
0x72: {  	[tilespmem:s25+$0x20] =	vst v2  }
0x73: {  	[tilespmem:s25+$0x10] =	vst v2  }
0x74: {  	[tilespmem:s25+$0x0] =	vst v2  }
0x75: {  	[tilespmem:s25+$0xFFFFFFF0] =	vst v2  }
0x76: {  	s26 =	simm.s32 $0x0;
	[tilespmem:s25+$0xFFFFFFE0] =	vst v2  }
.LBB2_10:
0x77: {  	s26 =	sadd.s32 $0x8, s26;
	[tilespmem:s25+$0xFFFFFFD0] =	vst v2;
	s25 =	sadd.s32 $0x80, s25  }
0x78: {  	[tilespmem:s25+$0xFFFFFFC0] =	vst v2;
	p1 =	slt.u32 s26, $0x3F8  }
0x79: {  	[tilespmem:s25+$0x30] =	vst v2  }
.Ltmp4:
0x7a: {  	[tilespmem:s25+$0x20] =	vst v2;
	(pc) =	sbr.rel @p1 .LBB2_10-.Ltmp4, $4  }
0x7b: {  	[tilespmem:s25+$0x10] =	vst v2  }
0x7c: {  	[tilespmem:s25+$0x0] =	vst v2  }
0x7d: {  	[tilespmem:s25+$0xFFFFFFF0] =	vst v2  }
0x7e: {  	[tilespmem:s25+$0xFFFFFFE0] =	vst v2  }
0x7f: {  	[tilespmem:s25+$0xFFFFFFD0] =	vst v2;
	s25 =	simm.s32 $0x0  }
0x80: {  	[tilespmem:s22], [sflag:$0x2] =	stream.linear.gather [hbm4b:s6+s25], $0x400, $0x38;
	[tilespmem:$0xD400] =	vst v63  }
0x81: {  	s26 =	simm.s32 $0xFFFFFFFC;
	_ =	swait.ge [sflag:s15], $0x400  }
0x82: {  	p1 =	por $0x0, $0x0;
	s28 =	simm.s32 $0x30;
	[sflag:s15] =	ssyncset.done $0x0  }
0x83: {  	s29 =	simm.s32 $0x0;
	s30 =	simm.s32 $0x0;
	[sflag:s15] =	ssyncadd.s32 $0xFFFFFC00  }
.LBB2_12:
0x84: {  	s31 =	simm.s32 $0x1  }
0x85: {  	s0 =	sadd.s32 $0xFFFFFFD0, s28;
	s4 =	sand.u32 $0x300, s29;
	s31 =	simm.s32 @!p1 $0x0  }
0x86: {  	s16 =	sand.u32 $0x40, s0;
	s4 =	sor.u32 $0x8000, s4;
	s31 =	sshll.u32 s31, $0x6  }
0x87: {  	s16 =	sor.u32 s16, s4;
	s31 =	sadd.s32 s31, s29  }
0x88: {  	v5 =	vld [tilespmem:s16+$0x0];
	s31 =	sor.u32 $0x80, s31  }
0x89: {  	v6 =	vld [tilespmem:s31+$0x8000];
	_ =	sdelay $0x3  }
0x8a: {  	v7 =	vmov s0  }
0x8b: {  	vm0 =	vlt.u32 v7, v4;
	v7 =	vshrl.u32 v5, $0x4;
	v6 =	vshll.u32 v6, $0x5  }
0x8c: {  	v6 =	vadd.s32 v7, v6;
	_ =	sdelay $0x1  }
0x8d: {  	s16 =	sand.u32 $0x7, s30  }
0x8e: {  	s0 =	sshll.u32 s16, $0x4;
	s16 =	sadd.s32 $0xFFFFFFE0, s28;
	v5 =	vand.u32 $0xF, v5  }
0x8f: {  	s0 =	sadd.s32 s29, s0;
	s17 =	sand.u32 $0x50, s16;
	v5 =	vshll.u32 v3, v5  }
0x90: {  	s31 =	sor.u32 s17, s4;
	s17 =	sadd.s32 $0x10, s0;
	[tilespmem:v6+s23+$0x0] =	vst.idx.add.s32.msk vm0, v5  }
0x91: {  	s17 =	sor.u32 $0x80, s17;
	v5 =	vld [tilespmem:s31+$0x0]  }
0x92: {  	v6 =	vld [tilespmem:s17+$0x8000];
	_ =	sdelay $0x3  }
0x93: {  	v7 =	vmov s16  }
0x94: {  	vm13 =	vlt.u32 v7, v4;
	v6 =	vshll.u32 v6, $0x5;
	v7 =	vshrl.u32 v5, $0x4  }
0x95: {  	v6 =	vadd.s32 v7, v6;
	_ =	sdelay $0x1  }
0x96: {  	s17 =	sand.u32 $0x3, s25  }
0x97: {  	s16 =	sshll.u32 s17, $0x5;
	s17 =	sadd.s32 $0xFFFFFFF0, s28;
	v5 =	vand.u32 $0xF, v5  }
0x98: {  	s16 =	sadd.s32 s29, s16;
	s31 =	sand.u32 $0x60, s17;
	v5 =	vshll.u32 v3, v5  }
0x99: {  	s31 =	sor.u32 s31, s4;
	s16 =	sadd.s32 $0x20, s16;
	[tilespmem:v6+s23+$0x0] =	vst.idx.add.s32.msk vm13, v5  }
0x9a: {  	s16 =	sor.u32 $0x80, s16;
	v5 =	vld [tilespmem:s31+$0x0]  }
0x9b: {  	v6 =	vld [tilespmem:s16+$0x8000];
	_ =	sdelay $0x3  }
0x9c: {  	v7 =	vmov s17  }
0x9d: {  	vm14 =	vlt.u32 v7, v4;
	v6 =	vshll.u32 v6, $0x5;
	v7 =	vshrl.u32 v5, $0x4  }
0x9e: {  	v6 =	vadd.s32 v7, v6;
	_ =	sdelay $0x2  }
0x9f: {  	v5 =	vand.u32 $0xF, v5  }
0xa0: {  	s31 =	sand.u32 $0x70, s28;
	v5 =	vshll.u32 v3, v5  }
0xa1: {  	s0 =	sadd.s32 $0x30, s0;
	s4 =	sor.u32 s31, s4;
	[tilespmem:v6+s23+$0x0] =	vst.idx.add.s32.msk vm14, v5  }
0xa2: {  	s0 =	sor.u32 $0x80, s0;
	v5 =	vld [tilespmem:s4+$0x0]  }
0xa3: {  	v6 =	vld [tilespmem:s0+$0x8000];
	_ =	sdelay $0x3  }
0xa4: {  	v7 =	vmov s28  }
0xa5: {  	s26 =	sadd.s32 $0x4, s26;
	vm15 =	vlt.u32 v7, v4;
	v6 =	vshll.u32 v6, $0x5;
	v7 =	vshrl.u32 v5, $0x4  }
0xa6: {  	p2 =	slt.u32 s26, $0x1C;
	v6 =	vadd.s32 v7, v6  }
.Ltmp5:
0xa7: {  	_ = 	snop;
	(pc) =	sbr.rel @p2 .LBB2_12-.Ltmp5, $4  }
0xa8: {  	_ = 	snop  }
0xa9: {  	v5 =	vand.u32 $0xF, v5  }
0xaa: {  	p1 =	por !p1, !p1;
	s30 =	sadd.s32 $0x4, s30;
	v5 =	vshll.u32 v3, v5  }
0xab: {  	s25 =	sadd.s32 $0x2, s25;
	s29 =	sadd.s32 $0x80, s29;
	s28 =	sadd.s32 $0x40, s28;
	[tilespmem:v6+s23+$0x0] =	vst.idx.add.s32.msk vm15, v5  }
0xac: {  	[hbm4b:s7+s1] =	stream.linear.scatter [tilespmem:s23], [sflag:$0x2], $0x4000, $0x38;
	[tilespmem:$0xD400] =	vst v63  }
0xad: {  	_ =	swait.ge [sflag:s15], $0x4000  }
0xae: {  	[sflag:s15] =	ssyncset.done $0x0  }
0xaf: {  	s25 =	simm.s32 $0x4040;
	[sflag:s15] =	ssyncadd.s32 $0xFFFFC000  }
0xb0: {  	[tilespmem:s25+$0xFFFFFFC0] =	vst v2  }
0xb1: {  	[tilespmem:s25+$0x30] =	vst v2  }
0xb2: {  	[tilespmem:s25+$0x20] =	vst v2  }
0xb3: {  	[tilespmem:s25+$0x10] =	vst v2  }
0xb4: {  	[tilespmem:s25+$0x0] =	vst v2  }
0xb5: {  	[tilespmem:s25+$0xFFFFFFF0] =	vst v2  }
0xb6: {  	s26 =	simm.s32 $0x0;
	[tilespmem:s25+$0xFFFFFFE0] =	vst v2  }
.LBB2_14:
0xb7: {  	s26 =	sadd.s32 $0x8, s26;
	[tilespmem:s25+$0xFFFFFFD0] =	vst v2;
	s25 =	sadd.s32 $0x80, s25  }
0xb8: {  	[tilespmem:s25+$0xFFFFFFC0] =	vst v2;
	p1 =	slt.u32 s26, $0x3F8  }
0xb9: {  	[tilespmem:s25+$0x30] =	vst v2  }
.Ltmp6:
0xba: {  	[tilespmem:s25+$0x20] =	vst v2;
	(pc) =	sbr.rel @p1 .LBB2_14-.Ltmp6, $4  }
0xbb: {  	[tilespmem:s25+$0x10] =	vst v2  }
0xbc: {  	[tilespmem:s25+$0x0] =	vst v2  }
0xbd: {  	[tilespmem:s25+$0xFFFFFFF0] =	vst v2  }
0xbe: {  	[tilespmem:s25+$0xFFFFFFE0] =	vst v2  }
0xbf: {  	[tilespmem:s25+$0xFFFFFFD0] =	vst v2;
	s25 =	simm.s32 $0x0  }
0xc0: {  	[tilespmem:s22], [sflag:$0x2] =	stream.linear.gather [hbm4b:s8+s25], $0x400, $0x38;
	[tilespmem:$0xD400] =	vst v63  }
0xc1: {  	s26 =	simm.s32 $0xFFFFFFFC;
	_ =	swait.ge [sflag:s15], $0x400  }
0xc2: {  	p1 =	por $0x0, $0x0;
	s28 =	simm.s32 $0x30;
	[sflag:s15] =	ssyncset.done $0x0  }
0xc3: {  	s29 =	simm.s32 $0x0;
	s30 =	simm.s32 $0x0;
	[sflag:s15] =	ssyncadd.s32 $0xFFFFFC00  }
.LBB2_16:
0xc4: {  	s0 =	simm.s32 $0x1  }
0xc5: {  	s4 =	sadd.s32 $0xFFFFFFD0, s28;
	s16 =	sand.u32 $0x300, s29;
	s0 =	simm.s32 @!p1 $0x0  }
0xc6: {  	s17 =	sand.u32 $0x40, s4;
	s16 =	sor.u32 $0x8000, s16;
	s0 =	sshll.u32 s0, $0x6  }
0xc7: {  	s17 =	sor.u32 s17, s16;
	s0 =	sadd.s32 s0, s29  }
0xc8: {  	v5 =	vld [tilespmem:s17+$0x0];
	s0 =	sor.u32 $0x80, s0  }
0xc9: {  	v6 =	vld [tilespmem:s0+$0x8000];
	_ =	sdelay $0x3  }
0xca: {  	v7 =	vmov s4  }
0xcb: {  	vm0 =	vlt.u32 v7, v4;
	v7 =	vshrl.u32 v5, $0x4;
	v6 =	vshll.u32 v6, $0x5  }
0xcc: {  	v6 =	vadd.s32 v7, v6;
	_ =	sdelay $0x1  }
0xcd: {  	s17 =	sand.u32 $0x7, s30  }
0xce: {  	s4 =	sadd.s32 $0xFFFFFFE0, s28;
	s0 =	sshll.u32 s17, $0x4;
	v5 =	vand.u32 $0xF, v5  }
0xcf: {  	s31 =	sand.u32 $0x50, s4;
	s0 =	sadd.s32 s29, s0;
	v5 =	vshll.u32 v3, v5  }
0xd0: {  	s17 =	sor.u32 s31, s16;
	s31 =	sadd.s32 $0x10, s0;
	[tilespmem:v6+s23+$0x0] =	vst.idx.add.s32.msk vm0, v5  }
0xd1: {  	s31 =	sor.u32 $0x80, s31;
	v5 =	vld [tilespmem:s17+$0x0]  }
0xd2: {  	v6 =	vld [tilespmem:s31+$0x8000];
	_ =	sdelay $0x3  }
0xd3: {  	v7 =	vmov s4  }
0xd4: {  	vm13 =	vlt.u32 v7, v4;
	v6 =	vshll.u32 v6, $0x5;
	v7 =	vshrl.u32 v5, $0x4  }
0xd5: {  	v6 =	vadd.s32 v7, v6;
	_ =	sdelay $0x1  }
0xd6: {  	s17 =	sand.u32 $0x3, s25  }
0xd7: {  	s4 =	sshll.u32 s17, $0x5;
	s17 =	sadd.s32 $0xFFFFFFF0, s28;
	v5 =	vand.u32 $0xF, v5  }
0xd8: {  	s4 =	sadd.s32 s29, s4;
	s31 =	sand.u32 $0x60, s17;
	v5 =	vshll.u32 v3, v5  }
0xd9: {  	s31 =	sor.u32 s31, s16;
	s4 =	sadd.s32 $0x20, s4;
	[tilespmem:v6+s23+$0x0] =	vst.idx.add.s32.msk vm13, v5  }
0xda: {  	s4 =	sor.u32 $0x80, s4;
	v5 =	vld [tilespmem:s31+$0x0]  }
0xdb: {  	v6 =	vld [tilespmem:s4+$0x8000];
	_ =	sdelay $0x3  }
0xdc: {  	v7 =	vmov s17  }
0xdd: {  	vm14 =	vlt.u32 v7, v4;
	v6 =	vshll.u32 v6, $0x5;
	v7 =	vshrl.u32 v5, $0x4  }
0xde: {  	v6 =	vadd.s32 v7, v6;
	_ =	sdelay $0x2  }
0xdf: {  	v5 =	vand.u32 $0xF, v5  }
0xe0: {  	s31 =	sand.u32 $0x70, s28;
	v5 =	vshll.u32 v3, v5  }
0xe1: {  	s0 =	sadd.s32 $0x30, s0;
	s4 =	sor.u32 s31, s16;
	[tilespmem:v6+s23+$0x0] =	vst.idx.add.s32.msk vm14, v5  }
0xe2: {  	s0 =	sor.u32 $0x80, s0;
	v5 =	vld [tilespmem:s4+$0x0]  }
0xe3: {  	v6 =	vld [tilespmem:s0+$0x8000];
	_ =	sdelay $0x3  }
0xe4: {  	v7 =	vmov s28  }
0xe5: {  	s26 =	sadd.s32 $0x4, s26;
	vm15 =	vlt.u32 v7, v4;
	v6 =	vshll.u32 v6, $0x5;
	v7 =	vshrl.u32 v5, $0x4  }
0xe6: {  	p2 =	slt.u32 s26, $0x1C;
	v6 =	vadd.s32 v7, v6  }
.Ltmp7:
0xe7: {  	_ = 	snop;
	(pc) =	sbr.rel @p2 .LBB2_16-.Ltmp7, $4  }
0xe8: {  	_ = 	snop  }
0xe9: {  	v5 =	vand.u32 $0xF, v5  }
0xea: {  	p1 =	por !p1, !p1;
	s30 =	sadd.s32 $0x4, s30;
	v5 =	vshll.u32 v3, v5  }
0xeb: {  	s25 =	sadd.s32 $0x2, s25;
	s29 =	sadd.s32 $0x80, s29;
	s28 =	sadd.s32 $0x40, s28;
	[tilespmem:v6+s23+$0x0] =	vst.idx.add.s32.msk vm15, v5  }
0xec: {  	[hbm4b:s9+s1] =	stream.linear.scatter [tilespmem:s23], [sflag:$0x2], $0x4000, $0x38;
	[tilespmem:$0xD400] =	vst v63  }
0xed: {  	_ =	swait.ge [sflag:s15], $0x4000  }
0xee: {  	[sflag:s15] =	ssyncset.done $0x0  }
0xef: {  	s25 =	simm.s32 $0x4040;
	[sflag:s15] =	ssyncadd.s32 $0xFFFFC000  }
0xf0: {  	[tilespmem:s25+$0xFFFFFFC0] =	vst v2  }
0xf1: {  	[tilespmem:s25+$0x30] =	vst v2  }
0xf2: {  	[tilespmem:s25+$0x20] =	vst v2  }
0xf3: {  	[tilespmem:s25+$0x10] =	vst v2  }
0xf4: {  	[tilespmem:s25+$0x0] =	vst v2  }
0xf5: {  	[tilespmem:s25+$0xFFFFFFF0] =	vst v2  }
0xf6: {  	s26 =	simm.s32 $0x0;
	[tilespmem:s25+$0xFFFFFFE0] =	vst v2  }
.LBB2_18:
0xf7: {  	s26 =	sadd.s32 $0x8, s26;
	[tilespmem:s25+$0xFFFFFFD0] =	vst v2;
	s25 =	sadd.s32 $0x80, s25  }
0xf8: {  	[tilespmem:s25+$0xFFFFFFC0] =	vst v2;
	p1 =	slt.u32 s26, $0x3F8  }
0xf9: {  	[tilespmem:s25+$0x30] =	vst v2  }
.Ltmp8:
0xfa: {  	[tilespmem:s25+$0x20] =	vst v2;
	(pc) =	sbr.rel @p1 .LBB2_18-.Ltmp8, $4  }
0xfb: {  	[tilespmem:s25+$0x10] =	vst v2  }
0xfc: {  	[tilespmem:s25+$0x0] =	vst v2  }
0xfd: {  	[tilespmem:s25+$0xFFFFFFF0] =	vst v2  }
0xfe: {  	[tilespmem:s25+$0xFFFFFFE0] =	vst v2  }
0xff: {  	[tilespmem:s25+$0xFFFFFFD0] =	vst v2;
	s25 =	simm.s32 $0x0  }
0x100: {  	[tilespmem:s22], [sflag:$0x2] =	stream.linear.gather [hbm4b:s10+s25], $0x400, $0x38;
	[tilespmem:$0xD400] =	vst v63  }
0x101: {  	s26 =	simm.s32 $0xFFFFFFFC;
	_ =	swait.ge [sflag:s15], $0x400  }
0x102: {  	p1 =	por $0x0, $0x0;
	s28 =	simm.s32 $0x30;
	[sflag:s15] =	ssyncset.done $0x0  }
0x103: {  	s29 =	simm.s32 $0x0;
	s30 =	simm.s32 $0x0;
	[sflag:s15] =	ssyncadd.s32 $0xFFFFFC00  }
.LBB2_20:
0x104: {  	s0 =	simm.s32 $0x1  }
0x105: {  	s4 =	sadd.s32 $0xFFFFFFD0, s28;
	s16 =	sand.u32 $0x300, s29;
	s0 =	simm.s32 @!p1 $0x0  }
0x106: {  	s17 =	sand.u32 $0x40, s4;
	s16 =	sor.u32 $0x8000, s16;
	s0 =	sshll.u32 s0, $0x6  }
0x107: {  	s17 =	sor.u32 s17, s16;
	s0 =	sadd.s32 s0, s29  }
0x108: {  	v5 =	vld [tilespmem:s17+$0x0];
	s0 =	sor.u32 $0x80, s0  }
0x109: {  	v6 =	vld [tilespmem:s0+$0x8000];
	_ =	sdelay $0x3  }
0x10a: {  	v7 =	vmov s4  }
0x10b: {  	vm0 =	vlt.u32 v7, v4;
	v7 =	vshrl.u32 v5, $0x4;
	v6 =	vshll.u32 v6, $0x5  }
0x10c: {  	v6 =	vadd.s32 v7, v6;
	_ =	sdelay $0x1  }
0x10d: {  	s17 =	sand.u32 $0x7, s30  }
0x10e: {  	s4 =	sadd.s32 $0xFFFFFFE0, s28;
	s0 =	sshll.u32 s17, $0x4;
	v5 =	vand.u32 $0xF, v5  }
0x10f: {  	s31 =	sand.u32 $0x50, s4;
	s0 =	sadd.s32 s29, s0;
	v5 =	vshll.u32 v3, v5  }
0x110: {  	s17 =	sor.u32 s31, s16;
	s31 =	sadd.s32 $0x10, s0;
	[tilespmem:v6+s23+$0x0] =	vst.idx.add.s32.msk vm0, v5  }
0x111: {  	s31 =	sor.u32 $0x80, s31;
	v5 =	vld [tilespmem:s17+$0x0]  }
0x112: {  	v6 =	vld [tilespmem:s31+$0x8000];
	_ =	sdelay $0x3  }
0x113: {  	v7 =	vmov s4  }
0x114: {  	vm13 =	vlt.u32 v7, v4;
	v6 =	vshll.u32 v6, $0x5;
	v7 =	vshrl.u32 v5, $0x4  }
0x115: {  	v6 =	vadd.s32 v7, v6;
	_ =	sdelay $0x1  }
0x116: {  	s17 =	sand.u32 $0x3, s25  }
0x117: {  	s4 =	sshll.u32 s17, $0x5;
	s17 =	sadd.s32 $0xFFFFFFF0, s28;
	v5 =	vand.u32 $0xF, v5  }
0x118: {  	s4 =	sadd.s32 s29, s4;
	s31 =	sand.u32 $0x60, s17;
	v5 =	vshll.u32 v3, v5  }
0x119: {  	s31 =	sor.u32 s31, s16;
	s4 =	sadd.s32 $0x20, s4;
	[tilespmem:v6+s23+$0x0] =	vst.idx.add.s32.msk vm13, v5  }
0x11a: {  	s4 =	sor.u32 $0x80, s4;
	v5 =	vld [tilespmem:s31+$0x0]  }
0x11b: {  	v6 =	vld [tilespmem:s4+$0x8000];
	_ =	sdelay $0x3  }
0x11c: {  	v7 =	vmov s17  }
0x11d: {  	vm14 =	vlt.u32 v7, v4;
	v6 =	vshll.u32 v6, $0x5;
	v7 =	vshrl.u32 v5, $0x4  }
0x11e: {  	v6 =	vadd.s32 v7, v6;
	_ =	sdelay $0x2  }
0x11f: {  	v5 =	vand.u32 $0xF, v5  }
0x120: {  	s31 =	sand.u32 $0x70, s28;
	v5 =	vshll.u32 v3, v5  }
0x121: {  	s0 =	sadd.s32 $0x30, s0;
	s4 =	sor.u32 s31, s16;
	[tilespmem:v6+s23+$0x0] =	vst.idx.add.s32.msk vm14, v5  }
0x122: {  	s0 =	sor.u32 $0x80, s0;
	v5 =	vld [tilespmem:s4+$0x0]  }
0x123: {  	v6 =	vld [tilespmem:s0+$0x8000];
	_ =	sdelay $0x3  }
0x124: {  	v7 =	vmov s28  }
0x125: {  	s26 =	sadd.s32 $0x4, s26;
	vm15 =	vlt.u32 v7, v4;
	v6 =	vshll.u32 v6, $0x5;
	v7 =	vshrl.u32 v5, $0x4  }
0x126: {  	p2 =	slt.u32 s26, $0x1C;
	v6 =	vadd.s32 v7, v6  }
.Ltmp9:
0x127: {  	_ = 	snop;
	(pc) =	sbr.rel @p2 .LBB2_20-.Ltmp9, $4  }
0x128: {  	_ = 	snop  }
0x129: {  	v5 =	vand.u32 $0xF, v5  }
0x12a: {  	p1 =	por !p1, !p1;
	s30 =	sadd.s32 $0x4, s30;
	v5 =	vshll.u32 v3, v5  }
0x12b: {  	s25 =	sadd.s32 $0x2, s25;
	s29 =	sadd.s32 $0x80, s29;
	s28 =	sadd.s32 $0x40, s28;
	[tilespmem:v6+s23+$0x0] =	vst.idx.add.s32.msk vm15, v5  }
0x12c: {  	[hbm4b:s11+s1] =	stream.linear.scatter [tilespmem:s23], [sflag:$0x2], $0x4000, $0x38;
	[tilespmem:$0xD400] =	vst v63  }
0x12d: {  	_ =	swait.ge [sflag:s15], $0x4000  }
0x12e: {  	[sflag:s15] =	ssyncset.done $0x0  }
0x12f: {  	s25 =	simm.s32 $0x4040;
	[sflag:s15] =	ssyncadd.s32 $0xFFFFC000  }
0x130: {  	[tilespmem:s25+$0xFFFFFFC0] =	vst v2  }
0x131: {  	[tilespmem:s25+$0x30] =	vst v2  }
0x132: {  	[tilespmem:s25+$0x20] =	vst v2  }
0x133: {  	[tilespmem:s25+$0x10] =	vst v2  }
0x134: {  	[tilespmem:s25+$0x0] =	vst v2  }
0x135: {  	[tilespmem:s25+$0xFFFFFFF0] =	vst v2  }
0x136: {  	s26 =	simm.s32 $0x0;
	[tilespmem:s25+$0xFFFFFFE0] =	vst v2  }
.LBB2_22:
0x137: {  	s26 =	sadd.s32 $0x8, s26;
	[tilespmem:s25+$0xFFFFFFD0] =	vst v2;
	s25 =	sadd.s32 $0x80, s25  }
0x138: {  	[tilespmem:s25+$0xFFFFFFC0] =	vst v2;
	p1 =	slt.u32 s26, $0x3F8  }
0x139: {  	[tilespmem:s25+$0x30] =	vst v2  }
.Ltmp10:
0x13a: {  	[tilespmem:s25+$0x20] =	vst v2;
	(pc) =	sbr.rel @p1 .LBB2_22-.Ltmp10, $4  }
0x13b: {  	[tilespmem:s25+$0x10] =	vst v2  }
0x13c: {  	[tilespmem:s25+$0x0] =	vst v2  }
0x13d: {  	[tilespmem:s25+$0xFFFFFFF0] =	vst v2  }
0x13e: {  	[tilespmem:s25+$0xFFFFFFE0] =	vst v2  }
0x13f: {  	[tilespmem:s25+$0xFFFFFFD0] =	vst v2;
	s25 =	simm.s32 $0x0  }
0x140: {  	[tilespmem:s22], [sflag:$0x2] =	stream.linear.gather [hbm4b:s12+s25], $0x400, $0x38;
	[tilespmem:$0xD400] =	vst v63  }
0x141: {  	s26 =	simm.s32 $0xFFFFFFFC;
	_ =	swait.ge [sflag:s15], $0x400  }
0x142: {  	p1 =	por $0x0, $0x0;
	s28 =	simm.s32 $0x30;
	[sflag:s15] =	ssyncset.done $0x0  }
0x143: {  	s29 =	simm.s32 $0x0;
	s30 =	simm.s32 $0x0;
	[sflag:s15] =	ssyncadd.s32 $0xFFFFFC00  }
.LBB2_24:
0x144: {  	s0 =	simm.s32 $0x1  }
0x145: {  	s4 =	sadd.s32 $0xFFFFFFD0, s28;
	s16 =	sand.u32 $0x300, s29;
	s0 =	simm.s32 @!p1 $0x0  }
0x146: {  	s17 =	sand.u32 $0x40, s4;
	s16 =	sor.u32 $0x8000, s16;
	s0 =	sshll.u32 s0, $0x6  }
0x147: {  	s17 =	sor.u32 s17, s16;
	s0 =	sadd.s32 s0, s29  }
0x148: {  	v5 =	vld [tilespmem:s17+$0x0];
	s0 =	sor.u32 $0x80, s0  }
0x149: {  	v6 =	vld [tilespmem:s0+$0x8000];
	_ =	sdelay $0x3  }
0x14a: {  	v7 =	vmov s4  }
0x14b: {  	vm0 =	vlt.u32 v7, v4;
	v7 =	vshrl.u32 v5, $0x4;
	v6 =	vshll.u32 v6, $0x5  }
0x14c: {  	v6 =	vadd.s32 v7, v6;
	_ =	sdelay $0x1  }
0x14d: {  	s17 =	sand.u32 $0x7, s30  }
0x14e: {  	s4 =	sadd.s32 $0xFFFFFFE0, s28;
	s0 =	sshll.u32 s17, $0x4;
	v5 =	vand.u32 $0xF, v5  }
0x14f: {  	s31 =	sand.u32 $0x50, s4;
	s0 =	sadd.s32 s29, s0;
	v5 =	vshll.u32 v3, v5  }
0x150: {  	s17 =	sor.u32 s31, s16;
	s31 =	sadd.s32 $0x10, s0;
	[tilespmem:v6+s23+$0x0] =	vst.idx.add.s32.msk vm0, v5  }
0x151: {  	s31 =	sor.u32 $0x80, s31;
	v5 =	vld [tilespmem:s17+$0x0]  }
0x152: {  	v6 =	vld [tilespmem:s31+$0x8000];
	_ =	sdelay $0x3  }
0x153: {  	v7 =	vmov s4  }
0x154: {  	vm13 =	vlt.u32 v7, v4;
	v6 =	vshll.u32 v6, $0x5;
	v7 =	vshrl.u32 v5, $0x4  }
0x155: {  	v6 =	vadd.s32 v7, v6;
	_ =	sdelay $0x1  }
0x156: {  	s17 =	sand.u32 $0x3, s25  }
0x157: {  	s4 =	sshll.u32 s17, $0x5;
	s17 =	sadd.s32 $0xFFFFFFF0, s28;
	v5 =	vand.u32 $0xF, v5  }
0x158: {  	s4 =	sadd.s32 s29, s4;
	s31 =	sand.u32 $0x60, s17;
	v5 =	vshll.u32 v3, v5  }
0x159: {  	s31 =	sor.u32 s31, s16;
	s4 =	sadd.s32 $0x20, s4;
	[tilespmem:v6+s23+$0x0] =	vst.idx.add.s32.msk vm13, v5  }
0x15a: {  	s4 =	sor.u32 $0x80, s4;
	v5 =	vld [tilespmem:s31+$0x0]  }
0x15b: {  	v6 =	vld [tilespmem:s4+$0x8000];
	_ =	sdelay $0x3  }
0x15c: {  	v7 =	vmov s17  }
0x15d: {  	vm14 =	vlt.u32 v7, v4;
	v6 =	vshll.u32 v6, $0x5;
	v7 =	vshrl.u32 v5, $0x4  }
0x15e: {  	v6 =	vadd.s32 v7, v6;
	_ =	sdelay $0x2  }
0x15f: {  	v5 =	vand.u32 $0xF, v5  }
0x160: {  	s31 =	sand.u32 $0x70, s28;
	v5 =	vshll.u32 v3, v5  }
0x161: {  	s0 =	sadd.s32 $0x30, s0;
	s4 =	sor.u32 s31, s16;
	[tilespmem:v6+s23+$0x0] =	vst.idx.add.s32.msk vm14, v5  }
0x162: {  	s0 =	sor.u32 $0x80, s0;
	v5 =	vld [tilespmem:s4+$0x0]  }
0x163: {  	v6 =	vld [tilespmem:s0+$0x8000];
	_ =	sdelay $0x3  }
0x164: {  	v7 =	vmov s28  }
0x165: {  	s26 =	sadd.s32 $0x4, s26;
	vm15 =	vlt.u32 v7, v4;
	v6 =	vshll.u32 v6, $0x5;
	v7 =	vshrl.u32 v5, $0x4  }
0x166: {  	p2 =	slt.u32 s26, $0x1C;
	v6 =	vadd.s32 v7, v6  }
.Ltmp11:
0x167: {  	_ = 	snop;
	(pc) =	sbr.rel @p2 .LBB2_24-.Ltmp11, $4  }
0x168: {  	_ = 	snop  }
0x169: {  	v5 =	vand.u32 $0xF, v5  }
0x16a: {  	p1 =	por !p1, !p1;
	s30 =	sadd.s32 $0x4, s30;
	v5 =	vshll.u32 v3, v5  }
0x16b: {  	s25 =	sadd.s32 $0x2, s25;
	s29 =	sadd.s32 $0x80, s29;
	s28 =	sadd.s32 $0x40, s28;
	[tilespmem:v6+s23+$0x0] =	vst.idx.add.s32.msk vm15, v5  }
0x16c: {  	s24 =	sadd.s32 $0x1, s24  }
0x16d: {  	p1 =	sne.s32 s24, s14  }
.Ltmp12:
0x16e: {  	_ = 	snop;
	(pc) =	sbr.rel @p1 .LBB2_1-.Ltmp12, $4  }
0x16f: {  	[hbm4b:s13+s1] =	stream.linear.scatter [tilespmem:s23], [sflag:$0x2], $0x4000, $0x38;
	[tilespmem:$0xD400] =	vst v63  }
0x170: {  	_ =	swait.ge [sflag:s15], $0x4000  }
0x171: {  	[sflag:s15] =	ssyncset.done $0x0  }
0x172: {  	[sflag:s15] =	ssyncadd.s32 $0xFFFFC000  }
0x173: {  	_ =	sfence.sel $0x180000  }
0x174: {  	[bflag:$0x0] =	sbarrier.arrive $0xFFFF  }
0x175: {  	_ =	strace $0x90000047  }
0x176: {  	s0 =	stileid.u32;
	[bflag:$0x2] =	sbarrier.arrive $0xFFFF  }
0x177: {  	p0 =	sne.s32 s0, $0x0;
	s0 =	rddreg [dreg:$0x1]  }
0x178: {  	s0 =	sadd.s32 @!p0 $0x100000, s0  }
0x179: {  	[sflag:s0] =	ssyncadd.tile.s32 @!p0 $0x1;
	_ =	shalt  }
.Lfunc_end2:
_tile_overlayer_lowered:
.L_overlay_start_2:
0x17a: {  	(tag) =	ssettag $0x2  }
0x17b: {  	s0 =	rddreg [dreg:$0x0];
	s2 =	stileid.u32  }
0x17c: {  	s1 =	rddreg [dreg:$0x1];
	p0 =	sne.s32 s2, $0x0  }
0x17d: {  	s3 =	rddreg [dreg:$0x2];
	[bflag:$0x3] =	sbarrier.arrive $0xFFFF;
	s2 =	simm.s32 @!p0 $0x1C02  }
0x17e: {  	[timem:s3], [sflag:s2] =	dma.local @!p0 [hbm:s0], s1  }
0x17f: {  	s0 =	simm.s32 @!p0 $0x2  }
0x180: {  	_ =	swait.ge @!p0 [sflag:s0], s1  }
0x181: {  	s1 =	ssub.s32 @!p0 $0x0, s1;
	[sflag:s0] =	ssyncset.done @!p0 $0x0  }
0x182: {  	[sflag:s0] =	ssyncadd.s32 @!p0 s1  }
0x183: {  	[bflag:$0x3] =	sbarrier.arrive $0xFFFF  }
0x184: {  	_ =	shalt  }

</sc_bundles>
